<compile_context>
chip_gen: v7x
topology: tpu7x:2x2x1
jax: 0.10.2.dev20260603
libtpu: 0.0.44.dev20260713+nightly
codegen_flags: <defaults>
</compile_context>

<pallas_src>
import functools

import jax
import jax.numpy as jnp
from jax import lax
from jax.experimental import pallas as pl
from jax.experimental.pallas import tpu as pltpu
from jax.experimental.pallas import tpu_sc as plsc

N = 100000
DIMS = (16, 16, 32, 64)
COLS = (0, 16, 32, 64)
D_OUT = 128
NC, NS = 2, 16
NW = NC * NS
PER_W = 3200
CHUNK = 320
BLOCKS = (128, 128, 64)
NCH = PER_W // CHUNK
L16 = 16


def _body(cl_hbm, t0_hbm, t1_hbm, t2_hbm, t3_hbm, out_hbm,
          idx0, idx1, idx2, idx3,
          g00, g01, g02, g03, g10, g11, g12, g13,
          s_t0, s_t1, s_t2,
          gsem0, gsem1, wsem0, wsem1, ssem):
    sid = lax.axis_index("s")
    wid = sid * NC + lax.axis_index("c")
    base = wid * PER_W

    t2_stripe = t2_hbm.shape[0] // NS
    for h in range(2):
        r0 = sid * t2_stripe + h * 256
        pltpu.sync_copy(t2_hbm.at[pl.ds(r0, 256)], g02.at[pl.ds(0, 256)])
        pltpu.sync_copy(g02.at[pl.ds(0, 256)], s_t2.at[pl.ds(r0, 256)])
    @pl.when(sid == 0)
    def _():
        for h in range(2):
            pltpu.sync_copy(t1_hbm.at[pl.ds(h * 256, 256)], g00.at[pl.ds(0, 256)])
            pltpu.sync_copy(g00.at[pl.ds(0, 256)], s_t1.at[pl.ds(h * 256, 256)])
    @pl.when(sid == 1)
    def _():
        pltpu.sync_copy(t0_hbm, g00.at[pl.ds(0, 32)])
        pltpu.sync_copy(g00.at[pl.ds(0, 32)], s_t0)
    plsc.subcore_barrier()

    tables = (s_t0, s_t1, s_t2, t3_hbm)
    hbm_tables = (t0_hbm, t1_hbm, t2_hbm, t3_hbm)
    idxs = (idx0, idx1, idx2, idx3)
    gsets = ((g00, g01, g02, g03), (g10, g11, g12, g13))
    gsems = (gsem0, gsem1)
    wsems = (wsem0, wsem1)

    def load_idx(nrows):
        cps = [pltpu.async_copy(cl_hbm.at[pl.ds(l * N + base, nrows)],
                                idxs[l].at[pl.ds(0, nrows)], gsem0)
               for l in range(4)]
        for cp in cps:
            cp.wait()

        def step(j, _):
            for l in range(4):
                sl = pl.ds(j * L16, L16)
                idxs[l][sl] = idxs[l][sl] - 1
            return 0
        lax.fori_loop(0, nrows // L16, step, 0)

    def t3copies(c, s, blocks):
        out = []
        off = 0
        for bsz in blocks:
            out.append(pltpu.make_async_copy(
                t3_hbm.at[idx3.at[pl.ds(c * CHUNK + off, bsz)]],
                gsets[s][3].at[pl.ds(off, bsz)], gsems[s]))
            off += bsz
        return out

    def gfire(c, s, blocks):
        for cp in t3copies(c, s, blocks):
            cp.start()

    def gdrain(c, s, blocks):
        cps = []
        off = 0
        for bsz in blocks:
            for l in range(3):
                cps.append(pltpu.async_copy(
                    tables[l].at[idxs[l].at[pl.ds(c * CHUNK + off, bsz)]],
                    gsets[s][l].at[pl.ds(off, bsz)], ssem))
            off += bsz
        for cp in cps:
            cp.wait()
        for cp in t3copies(c, s, blocks):
            cp.wait()

    def wfire(c, s, blocks):
        tot = sum(blocks)
        return [pltpu.async_copy(
            gsets[s][l].at[pl.ds(0, tot)],
            out_hbm.at[pl.ds(base + c * CHUNK, tot),
                       pl.ds(COLS[l], DIMS[l])], wsems[s])
            for l in range(4)]

    @pl.when(wid < NW - 1)
    def _():
        load_idx(PER_W)
        gfire(0, 0, BLOCKS)
        gfire(1, 1, BLOCKS)

        def body(i, _):
            for k in range(2):
                c = 2 * i + k
                gdrain(c, k, BLOCKS)
                cps = wfire(c, k, BLOCKS)
                for cp in cps:
                    cp.wait()

                @pl.when(c + 2 < NCH)
                def _():
                    gfire(c + 2, k, BLOCKS)
            return 0
        lax.fori_loop(0, NCH // 2, body, 0)

    @pl.when(wid == NW - 1)
    def _():
        tail_blocks = (128, 32)
        load_idx(N - (NW - 1) * PER_W)
        gfire(0, 0, BLOCKS)
        gfire(1, 1, BLOCKS)
        gdrain(0, 0, BLOCKS)
        for cp in wfire(0, 0, BLOCKS):
            cp.wait()
        gfire(2, 0, tail_blocks)
        gdrain(1, 1, BLOCKS)
        for cp in wfire(1, 1, BLOCKS):
            cp.wait()
        gdrain(2, 0, tail_blocks)
        for cp in wfire(2, 0, tail_blocks):
            cp.wait()


_embed = functools.partial(
    pl.kernel,
    out_type=jax.ShapeDtypeStruct((N, D_OUT), jnp.float32),
    mesh=plsc.VectorSubcoreMesh(core_axis_name="c", subcore_axis_name="s",
                                num_cores=NC, num_subcores=NS),
    compiler_params=pltpu.CompilerParams(use_tc_tiling_on_sc=False),
    scratch_types=[
        pltpu.VMEM((PER_W,), jnp.int32),
        pltpu.VMEM((PER_W,), jnp.int32),
        pltpu.VMEM((PER_W,), jnp.int32),
        pltpu.VMEM((PER_W,), jnp.int32),
        pltpu.VMEM((CHUNK, DIMS[0]), jnp.float32),
        pltpu.VMEM((CHUNK, DIMS[1]), jnp.float32),
        pltpu.VMEM((CHUNK, DIMS[2]), jnp.float32),
        pltpu.VMEM((CHUNK, DIMS[3]), jnp.float32),
        pltpu.VMEM((CHUNK, DIMS[0]), jnp.float32),
        pltpu.VMEM((CHUNK, DIMS[1]), jnp.float32),
        pltpu.VMEM((CHUNK, DIMS[2]), jnp.float32),
        pltpu.VMEM((CHUNK, DIMS[3]), jnp.float32),
        pltpu.VMEM_SHARED((32, DIMS[0]), jnp.float32),
        pltpu.VMEM_SHARED((512, DIMS[1]), jnp.float32),
        pltpu.VMEM_SHARED((8192, DIMS[2]), jnp.float32),
        pltpu.SemaphoreType.DMA,
        pltpu.SemaphoreType.DMA,
        pltpu.SemaphoreType.DMA,
        pltpu.SemaphoreType.DMA,
        pltpu.SemaphoreType.DMA,
    ],
)(_body)


def kernel(code_levels, table0, table1, table2, table3):
    cl_t = code_levels.T.reshape(-1)
    return _embed(cl_t, table0, table1, table2, table3)

# --- scband reference (transcript-rebuilt; emitter-appended) ---
"""Pipeline reference for scband-hierarchical-embedding-69630009802952 (READ-ONLY COPY).

The authoritative reference and input builder live on the scoring server;
editing this copy changes nothing except your own understanding.
"""

import jax, jax.numpy as jnp
import numpy as np

CODE_NUM_IN_LEVELS = (32, 512, 8192, 100000)
CODE_DIMS = (16, 16, 32, 64)
NUM_CODES = 100000


def setup_inputs(seed: int = 0) -> dict:
    key = jax.random.key(seed)
    ks = jax.random.split(key, 2 * len(CODE_NUM_IN_LEVELS))
    # code_levels[:, l] holds 1-based indices into level-l table (module subtracts 1)
    cols = []
    for l, cn in enumerate(CODE_NUM_IN_LEVELS):
        cols.append(jax.random.randint(ks[l], (NUM_CODES,), 1, cn + 1, dtype=jnp.int32))
    code_levels = jnp.stack(cols, axis=1)
    # learned per-level embedding tables (nn.Embedding default init: N(0,1))
    inp = {"code_levels": code_levels}
    for l, (cn, cd) in enumerate(zip(CODE_NUM_IN_LEVELS, CODE_DIMS)):
        inp[f"table{l}"] = jax.random.normal(ks[len(CODE_NUM_IN_LEVELS) + l], (cn, cd), dtype=jnp.float32)
    return inp


def reference(code_levels, table0, table1, table2, table3):
    tables = [table0, table1, table2, table3]
    level_num = len(tables)
    embeddings = [jnp.take(tables[l], code_levels[:, l] - 1, axis=0) for l in range(level_num)]
    return jnp.concatenate(embeddings, axis=1)


if False:  # reference __main__ guard neutralized (emitter)
    out = reference(**setup_inputs())
    print(out.shape, out.dtype)

if __name__ == "__main__":
    import jax
    _d = setup_inputs()
    print(jax.jit(kernel)(*tuple(_d.values())))

</pallas_src>

<mosaic_0001>
#map = affine_map<(d0, d1) -> (0)>
#map1 = affine_map<(d0, d1) -> (0, 0)>
module attributes {stable_mosaic.version = 14 : i64} {
  func.func @_body(%arg0: i32, %arg1: i32, %arg2: memref<400000xi32, #tpu.memory_space<hbm>>, %arg3: memref<32x16xf32, #tpu.memory_space<hbm>>, %arg4: memref<512x16xf32, #tpu.memory_space<hbm>>, %arg5: memref<8192x32xf32, #tpu.memory_space<hbm>>, %arg6: memref<100000x64xf32, #tpu.memory_space<hbm>>, %arg7: memref<100000x128xf32, #tpu.memory_space<hbm>>, %arg8: memref<3200xi32, #tpu.memory_space<vmem>>, %arg9: memref<3200xi32, #tpu.memory_space<vmem>>, %arg10: memref<3200xi32, #tpu.memory_space<vmem>>, %arg11: memref<3200xi32, #tpu.memory_space<vmem>>, %arg12: memref<320x16xf32, #tpu.memory_space<vmem>>, %arg13: memref<320x16xf32, #tpu.memory_space<vmem>>, %arg14: memref<320x32xf32, #tpu.memory_space<vmem>>, %arg15: memref<320x64xf32, #tpu.memory_space<vmem>>, %arg16: memref<320x16xf32, #tpu.memory_space<vmem>>, %arg17: memref<320x16xf32, #tpu.memory_space<vmem>>, %arg18: memref<320x32xf32, #tpu.memory_space<vmem>>, %arg19: memref<320x64xf32, #tpu.memory_space<vmem>>, %arg20: memref<32x16xf32, #tpu.memory_space<vmem_shared>>, %arg21: memref<512x16xf32, #tpu.memory_space<vmem_shared>>, %arg22: memref<8192x32xf32, #tpu.memory_space<vmem_shared>>, %arg23: memref<!tpu.dma_semaphore, #tpu.memory_space<semaphore_mem>>, %arg24: memref<!tpu.dma_semaphore, #tpu.memory_space<semaphore_mem>>, %arg25: memref<!tpu.dma_semaphore, #tpu.memory_space<semaphore_mem>>, %arg26: memref<!tpu.dma_semaphore, #tpu.memory_space<semaphore_mem>>, %arg27: memref<!tpu.dma_semaphore, #tpu.memory_space<semaphore_mem>>) attributes {dimension_semantics = [#tpu.dimension_semantics<core_parallel>, #tpu.dimension_semantics<subcore_parallel>], iteration_bounds = array<i64: 2, 16>, scalar_prefetch = 0 : i64, scratch_operands = 20 : i64, tpu.core_type = #tpu.core_type<sc_vector_subcore>, window_params = [{transform_indices = #map}, {transform_indices = #map1}, {transform_indices = #map1}, {transform_indices = #map1}, {transform_indices = #map1}, {transform_indices = #map1}]} {
    %mul3A = arith.constant 2 : i32
    %mul3A_0 = arith.muli %arg1, %mul3A : i32
    %add3A = arith.addi %mul3A_0, %arg0 : i32
    %mul3A_1 = arith.constant 3200 : i32
    %mul3A_2 = arith.muli %add3A, %mul3A_1 : i32
    %mul3A_3 = arith.constant 512 : i32
    %mul3A_4 = arith.muli %arg1, %mul3A_3 : i32
    %add3A_5 = arith.constant 0 : i32
    %add3A_6 = arith.addi %mul3A_4, %add3A_5 : i32
    "tpu.region"() ({
      %run_scoped3A = tpu.sem_alloc : memref<!tpu.dma_semaphore, #tpu.memory_space<semaphore_mem>>
      %dma_start3A = arith.constant 0 : i32
      %dma_start3A_27 = arith.constant 0 : i32
      %dma_start3A_28 = tpu.memref_slice %arg14[%dma_start3A, %dma_start3A_27] : memref<320x32xf32, #tpu.memory_space<vmem>> -> memref<256x32xf32, #tpu.memory_space<vmem>>
      %dma_start3A_29 = arith.constant 0 : i32
      %dma_start3A_30 = tpu.memref_slice %arg5[%add3A_6, %dma_start3A_29] : memref<8192x32xf32, #tpu.memory_space<hbm>> -> memref<256x32xf32, #tpu.memory_space<hbm>>
      %dma_start3A_31 = arith.constant 0 : i32
      %dma_start3A_32 = arith.constant 0 : i32
      %dma_start3A_33 = tpu.memref_slice %arg14[%dma_start3A_31, %dma_start3A_32] : memref<320x32xf32, #tpu.memory_space<vmem>> -> memref<256x32xf32, #tpu.memory_space<vmem>>
      %dma_start3A_34 = arith.constant 0 : i32
      %dma_start3A_35 = tpu.memref_slice %arg5[%add3A_6, %dma_start3A_34] : memref<8192x32xf32, #tpu.memory_space<hbm>> -> memref<256x32xf32, #tpu.memory_space<hbm>>
      tpu.enqueue_dma source(%dma_start3A_35 : memref<256x32xf32, #tpu.memory_space<hbm>>) target(%dma_start3A_33 : memref<256x32xf32, #tpu.memory_space<vmem>>) target_semaphore(%run_scoped3A : memref<!tpu.dma_semaphore, #tpu.memory_space<semaphore_mem>>)
      %dma_wait3A = arith.constant 0 : i32
      %dma_wait3A_36 = arith.constant 0 : i32
      %dma_wait3A_37 = tpu.memref_slice %arg14[%dma_wait3A, %dma_wait3A_36] : memref<320x32xf32, #tpu.memory_space<vmem>> -> memref<256x32xf32, #tpu.memory_space<vmem>>
      %dma_wait3A_38 = arith.constant 0 : i32
      %dma_wait3A_39 = tpu.memref_slice %arg5[%add3A_6, %dma_wait3A_38] : memref<8192x32xf32, #tpu.memory_space<hbm>> -> memref<256x32xf32, #tpu.memory_space<hbm>>
      %dma_wait3A_40 = arith.constant 0 : i32
      %dma_wait3A_41 = arith.constant 0 : i32
      %dma_wait3A_42 = tpu.memref_slice %arg14[%dma_wait3A_40, %dma_wait3A_41] : memref<320x32xf32, #tpu.memory_space<vmem>> -> memref<256x32xf32, #tpu.memory_space<vmem>>
      %dma_wait3A_43 = arith.constant 0 : i32
      %dma_wait3A_44 = tpu.memref_slice %arg5[%add3A_6, %dma_wait3A_43] : memref<8192x32xf32, #tpu.memory_space<hbm>> -> memref<256x32xf32, #tpu.memory_space<hbm>>
      tpu.wait_dma2 semaphore(%run_scoped3A : memref<!tpu.dma_semaphore, #tpu.memory_space<semaphore_mem>>) src(%dma_wait3A_44 : memref<256x32xf32, #tpu.memory_space<hbm>>) dst(%dma_wait3A_42 : memref<256x32xf32, #tpu.memory_space<vmem>>)
      tpu.yield
    }) : () -> ()
    "tpu.region"() ({
      %run_scoped3A = tpu.sem_alloc : memref<!tpu.dma_semaphore, #tpu.memory_space<semaphore_mem>>
      %dma_start3A = arith.constant 0 : i32
      %dma_start3A_27 = arith.constant 0 : i32
      %dma_start3A_28 = tpu.memref_slice %arg14[%dma_start3A, %dma_start3A_27] : memref<320x32xf32, #tpu.memory_space<vmem>> -> memref<256x32xf32, #tpu.memory_space<vmem>>
      %dma_start3A_29 = arith.constant 0 : i32
      %dma_start3A_30 = tpu.memref_slice %arg22[%add3A_6, %dma_start3A_29] : memref<8192x32xf32, #tpu.memory_space<vmem_shared>> -> memref<256x32xf32, #tpu.memory_space<vmem_shared>>
      %dma_start3A_31 = arith.constant 0 : i32
      %dma_start3A_32 = tpu.memref_slice %arg22[%add3A_6, %dma_start3A_31] : memref<8192x32xf32, #tpu.memory_space<vmem_shared>> -> memref<256x32xf32, #tpu.memory_space<vmem_shared>>
      %dma_start3A_33 = arith.constant 0 : i32
      %dma_start3A_34 = arith.constant 0 : i32
      %dma_start3A_35 = tpu.memref_slice %arg14[%dma_start3A_33, %dma_start3A_34] : memref<320x32xf32, #tpu.memory_space<vmem>> -> memref<256x32xf32, #tpu.memory_space<vmem>>
      tpu.enqueue_dma source(%dma_start3A_35 : memref<256x32xf32, #tpu.memory_space<vmem>>) target(%dma_start3A_32 : memref<256x32xf32, #tpu.memory_space<vmem_shared>>) target_semaphore(%run_scoped3A : memref<!tpu.dma_semaphore, #tpu.memory_space<semaphore_mem>>)
      %dma_wait3A = arith.constant 0 : i32
      %dma_wait3A_36 = arith.constant 0 : i32
      %dma_wait3A_37 = tpu.memref_slice %arg14[%dma_wait3A, %dma_wait3A_36] : memref<320x32xf32, #tpu.memory_space<vmem>> -> memref<256x32xf32, #tpu.memory_space<vmem>>
      %dma_wait3A_38 = arith.constant 0 : i32
      %dma_wait3A_39 = tpu.memref_slice %arg22[%add3A_6, %dma_wait3A_38] : memref<8192x32xf32, #tpu.memory_space<vmem_shared>> -> memref<256x32xf32, #tpu.memory_space<vmem_shared>>
      %dma_wait3A_40 = arith.constant 0 : i32
      %dma_wait3A_41 = tpu.memref_slice %arg22[%add3A_6, %dma_wait3A_40] : memref<8192x32xf32, #tpu.memory_space<vmem_shared>> -> memref<256x32xf32, #tpu.memory_space<vmem_shared>>
      %dma_wait3A_42 = arith.constant 0 : i32
      %dma_wait3A_43 = arith.constant 0 : i32
      %dma_wait3A_44 = tpu.memref_slice %arg14[%dma_wait3A_42, %dma_wait3A_43] : memref<320x32xf32, #tpu.memory_space<vmem>> -> memref<256x32xf32, #tpu.memory_space<vmem>>
      tpu.wait_dma2 semaphore(%run_scoped3A : memref<!tpu.dma_semaphore, #tpu.memory_space<semaphore_mem>>) src(%dma_wait3A_44 : memref<256x32xf32, #tpu.memory_space<vmem>>) dst(%dma_wait3A_41 : memref<256x32xf32, #tpu.memory_space<vmem_shared>>)
      tpu.yield
    }) : () -> ()
    %mul3A_7 = arith.constant 512 : i32
    %mul3A_8 = arith.muli %arg1, %mul3A_7 : i32
    %add3A_9 = arith.constant 256 : i32
    %add3A_10 = arith.addi %mul3A_8, %add3A_9 : i32
    "tpu.region"() ({
      %run_scoped3A = tpu.sem_alloc : memref<!tpu.dma_semaphore, #tpu.memory_space<semaphore_mem>>
      %dma_start3A = arith.constant 0 : i32
      %dma_start3A_27 = arith.constant 0 : i32
      %dma_start3A_28 = tpu.memref_slice %arg14[%dma_start3A, %dma_start3A_27] : memref<320x32xf32, #tpu.memory_space<vmem>> -> memref<256x32xf32, #tpu.memory_space<vmem>>
      %dma_start3A_29 = arith.constant 0 : i32
      %dma_start3A_30 = tpu.memref_slice %arg5[%add3A_10, %dma_start3A_29] : memref<8192x32xf32, #tpu.memory_space<hbm>> -> memref<256x32xf32, #tpu.memory_space<hbm>>
      %dma_start3A_31 = arith.constant 0 : i32
      %dma_start3A_32 = arith.constant 0 : i32
      %dma_start3A_33 = tpu.memref_slice %arg14[%dma_start3A_31, %dma_start3A_32] : memref<320x32xf32, #tpu.memory_space<vmem>> -> memref<256x32xf32, #tpu.memory_space<vmem>>
      %dma_start3A_34 = arith.constant 0 : i32
      %dma_start3A_35 = tpu.memref_slice %arg5[%add3A_10, %dma_start3A_34] : memref<8192x32xf32, #tpu.memory_space<hbm>> -> memref<256x32xf32, #tpu.memory_space<hbm>>
      tpu.enqueue_dma source(%dma_start3A_35 : memref<256x32xf32, #tpu.memory_space<hbm>>) target(%dma_start3A_33 : memref<256x32xf32, #tpu.memory_space<vmem>>) target_semaphore(%run_scoped3A : memref<!tpu.dma_semaphore, #tpu.memory_space<semaphore_mem>>)
      %dma_wait3A = arith.constant 0 : i32
      %dma_wait3A_36 = arith.constant 0 : i32
      %dma_wait3A_37 = tpu.memref_slice %arg14[%dma_wait3A, %dma_wait3A_36] : memref<320x32xf32, #tpu.memory_space<vmem>> -> memref<256x32xf32, #tpu.memory_space<vmem>>
      %dma_wait3A_38 = arith.constant 0 : i32
      %dma_wait3A_39 = tpu.memref_slice %arg5[%add3A_10, %dma_wait3A_38] : memref<8192x32xf32, #tpu.memory_space<hbm>> -> memref<256x32xf32, #tpu.memory_space<hbm>>
      %dma_wait3A_40 = arith.constant 0 : i32
      %dma_wait3A_41 = arith.constant 0 : i32
      %dma_wait3A_42 = tpu.memref_slice %arg14[%dma_wait3A_40, %dma_wait3A_41] : memref<320x32xf32, #tpu.memory_space<vmem>> -> memref<256x32xf32, #tpu.memory_space<vmem>>
      %dma_wait3A_43 = arith.constant 0 : i32
      %dma_wait3A_44 = tpu.memref_slice %arg5[%add3A_10, %dma_wait3A_43] : memref<8192x32xf32, #tpu.memory_space<hbm>> -> memref<256x32xf32, #tpu.memory_space<hbm>>
      tpu.wait_dma2 semaphore(%run_scoped3A : memref<!tpu.dma_semaphore, #tpu.memory_space<semaphore_mem>>) src(%dma_wait3A_44 : memref<256x32xf32, #tpu.memory_space<hbm>>) dst(%dma_wait3A_42 : memref<256x32xf32, #tpu.memory_space<vmem>>)
      tpu.yield
    }) : () -> ()
    "tpu.region"() ({
      %run_scoped3A = tpu.sem_alloc : memref<!tpu.dma_semaphore, #tpu.memory_space<semaphore_mem>>
      %dma_start3A = arith.constant 0 : i32
      %dma_start3A_27 = arith.constant 0 : i32
      %dma_start3A_28 = tpu.memref_slice %arg14[%dma_start3A, %dma_start3A_27] : memref<320x32xf32, #tpu.memory_space<vmem>> -> memref<256x32xf32, #tpu.memory_space<vmem>>
      %dma_start3A_29 = arith.constant 0 : i32
      %dma_start3A_30 = tpu.memref_slice %arg22[%add3A_10, %dma_start3A_29] : memref<8192x32xf32, #tpu.memory_space<vmem_shared>> -> memref<256x32xf32, #tpu.memory_space<vmem_shared>>
      %dma_start3A_31 = arith.constant 0 : i32
      %dma_start3A_32 = tpu.memref_slice %arg22[%add3A_10, %dma_start3A_31] : memref<8192x32xf32, #tpu.memory_space<vmem_shared>> -> memref<256x32xf32, #tpu.memory_space<vmem_shared>>
      %dma_start3A_33 = arith.constant 0 : i32
      %dma_start3A_34 = arith.constant 0 : i32
      %dma_start3A_35 = tpu.memref_slice %arg14[%dma_start3A_33, %dma_start3A_34] : memref<320x32xf32, #tpu.memory_space<vmem>> -> memref<256x32xf32, #tpu.memory_space<vmem>>
      tpu.enqueue_dma source(%dma_start3A_35 : memref<256x32xf32, #tpu.memory_space<vmem>>) target(%dma_start3A_32 : memref<256x32xf32, #tpu.memory_space<vmem_shared>>) target_semaphore(%run_scoped3A : memref<!tpu.dma_semaphore, #tpu.memory_space<semaphore_mem>>)
      %dma_wait3A = arith.constant 0 : i32
      %dma_wait3A_36 = arith.constant 0 : i32
      %dma_wait3A_37 = tpu.memref_slice %arg14[%dma_wait3A, %dma_wait3A_36] : memref<320x32xf32, #tpu.memory_space<vmem>> -> memref<256x32xf32, #tpu.memory_space<vmem>>
      %dma_wait3A_38 = arith.constant 0 : i32
      %dma_wait3A_39 = tpu.memref_slice %arg22[%add3A_10, %dma_wait3A_38] : memref<8192x32xf32, #tpu.memory_space<vmem_shared>> -> memref<256x32xf32, #tpu.memory_space<vmem_shared>>
      %dma_wait3A_40 = arith.constant 0 : i32
      %dma_wait3A_41 = tpu.memref_slice %arg22[%add3A_10, %dma_wait3A_40] : memref<8192x32xf32, #tpu.memory_space<vmem_shared>> -> memref<256x32xf32, #tpu.memory_space<vmem_shared>>
      %dma_wait3A_42 = arith.constant 0 : i32
      %dma_wait3A_43 = arith.constant 0 : i32
      %dma_wait3A_44 = tpu.memref_slice %arg14[%dma_wait3A_42, %dma_wait3A_43] : memref<320x32xf32, #tpu.memory_space<vmem>> -> memref<256x32xf32, #tpu.memory_space<vmem>>
      tpu.wait_dma2 semaphore(%run_scoped3A : memref<!tpu.dma_semaphore, #tpu.memory_space<semaphore_mem>>) src(%dma_wait3A_44 : memref<256x32xf32, #tpu.memory_space<vmem>>) dst(%dma_wait3A_41 : memref<256x32xf32, #tpu.memory_space<vmem_shared>>)
      tpu.yield
    }) : () -> ()
    %eq3A = arith.constant 0 : i32
    %eq3A_11 = arith.cmpi eq, %arg1, %eq3A : i32
    %convert_element_type3A = arith.extui %eq3A_11 : i1 to i32
    %cond3A = arith.constant 0 : i32
    %cond3A_12 = arith.cmpi ne, %convert_element_type3A, %cond3A : i32
    scf.if %cond3A_12 {
      "tpu.region"() ({
        %run_scoped3A = tpu.sem_alloc : memref<!tpu.dma_semaphore, #tpu.memory_space<semaphore_mem>>
        %dma_start3A = arith.constant 0 : i32
        %dma_start3A_27 = arith.constant 0 : i32
        %dma_start3A_28 = tpu.memref_slice %arg12[%dma_start3A, %dma_start3A_27] : memref<320x16xf32, #tpu.memory_space<vmem>> -> memref<256x16xf32, #tpu.memory_space<vmem>>
        %dma_start3A_29 = arith.constant 0 : i32
        %dma_start3A_30 = arith.constant 0 : i32
        %dma_start3A_31 = tpu.memref_slice %arg4[%dma_start3A_29, %dma_start3A_30] : memref<512x16xf32, #tpu.memory_space<hbm>> -> memref<256x16xf32, #tpu.memory_space<hbm>>
        %dma_start3A_32 = arith.constant 0 : i32
        %dma_start3A_33 = arith.constant 0 : i32
        %dma_start3A_34 = tpu.memref_slice %arg12[%dma_start3A_32, %dma_start3A_33] : memref<320x16xf32, #tpu.memory_space<vmem>> -> memref<256x16xf32, #tpu.memory_space<vmem>>
        %dma_start3A_35 = arith.constant 0 : i32
        %dma_start3A_36 = arith.constant 0 : i32
        %dma_start3A_37 = tpu.memref_slice %arg4[%dma_start3A_35, %dma_start3A_36] : memref<512x16xf32, #tpu.memory_space<hbm>> -> memref<256x16xf32, #tpu.memory_space<hbm>>
        tpu.enqueue_dma source(%dma_start3A_37 : memref<256x16xf32, #tpu.memory_space<hbm>>) target(%dma_start3A_34 : memref<256x16xf32, #tpu.memory_space<vmem>>) target_semaphore(%run_scoped3A : memref<!tpu.dma_semaphore, #tpu.memory_space<semaphore_mem>>)
        %dma_wait3A = arith.constant 0 : i32
        %dma_wait3A_38 = arith.constant 0 : i32
        %dma_wait3A_39 = tpu.memref_slice %arg12[%dma_wait3A, %dma_wait3A_38] : memref<320x16xf32, #tpu.memory_space<vmem>> -> memref<256x16xf32, #tpu.memory_space<vmem>>
        %dma_wait3A_40 = arith.constant 0 : i32
        %dma_wait3A_41 = arith.constant 0 : i32
        %dma_wait3A_42 = tpu.memref_slice %arg4[%dma_wait3A_40, %dma_wait3A_41] : memref<512x16xf32, #tpu.memory_space<hbm>> -> memref<256x16xf32, #tpu.memory_space<hbm>>
        %dma_wait3A_43 = arith.constant 0 : i32
        %dma_wait3A_44 = arith.constant 0 : i32
        %dma_wait3A_45 = tpu.memref_slice %arg12[%dma_wait3A_43, %dma_wait3A_44] : memref<320x16xf32, #tpu.memory_space<vmem>> -> memref<256x16xf32, #tpu.memory_space<vmem>>
        %dma_wait3A_46 = arith.constant 0 : i32
        %dma_wait3A_47 = arith.constant 0 : i32
        %dma_wait3A_48 = tpu.memref_slice %arg4[%dma_wait3A_46, %dma_wait3A_47] : memref<512x16xf32, #tpu.memory_space<hbm>> -> memref<256x16xf32, #tpu.memory_space<hbm>>
        tpu.wait_dma2 semaphore(%run_scoped3A : memref<!tpu.dma_semaphore, #tpu.memory_space<semaphore_mem>>) src(%dma_wait3A_48 : memref<256x16xf32, #tpu.memory_space<hbm>>) dst(%dma_wait3A_45 : memref<256x16xf32, #tpu.memory_space<vmem>>)
        tpu.yield
      }) : () -> ()
      "tpu.region"() ({
        %run_scoped3A = tpu.sem_alloc : memref<!tpu.dma_semaphore, #tpu.memory_space<semaphore_mem>>
        %dma_start3A = arith.constant 0 : i32
        %dma_start3A_27 = arith.constant 0 : i32
        %dma_start3A_28 = tpu.memref_slice %arg12[%dma_start3A, %dma_start3A_27] : memref<320x16xf32, #tpu.memory_space<vmem>> -> memref<256x16xf32, #tpu.memory_space<vmem>>
        %dma_start3A_29 = arith.constant 0 : i32
        %dma_start3A_30 = arith.constant 0 : i32
        %dma_start3A_31 = tpu.memref_slice %arg21[%dma_start3A_29, %dma_start3A_30] : memref<512x16xf32, #tpu.memory_space<vmem_shared>> -> memref<256x16xf32, #tpu.memory_space<vmem_shared>>
        %dma_start3A_32 = arith.constant 0 : i32
        %dma_start3A_33 = arith.constant 0 : i32
        %dma_start3A_34 = tpu.memref_slice %arg21[%dma_start3A_32, %dma_start3A_33] : memref<512x16xf32, #tpu.memory_space<vmem_shared>> -> memref<256x16xf32, #tpu.memory_space<vmem_shared>>
        %dma_start3A_35 = arith.constant 0 : i32
        %dma_start3A_36 = arith.constant 0 : i32
        %dma_start3A_37 = tpu.memref_slice %arg12[%dma_start3A_35, %dma_start3A_36] : memref<320x16xf32, #tpu.memory_space<vmem>> -> memref<256x16xf32, #tpu.memory_space<vmem>>
        tpu.enqueue_dma source(%dma_start3A_37 : memref<256x16xf32, #tpu.memory_space<vmem>>) target(%dma_start3A_34 : memref<256x16xf32, #tpu.memory_space<vmem_shared>>) target_semaphore(%run_scoped3A : memref<!tpu.dma_semaphore, #tpu.memory_space<semaphore_mem>>)
        %dma_wait3A = arith.constant 0 : i32
        %dma_wait3A_38 = arith.constant 0 : i32
        %dma_wait3A_39 = tpu.memref_slice %arg12[%dma_wait3A, %dma_wait3A_38] : memref<320x16xf32, #tpu.memory_space<vmem>> -> memref<256x16xf32, #tpu.memory_space<vmem>>
        %dma_wait3A_40 = arith.constant 0 : i32
        %dma_wait3A_41 = arith.constant 0 : i32
        %dma_wait3A_42 = tpu.memref_slice %arg21[%dma_wait3A_40, %dma_wait3A_41] : memref<512x16xf32, #tpu.memory_space<vmem_shared>> -> memref<256x16xf32, #tpu.memory_space<vmem_shared>>
        %dma_wait3A_43 = arith.constant 0 : i32
        %dma_wait3A_44 = arith.constant 0 : i32
        %dma_wait3A_45 = tpu.memref_slice %arg21[%dma_wait3A_43, %dma_wait3A_44] : memref<512x16xf32, #tpu.memory_space<vmem_shared>> -> memref<256x16xf32, #tpu.memory_space<vmem_shared>>
        %dma_wait3A_46 = arith.constant 0 : i32
        %dma_wait3A_47 = arith.constant 0 : i32
        %dma_wait3A_48 = tpu.memref_slice %arg12[%dma_wait3A_46, %dma_wait3A_47] : memref<320x16xf32, #tpu.memory_space<vmem>> -> memref<256x16xf32, #tpu.memory_space<vmem>>
        tpu.wait_dma2 semaphore(%run_scoped3A : memref<!tpu.dma_semaphore, #tpu.memory_space<semaphore_mem>>) src(%dma_wait3A_48 : memref<256x16xf32, #tpu.memory_space<vmem>>) dst(%dma_wait3A_45 : memref<256x16xf32, #tpu.memory_space<vmem_shared>>)
        tpu.yield
      }) : () -> ()
      "tpu.region"() ({
        %run_scoped3A = tpu.sem_alloc : memref<!tpu.dma_semaphore, #tpu.memory_space<semaphore_mem>>
        %dma_start3A = arith.constant 0 : i32
        %dma_start3A_27 = arith.constant 0 : i32
        %dma_start3A_28 = tpu.memref_slice %arg12[%dma_start3A, %dma_start3A_27] : memref<320x16xf32, #tpu.memory_space<vmem>> -> memref<256x16xf32, #tpu.memory_space<vmem>>
        %dma_start3A_29 = arith.constant 256 : i32
        %dma_start3A_30 = arith.constant 0 : i32
        %dma_start3A_31 = tpu.memref_slice %arg4[%dma_start3A_29, %dma_start3A_30] : memref<512x16xf32, #tpu.memory_space<hbm>> -> memref<256x16xf32, #tpu.memory_space<hbm>>
        %dma_start3A_32 = arith.constant 0 : i32
        %dma_start3A_33 = arith.constant 0 : i32
        %dma_start3A_34 = tpu.memref_slice %arg12[%dma_start3A_32, %dma_start3A_33] : memref<320x16xf32, #tpu.memory_space<vmem>> -> memref<256x16xf32, #tpu.memory_space<vmem>>
        %dma_start3A_35 = arith.constant 256 : i32
        %dma_start3A_36 = arith.constant 0 : i32
        %dma_start3A_37 = tpu.memref_slice %arg4[%dma_start3A_35, %dma_start3A_36] : memref<512x16xf32, #tpu.memory_space<hbm>> -> memref<256x16xf32, #tpu.memory_space<hbm>>
        tpu.enqueue_dma source(%dma_start3A_37 : memref<256x16xf32, #tpu.memory_space<hbm>>) target(%dma_start3A_34 : memref<256x16xf32, #tpu.memory_space<vmem>>) target_semaphore(%run_scoped3A : memref<!tpu.dma_semaphore, #tpu.memory_space<semaphore_mem>>)
        %dma_wait3A = arith.constant 0 : i32
        %dma_wait3A_38 = arith.constant 0 : i32
        %dma_wait3A_39 = tpu.memref_slice %arg12[%dma_wait3A, %dma_wait3A_38] : memref<320x16xf32, #tpu.memory_space<vmem>> -> memref<256x16xf32, #tpu.memory_space<vmem>>
        %dma_wait3A_40 = arith.constant 256 : i32
        %dma_wait3A_41 = arith.constant 0 : i32
        %dma_wait3A_42 = tpu.memref_slice %arg4[%dma_wait3A_40, %dma_wait3A_41] : memref<512x16xf32, #tpu.memory_space<hbm>> -> memref<256x16xf32, #tpu.memory_space<hbm>>
        %dma_wait3A_43 = arith.constant 0 : i32
        %dma_wait3A_44 = arith.constant 0 : i32
        %dma_wait3A_45 = tpu.memref_slice %arg12[%dma_wait3A_43, %dma_wait3A_44] : memref<320x16xf32, #tpu.memory_space<vmem>> -> memref<256x16xf32, #tpu.memory_space<vmem>>
        %dma_wait3A_46 = arith.constant 256 : i32
        %dma_wait3A_47 = arith.constant 0 : i32
        %dma_wait3A_48 = tpu.memref_slice %arg4[%dma_wait3A_46, %dma_wait3A_47] : memref<512x16xf32, #tpu.memory_space<hbm>> -> memref<256x16xf32, #tpu.memory_space<hbm>>
        tpu.wait_dma2 semaphore(%run_scoped3A : memref<!tpu.dma_semaphore, #tpu.memory_space<semaphore_mem>>) src(%dma_wait3A_48 : memref<256x16xf32, #tpu.memory_space<hbm>>) dst(%dma_wait3A_45 : memref<256x16xf32, #tpu.memory_space<vmem>>)
        tpu.yield
      }) : () -> ()
      "tpu.region"() ({
        %run_scoped3A = tpu.sem_alloc : memref<!tpu.dma_semaphore, #tpu.memory_space<semaphore_mem>>
        %dma_start3A = arith.constant 0 : i32
        %dma_start3A_27 = arith.constant 0 : i32
        %dma_start3A_28 = tpu.memref_slice %arg12[%dma_start3A, %dma_start3A_27] : memref<320x16xf32, #tpu.memory_space<vmem>> -> memref<256x16xf32, #tpu.memory_space<vmem>>
        %dma_start3A_29 = arith.constant 256 : i32
        %dma_start3A_30 = arith.constant 0 : i32
        %dma_start3A_31 = tpu.memref_slice %arg21[%dma_start3A_29, %dma_start3A_30] : memref<512x16xf32, #tpu.memory_space<vmem_shared>> -> memref<256x16xf32, #tpu.memory_space<vmem_shared>>
        %dma_start3A_32 = arith.constant 256 : i32
        %dma_start3A_33 = arith.constant 0 : i32
        %dma_start3A_34 = tpu.memref_slice %arg21[%dma_start3A_32, %dma_start3A_33] : memref<512x16xf32, #tpu.memory_space<vmem_shared>> -> memref<256x16xf32, #tpu.memory_space<vmem_shared>>
        %dma_start3A_35 = arith.constant 0 : i32
        %dma_start3A_36 = arith.constant 0 : i32
        %dma_start3A_37 = tpu.memref_slice %arg12[%dma_start3A_35, %dma_start3A_36] : memref<320x16xf32, #tpu.memory_space<vmem>> -> memref<256x16xf32, #tpu.memory_space<vmem>>
        tpu.enqueue_dma source(%dma_start3A_37 : memref<256x16xf32, #tpu.memory_space<vmem>>) target(%dma_start3A_34 : memref<256x16xf32, #tpu.memory_space<vmem_shared>>) target_semaphore(%run_scoped3A : memref<!tpu.dma_semaphore, #tpu.memory_space<semaphore_mem>>)
        %dma_wait3A = arith.constant 0 : i32
        %dma_wait3A_38 = arith.constant 0 : i32
        %dma_wait3A_39 = tpu.memref_slice %arg12[%dma_wait3A, %dma_wait3A_38] : memref<320x16xf32, #tpu.memory_space<vmem>> -> memref<256x16xf32, #tpu.memory_space<vmem>>
        %dma_wait3A_40 = arith.constant 256 : i32
        %dma_wait3A_41 = arith.constant 0 : i32
        %dma_wait3A_42 = tpu.memref_slice %arg21[%dma_wait3A_40, %dma_wait3A_41] : memref<512x16xf32, #tpu.memory_space<vmem_shared>> -> memref<256x16xf32, #tpu.memory_space<vmem_shared>>
        %dma_wait3A_43 = arith.constant 256 : i32
        %dma_wait3A_44 = arith.constant 0 : i32
        %dma_wait3A_45 = tpu.memref_slice %arg21[%dma_wait3A_43, %dma_wait3A_44] : memref<512x16xf32, #tpu.memory_space<vmem_shared>> -> memref<256x16xf32, #tpu.memory_space<vmem_shared>>
        %dma_wait3A_46 = arith.constant 0 : i32
        %dma_wait3A_47 = arith.constant 0 : i32
        %dma_wait3A_48 = tpu.memref_slice %arg12[%dma_wait3A_46, %dma_wait3A_47] : memref<320x16xf32, #tpu.memory_space<vmem>> -> memref<256x16xf32, #tpu.memory_space<vmem>>
        tpu.wait_dma2 semaphore(%run_scoped3A : memref<!tpu.dma_semaphore, #tpu.memory_space<semaphore_mem>>) src(%dma_wait3A_48 : memref<256x16xf32, #tpu.memory_space<vmem>>) dst(%dma_wait3A_45 : memref<256x16xf32, #tpu.memory_space<vmem_shared>>)
        tpu.yield
      }) : () -> ()
    } else {
    }
    %eq3A_13 = arith.constant 1 : i32
    %eq3A_14 = arith.cmpi eq, %arg1, %eq3A_13 : i32
    %convert_element_type3A_15 = arith.extui %eq3A_14 : i1 to i32
    %cond3A_16 = arith.constant 0 : i32
    %cond3A_17 = arith.cmpi ne, %convert_element_type3A_15, %cond3A_16 : i32
    scf.if %cond3A_17 {
      "tpu.region"() ({
        %run_scoped3A = tpu.sem_alloc : memref<!tpu.dma_semaphore, #tpu.memory_space<semaphore_mem>>
        %dma_start3A = arith.constant 0 : i32
        %dma_start3A_27 = arith.constant 0 : i32
        %dma_start3A_28 = tpu.memref_slice %arg12[%dma_start3A, %dma_start3A_27] : memref<320x16xf32, #tpu.memory_space<vmem>> -> memref<32x16xf32, #tpu.memory_space<vmem>>
        %dma_start3A_29 = arith.constant 0 : i32
        %dma_start3A_30 = arith.constant 0 : i32
        %dma_start3A_31 = tpu.memref_slice %arg12[%dma_start3A_29, %dma_start3A_30] : memref<320x16xf32, #tpu.memory_space<vmem>> -> memref<32x16xf32, #tpu.memory_space<vmem>>
        tpu.enqueue_dma source(%arg3 : memref<32x16xf32, #tpu.memory_space<hbm>>) target(%dma_start3A_31 : memref<32x16xf32, #tpu.memory_space<vmem>>) target_semaphore(%run_scoped3A : memref<!tpu.dma_semaphore, #tpu.memory_space<semaphore_mem>>)
        %dma_wait3A = arith.constant 0 : i32
        %dma_wait3A_32 = arith.constant 0 : i32
        %dma_wait3A_33 = tpu.memref_slice %arg12[%dma_wait3A, %dma_wait3A_32] : memref<320x16xf32, #tpu.memory_space<vmem>> -> memref<32x16xf32, #tpu.memory_space<vmem>>
        %dma_wait3A_34 = arith.constant 0 : i32
        %dma_wait3A_35 = arith.constant 0 : i32
        %dma_wait3A_36 = tpu.memref_slice %arg12[%dma_wait3A_34, %dma_wait3A_35] : memref<320x16xf32, #tpu.memory_space<vmem>> -> memref<32x16xf32, #tpu.memory_space<vmem>>
        tpu.wait_dma2 semaphore(%run_scoped3A : memref<!tpu.dma_semaphore, #tpu.memory_space<semaphore_mem>>) src(%arg3 : memref<32x16xf32, #tpu.memory_space<hbm>>) dst(%dma_wait3A_36 : memref<32x16xf32, #tpu.memory_space<vmem>>)
        tpu.yield
      }) : () -> ()
      "tpu.region"() ({
        %run_scoped3A = tpu.sem_alloc : memref<!tpu.dma_semaphore, #tpu.memory_space<semaphore_mem>>
        %dma_start3A = arith.constant 0 : i32
        %dma_start3A_27 = arith.constant 0 : i32
        %dma_start3A_28 = tpu.memref_slice %arg12[%dma_start3A, %dma_start3A_27] : memref<320x16xf32, #tpu.memory_space<vmem>> -> memref<32x16xf32, #tpu.memory_space<vmem>>
        %dma_start3A_29 = arith.constant 0 : i32
        %dma_start3A_30 = arith.constant 0 : i32
        %dma_start3A_31 = tpu.memref_slice %arg12[%dma_start3A_29, %dma_start3A_30] : memref<320x16xf32, #tpu.memory_space<vmem>> -> memref<32x16xf32, #tpu.memory_space<vmem>>
        tpu.enqueue_dma source(%dma_start3A_31 : memref<32x16xf32, #tpu.memory_space<vmem>>) target(%arg20 : memref<32x16xf32, #tpu.memory_space<vmem_shared>>) target_semaphore(%run_scoped3A : memref<!tpu.dma_semaphore, #tpu.memory_space<semaphore_mem>>)
        %dma_wait3A = arith.constant 0 : i32
        %dma_wait3A_32 = arith.constant 0 : i32
        %dma_wait3A_33 = tpu.memref_slice %arg12[%dma_wait3A, %dma_wait3A_32] : memref<320x16xf32, #tpu.memory_space<vmem>> -> memref<32x16xf32, #tpu.memory_space<vmem>>
        %dma_wait3A_34 = arith.constant 0 : i32
        %dma_wait3A_35 = arith.constant 0 : i32
        %dma_wait3A_36 = tpu.memref_slice %arg12[%dma_wait3A_34, %dma_wait3A_35] : memref<320x16xf32, #tpu.memory_space<vmem>> -> memref<32x16xf32, #tpu.memory_space<vmem>>
        tpu.wait_dma2 semaphore(%run_scoped3A : memref<!tpu.dma_semaphore, #tpu.memory_space<semaphore_mem>>) src(%dma_wait3A_36 : memref<32x16xf32, #tpu.memory_space<vmem>>) dst(%arg20 : memref<32x16xf32, #tpu.memory_space<vmem_shared>>)
        tpu.yield
      }) : () -> ()
    } else {
    }
    %barrier3A = arith.constant 0 : index
    tpu.barrier barrier_id(%barrier3A)
    %lt3A = arith.constant 31 : i32
    %lt3A_18 = arith.cmpi slt, %add3A, %lt3A : i32
    %convert_element_type3A_19 = arith.extui %lt3A_18 : i1 to i32
    %cond3A_20 = arith.constant 0 : i32
    %cond3A_21 = arith.cmpi ne, %convert_element_type3A_19, %cond3A_20 : i32
    scf.if %cond3A_21 {
      %add3A_27 = arith.constant 0 : i32
      %add3A_28 = arith.addi %add3A_27, %mul3A_2 : i32
      %dma_start3A = arith.constant 0 : i32
      %dma_start3A_29 = tpu.memref_slice %arg8[%dma_start3A] : memref<3200xi32, #tpu.memory_space<vmem>> -> memref<3200xi32, #tpu.memory_space<vmem>>
      %dma_start3A_30 = tpu.memref_slice %arg2[%add3A_28] : memref<400000xi32, #tpu.memory_space<hbm>> -> memref<3200xi32, #tpu.memory_space<hbm>>
      %dma_start3A_31 = arith.constant 0 : i32
      %dma_start3A_32 = tpu.memref_slice %arg8[%dma_start3A_31] : memref<3200xi32, #tpu.memory_space<vmem>> -> memref<3200xi32, #tpu.memory_space<vmem>>
      %dma_start3A_33 = tpu.memref_slice %arg2[%add3A_28] : memref<400000xi32, #tpu.memory_space<hbm>> -> memref<3200xi32, #tpu.memory_space<hbm>>
      tpu.enqueue_dma source(%dma_start3A_33 : memref<3200xi32, #tpu.memory_space<hbm>>) target(%dma_start3A_32 : memref<3200xi32, #tpu.memory_space<vmem>>) target_semaphore(%arg23 : memref<!tpu.dma_semaphore, #tpu.memory_space<semaphore_mem>>)
      %add3A_34 = arith.constant 100000 : i32
      %add3A_35 = arith.addi %add3A_34, %mul3A_2 : i32
      %dma_start3A_36 = arith.constant 0 : i32
      %dma_start3A_37 = tpu.memref_slice %arg9[%dma_start3A_36] : memref<3200xi32, #tpu.memory_space<vmem>> -> memref<3200xi32, #tpu.memory_space<vmem>>
      %dma_start3A_38 = tpu.memref_slice %arg2[%add3A_35] : memref<400000xi32, #tpu.memory_space<hbm>> -> memref<3200xi32, #tpu.memory_space<hbm>>
      %dma_start3A_39 = arith.constant 0 : i32
      %dma_start3A_40 = tpu.memref_slice %arg9[%dma_start3A_39] : memref<3200xi32, #tpu.memory_space<vmem>> -> memref<3200xi32, #tpu.memory_space<vmem>>
      %dma_start3A_41 = tpu.memref_slice %arg2[%add3A_35] : memref<400000xi32, #tpu.memory_space<hbm>> -> memref<3200xi32, #tpu.memory_space<hbm>>
      tpu.enqueue_dma source(%dma_start3A_41 : memref<3200xi32, #tpu.memory_space<hbm>>) target(%dma_start3A_40 : memref<3200xi32, #tpu.memory_space<vmem>>) target_semaphore(%arg23 : memref<!tpu.dma_semaphore, #tpu.memory_space<semaphore_mem>>)
      %add3A_42 = arith.constant 200000 : i32
      %add3A_43 = arith.addi %add3A_42, %mul3A_2 : i32
      %dma_start3A_44 = arith.constant 0 : i32
      %dma_start3A_45 = tpu.memref_slice %arg10[%dma_start3A_44] : memref<3200xi32, #tpu.memory_space<vmem>> -> memref<3200xi32, #tpu.memory_space<vmem>>
      %dma_start3A_46 = tpu.memref_slice %arg2[%add3A_43] : memref<400000xi32, #tpu.memory_space<hbm>> -> memref<3200xi32, #tpu.memory_space<hbm>>
      %dma_start3A_47 = arith.constant 0 : i32
      %dma_start3A_48 = tpu.memref_slice %arg10[%dma_start3A_47] : memref<3200xi32, #tpu.memory_space<vmem>> -> memref<3200xi32, #tpu.memory_space<vmem>>
      %dma_start3A_49 = tpu.memref_slice %arg2[%add3A_43] : memref<400000xi32, #tpu.memory_space<hbm>> -> memref<3200xi32, #tpu.memory_space<hbm>>
      tpu.enqueue_dma source(%dma_start3A_49 : memref<3200xi32, #tpu.memory_space<hbm>>) target(%dma_start3A_48 : memref<3200xi32, #tpu.memory_space<vmem>>) target_semaphore(%arg23 : memref<!tpu.dma_semaphore, #tpu.memory_space<semaphore_mem>>)
      %add3A_50 = arith.constant 300000 : i32
      %add3A_51 = arith.addi %add3A_50, %mul3A_2 : i32
      %dma_start3A_52 = arith.constant 0 : i32
      %dma_start3A_53 = tpu.memref_slice %arg11[%dma_start3A_52] : memref<3200xi32, #tpu.memory_space<vmem>> -> memref<3200xi32, #tpu.memory_space<vmem>>
      %dma_start3A_54 = tpu.memref_slice %arg2[%add3A_51] : memref<400000xi32, #tpu.memory_space<hbm>> -> memref<3200xi32, #tpu.memory_space<hbm>>
      %dma_start3A_55 = arith.constant 0 : i32
      %dma_start3A_56 = tpu.memref_slice %arg11[%dma_start3A_55] : memref<3200xi32, #tpu.memory_space<vmem>> -> memref<3200xi32, #tpu.memory_space<vmem>>
      %dma_start3A_57 = tpu.memref_slice %arg2[%add3A_51] : memref<400000xi32, #tpu.memory_space<hbm>> -> memref<3200xi32, #tpu.memory_space<hbm>>
      tpu.enqueue_dma source(%dma_start3A_57 : memref<3200xi32, #tpu.memory_space<hbm>>) target(%dma_start3A_56 : memref<3200xi32, #tpu.memory_space<vmem>>) target_semaphore(%arg23 : memref<!tpu.dma_semaphore, #tpu.memory_space<semaphore_mem>>)
      %dma_wait3A = arith.constant 0 : i32
      %dma_wait3A_58 = tpu.memref_slice %arg8[%dma_wait3A] : memref<3200xi32, #tpu.memory_space<vmem>> -> memref<3200xi32, #tpu.memory_space<vmem>>
      %dma_wait3A_59 = tpu.memref_slice %arg2[%add3A_28] : memref<400000xi32, #tpu.memory_space<hbm>> -> memref<3200xi32, #tpu.memory_space<hbm>>
      %dma_wait3A_60 = arith.constant 0 : i32
      %dma_wait3A_61 = tpu.memref_slice %arg8[%dma_wait3A_60] : memref<3200xi32, #tpu.memory_space<vmem>> -> memref<3200xi32, #tpu.memory_space<vmem>>
      %dma_wait3A_62 = tpu.memref_slice %arg2[%add3A_28] : memref<400000xi32, #tpu.memory_space<hbm>> -> memref<3200xi32, #tpu.memory_space<hbm>>
      tpu.wait_dma2 semaphore(%arg23 : memref<!tpu.dma_semaphore, #tpu.memory_space<semaphore_mem>>) src(%dma_wait3A_62 : memref<3200xi32, #tpu.memory_space<hbm>>) dst(%dma_wait3A_61 : memref<3200xi32, #tpu.memory_space<vmem>>)
      %dma_wait3A_63 = arith.constant 0 : i32
      %dma_wait3A_64 = tpu.memref_slice %arg9[%dma_wait3A_63] : memref<3200xi32, #tpu.memory_space<vmem>> -> memref<3200xi32, #tpu.memory_space<vmem>>
      %dma_wait3A_65 = tpu.memref_slice %arg2[%add3A_35] : memref<400000xi32, #tpu.memory_space<hbm>> -> memref<3200xi32, #tpu.memory_space<hbm>>
      %dma_wait3A_66 = arith.constant 0 : i32
      %dma_wait3A_67 = tpu.memref_slice %arg9[%dma_wait3A_66] : memref<3200xi32, #tpu.memory_space<vmem>> -> memref<3200xi32, #tpu.memory_space<vmem>>
      %dma_wait3A_68 = tpu.memref_slice %arg2[%add3A_35] : memref<400000xi32, #tpu.memory_space<hbm>> -> memref<3200xi32, #tpu.memory_space<hbm>>
      tpu.wait_dma2 semaphore(%arg23 : memref<!tpu.dma_semaphore, #tpu.memory_space<semaphore_mem>>) src(%dma_wait3A_68 : memref<3200xi32, #tpu.memory_space<hbm>>) dst(%dma_wait3A_67 : memref<3200xi32, #tpu.memory_space<vmem>>)
      %dma_wait3A_69 = arith.constant 0 : i32
      %dma_wait3A_70 = tpu.memref_slice %arg10[%dma_wait3A_69] : memref<3200xi32, #tpu.memory_space<vmem>> -> memref<3200xi32, #tpu.memory_space<vmem>>
      %dma_wait3A_71 = tpu.memref_slice %arg2[%add3A_43] : memref<400000xi32, #tpu.memory_space<hbm>> -> memref<3200xi32, #tpu.memory_space<hbm>>
      %dma_wait3A_72 = arith.constant 0 : i32
      %dma_wait3A_73 = tpu.memref_slice %arg10[%dma_wait3A_72] : memref<3200xi32, #tpu.memory_space<vmem>> -> memref<3200xi32, #tpu.memory_space<vmem>>
      %dma_wait3A_74 = tpu.memref_slice %arg2[%add3A_43] : memref<400000xi32, #tpu.memory_space<hbm>> -> memref<3200xi32, #tpu.memory_space<hbm>>
      tpu.wait_dma2 semaphore(%arg23 : memref<!tpu.dma_semaphore, #tpu.memory_space<semaphore_mem>>) src(%dma_wait3A_74 : memref<3200xi32, #tpu.memory_space<hbm>>) dst(%dma_wait3A_73 : memref<3200xi32, #tpu.memory_space<vmem>>)
      %dma_wait3A_75 = arith.constant 0 : i32
      %dma_wait3A_76 = tpu.memref_slice %arg11[%dma_wait3A_75] : memref<3200xi32, #tpu.memory_space<vmem>> -> memref<3200xi32, #tpu.memory_space<vmem>>
      %dma_wait3A_77 = tpu.memref_slice %arg2[%add3A_51] : memref<400000xi32, #tpu.memory_space<hbm>> -> memref<3200xi32, #tpu.memory_space<hbm>>
      %dma_wait3A_78 = arith.constant 0 : i32
      %dma_wait3A_79 = tpu.memref_slice %arg11[%dma_wait3A_78] : memref<3200xi32, #tpu.memory_space<vmem>> -> memref<3200xi32, #tpu.memory_space<vmem>>
      %dma_wait3A_80 = tpu.memref_slice %arg2[%add3A_51] : memref<400000xi32, #tpu.memory_space<hbm>> -> memref<3200xi32, #tpu.memory_space<hbm>>
      tpu.wait_dma2 semaphore(%arg23 : memref<!tpu.dma_semaphore, #tpu.memory_space<semaphore_mem>>) src(%dma_wait3A_80 : memref<3200xi32, #tpu.memory_space<hbm>>) dst(%dma_wait3A_79 : memref<3200xi32, #tpu.memory_space<vmem>>)
      %scan3A = arith.constant 0 : i32
      %scan3A_81 = arith.constant 0 : i32
      %scan3A_82 = arith.constant 200 : i32
      %scan3A_83 = arith.addi %scan3A_81, %scan3A_82 : i32
      %scan3A_84 = arith.constant 1 : i32
      %scan3A_85 = scf.for %scan3A_142 = %scan3A_81 to %scan3A_83 step %scan3A_84 iter_args(%scan3A_143 = %scan3A) -> (i32)  : i32 {
        %mul3A_144 = arith.constant 16 : i32
        %mul3A_145 = arith.muli %scan3A_142, %mul3A_144 : i32
        %get3A = arith.index_cast %mul3A_145 : i32 to index
        %get3A_146 = tpu.vector_load %arg8[%get3A] {strides = array<i32>} : memref<3200xi32, #tpu.memory_space<vmem>>, vector<16xi32>,
        %get3A_147 = vector.shape_cast %get3A_146 : vector<16xi32> to vector<16xi32>
        %sub3A = arith.constant 1 : i32
        %sub3A_148 = vector.broadcast %sub3A : i32 to vector<16xi32>
        %sub3A_149 = arith.subi %get3A_147, %sub3A_148 : vector<16xi32>
        %swap3A = arith.index_cast %mul3A_145 : i32 to index
        %swap3A_150 = tpu.vector_load %arg8[%swap3A] {strides = array<i32>} : memref<3200xi32, #tpu.memory_space<vmem>>, vector<16xi32>,
        %swap3A_151 = vector.shape_cast %swap3A_150 : vector<16xi32> to vector<16xi32>
        %swap3A_152 = vector.shape_cast %sub3A_149 : vector<16xi32> to vector<16xi32>
        tpu.vector_store %arg8[%swap3A], %swap3A_152 {strides = array<i32>} : memref<3200xi32, #tpu.memory_space<vmem>>, vector<16xi32>,
        %mul3A_153 = arith.constant 16 : i32
        %mul3A_154 = arith.muli %scan3A_142, %mul3A_153 : i32
        %get3A_155 = arith.index_cast %mul3A_154 : i32 to index
        %get3A_156 = tpu.vector_load %arg9[%get3A_155] {strides = array<i32>} : memref<3200xi32, #tpu.memory_space<vmem>>, vector<16xi32>,
        %get3A_157 = vector.shape_cast %get3A_156 : vector<16xi32> to vector<16xi32>
        %sub3A_158 = arith.constant 1 : i32
        %sub3A_159 = vector.broadcast %sub3A_158 : i32 to vector<16xi32>
        %sub3A_160 = arith.subi %get3A_157, %sub3A_159 : vector<16xi32>
        %swap3A_161 = arith.index_cast %mul3A_154 : i32 to index
        %swap3A_162 = tpu.vector_load %arg9[%swap3A_161] {strides = array<i32>} : memref<3200xi32, #tpu.memory_space<vmem>>, vector<16xi32>,
        %swap3A_163 = vector.shape_cast %swap3A_162 : vector<16xi32> to vector<16xi32>
        %swap3A_164 = vector.shape_cast %sub3A_160 : vector<16xi32> to vector<16xi32>
        tpu.vector_store %arg9[%swap3A_161], %swap3A_164 {strides = array<i32>} : memref<3200xi32, #tpu.memory_space<vmem>>, vector<16xi32>,
        %mul3A_165 = arith.constant 16 : i32
        %mul3A_166 = arith.muli %scan3A_142, %mul3A_165 : i32
        %get3A_167 = arith.index_cast %mul3A_166 : i32 to index
        %get3A_168 = tpu.vector_load %arg10[%get3A_167] {strides = array<i32>} : memref<3200xi32, #tpu.memory_space<vmem>>, vector<16xi32>,
        %get3A_169 = vector.shape_cast %get3A_168 : vector<16xi32> to vector<16xi32>
        %sub3A_170 = arith.constant 1 : i32
        %sub3A_171 = vector.broadcast %sub3A_170 : i32 to vector<16xi32>
        %sub3A_172 = arith.subi %get3A_169, %sub3A_171 : vector<16xi32>
        %swap3A_173 = arith.index_cast %mul3A_166 : i32 to index
        %swap3A_174 = tpu.vector_load %arg10[%swap3A_173] {strides = array<i32>} : memref<3200xi32, #tpu.memory_space<vmem>>, vector<16xi32>,
        %swap3A_175 = vector.shape_cast %swap3A_174 : vector<16xi32> to vector<16xi32>
        %swap3A_176 = vector.shape_cast %sub3A_172 : vector<16xi32> to vector<16xi32>
        tpu.vector_store %arg10[%swap3A_173], %swap3A_176 {strides = array<i32>} : memref<3200xi32, #tpu.memory_space<vmem>>, vector<16xi32>,
        %mul3A_177 = arith.constant 16 : i32
        %mul3A_178 = arith.muli %scan3A_142, %mul3A_177 : i32
        %get3A_179 = arith.index_cast %mul3A_178 : i32 to index
        %get3A_180 = tpu.vector_load %arg11[%get3A_179] {strides = array<i32>} : memref<3200xi32, #tpu.memory_space<vmem>>, vector<16xi32>,
        %get3A_181 = vector.shape_cast %get3A_180 : vector<16xi32> to vector<16xi32>
        %sub3A_182 = arith.constant 1 : i32
        %sub3A_183 = vector.broadcast %sub3A_182 : i32 to vector<16xi32>
        %sub3A_184 = arith.subi %get3A_181, %sub3A_183 : vector<16xi32>
        %swap3A_185 = arith.index_cast %mul3A_178 : i32 to index
        %swap3A_186 = tpu.vector_load %arg11[%swap3A_185] {strides = array<i32>} : memref<3200xi32, #tpu.memory_space<vmem>>, vector<16xi32>,
        %swap3A_187 = vector.shape_cast %swap3A_186 : vector<16xi32> to vector<16xi32>
        %swap3A_188 = vector.shape_cast %sub3A_184 : vector<16xi32> to vector<16xi32>
        tpu.vector_store %arg11[%swap3A_185], %swap3A_188 {strides = array<i32>} : memref<3200xi32, #tpu.memory_space<vmem>>, vector<16xi32>,
        %scan3A_189 = arith.constant 0 : i32
        scf.yield %scan3A_189 : i32
      }
      %scan3A_86 = arith.constant 200 : i32
      %dma_start3A_87 = arith.constant 0 : i32
      %dma_start3A_88 = arith.constant 0 : i32
      %dma_start3A_89 = tpu.memref_slice %arg15[%dma_start3A_87, %dma_start3A_88] : memref<320x64xf32, #tpu.memory_space<vmem>> -> memref<128x64xf32, #tpu.memory_space<vmem>>
      %dma_start3A_90 = arith.constant 0 : i32
      %dma_start3A_91 = tpu.memref_slice %arg11[%dma_start3A_90] : memref<3200xi32, #tpu.memory_space<vmem>> -> memref<128xi32, #tpu.memory_space<vmem>>
      %dma_start3A_92 = arith.constant 0 : i32
      %dma_start3A_93 = arith.constant 0 : i32
      %dma_start3A_94 = tpu.memref_slice %arg6[%dma_start3A_92, %dma_start3A_93] : memref<100000x64xf32, #tpu.memory_space<hbm>> -> memref<100000x64xf32, #tpu.memory_space<hbm>>
      tpu.enqueue_indirect_dma source(%dma_start3A_94 : memref<100000x64xf32, #tpu.memory_space<hbm>>) target(%dma_start3A_89 : memref<128x64xf32, #tpu.memory_space<vmem>>) offsets(%dma_start3A_91 : memref<128xi32, #tpu.memory_space<vmem>>) semaphore(%arg23 : memref<!tpu.dma_semaphore, #tpu.memory_space<semaphore_mem>>)
      %dma_start3A_95 = arith.constant 128 : i32
      %dma_start3A_96 = arith.constant 0 : i32
      %dma_start3A_97 = tpu.memref_slice %arg15[%dma_start3A_95, %dma_start3A_96] : memref<320x64xf32, #tpu.memory_space<vmem>> -> memref<128x64xf32, #tpu.memory_space<vmem>>
      %dma_start3A_98 = arith.constant 128 : i32
      %dma_start3A_99 = tpu.memref_slice %arg11[%dma_start3A_98] : memref<3200xi32, #tpu.memory_space<vmem>> -> memref<128xi32, #tpu.memory_space<vmem>>
      %dma_start3A_100 = arith.constant 0 : i32
      %dma_start3A_101 = arith.constant 0 : i32
      %dma_start3A_102 = tpu.memref_slice %arg6[%dma_start3A_100, %dma_start3A_101] : memref<100000x64xf32, #tpu.memory_space<hbm>> -> memref<100000x64xf32, #tpu.memory_space<hbm>>
      tpu.enqueue_indirect_dma source(%dma_start3A_102 : memref<100000x64xf32, #tpu.memory_space<hbm>>) target(%dma_start3A_97 : memref<128x64xf32, #tpu.memory_space<vmem>>) offsets(%dma_start3A_99 : memref<128xi32, #tpu.memory_space<vmem>>) semaphore(%arg23 : memref<!tpu.dma_semaphore, #tpu.memory_space<semaphore_mem>>)
      %dma_start3A_103 = arith.constant 256 : i32
      %dma_start3A_104 = arith.constant 0 : i32
      %dma_start3A_105 = tpu.memref_slice %arg15[%dma_start3A_103, %dma_start3A_104] : memref<320x64xf32, #tpu.memory_space<vmem>> -> memref<64x64xf32, #tpu.memory_space<vmem>>
      %dma_start3A_106 = arith.constant 256 : i32
      %dma_start3A_107 = tpu.memref_slice %arg11[%dma_start3A_106] : memref<3200xi32, #tpu.memory_space<vmem>> -> memref<64xi32, #tpu.memory_space<vmem>>
      %dma_start3A_108 = arith.constant 0 : i32
      %dma_start3A_109 = arith.constant 0 : i32
      %dma_start3A_110 = tpu.memref_slice %arg6[%dma_start3A_108, %dma_start3A_109] : memref<100000x64xf32, #tpu.memory_space<hbm>> -> memref<100000x64xf32, #tpu.memory_space<hbm>>
      tpu.enqueue_indirect_dma source(%dma_start3A_110 : memref<100000x64xf32, #tpu.memory_space<hbm>>) target(%dma_start3A_105 : memref<64x64xf32, #tpu.memory_space<vmem>>) offsets(%dma_start3A_107 : memref<64xi32, #tpu.memory_space<vmem>>) semaphore(%arg23 : memref<!tpu.dma_semaphore, #tpu.memory_space<semaphore_mem>>)
      %dma_start3A_111 = arith.constant 0 : i32
      %dma_start3A_112 = arith.constant 0 : i32
      %dma_start3A_113 = tpu.memref_slice %arg19[%dma_start3A_111, %dma_start3A_112] : memref<320x64xf32, #tpu.memory_space<vmem>> -> memref<128x64xf32, #tpu.memory_space<vmem>>
      %dma_start3A_114 = arith.constant 320 : i32
      %dma_start3A_115 = tpu.memref_slice %arg11[%dma_start3A_114] : memref<3200xi32, #tpu.memory_space<vmem>> -> memref<128xi32, #tpu.memory_space<vmem>>
      %dma_start3A_116 = arith.constant 0 : i32
      %dma_start3A_117 = arith.constant 0 : i32
      %dma_start3A_118 = tpu.memref_slice %arg6[%dma_start3A_116, %dma_start3A_117] : memref<100000x64xf32, #tpu.memory_space<hbm>> -> memref<100000x64xf32, #tpu.memory_space<hbm>>
      tpu.enqueue_indirect_dma source(%dma_start3A_118 : memref<100000x64xf32, #tpu.memory_space<hbm>>) target(%dma_start3A_113 : memref<128x64xf32, #tpu.memory_space<vmem>>) offsets(%dma_start3A_115 : memref<128xi32, #tpu.memory_space<vmem>>) semaphore(%arg24 : memref<!tpu.dma_semaphore, #tpu.memory_space<semaphore_mem>>)
      %dma_start3A_119 = arith.constant 128 : i32
      %dma_start3A_120 = arith.constant 0 : i32
      %dma_start3A_121 = tpu.memref_slice %arg19[%dma_start3A_119, %dma_start3A_120] : memref<320x64xf32, #tpu.memory_space<vmem>> -> memref<128x64xf32, #tpu.memory_space<vmem>>
      %dma_start3A_122 = arith.constant 448 : i32
      %dma_start3A_123 = tpu.memref_slice %arg11[%dma_start3A_122] : memref<3200xi32, #tpu.memory_space<vmem>> -> memref<128xi32, #tpu.memory_space<vmem>>
      %dma_start3A_124 = arith.constant 0 : i32
      %dma_start3A_125 = arith.constant 0 : i32
      %dma_start3A_126 = tpu.memref_slice %arg6[%dma_start3A_124, %dma_start3A_125] : memref<100000x64xf32, #tpu.memory_space<hbm>> -> memref<100000x64xf32, #tpu.memory_space<hbm>>
      tpu.enqueue_indirect_dma source(%dma_start3A_126 : memref<100000x64xf32, #tpu.memory_space<hbm>>) target(%dma_start3A_121 : memref<128x64xf32, #tpu.memory_space<vmem>>) offsets(%dma_start3A_123 : memref<128xi32, #tpu.memory_space<vmem>>) semaphore(%arg24 : memref<!tpu.dma_semaphore, #tpu.memory_space<semaphore_mem>>)
      %dma_start3A_127 = arith.constant 256 : i32
      %dma_start3A_128 = arith.constant 0 : i32
      %dma_start3A_129 = tpu.memref_slice %arg19[%dma_start3A_127, %dma_start3A_128] : memref<320x64xf32, #tpu.memory_space<vmem>> -> memref<64x64xf32, #tpu.memory_space<vmem>>
      %dma_start3A_130 = arith.constant 576 : i32
      %dma_start3A_131 = tpu.memref_slice %arg11[%dma_start3A_130] : memref<3200xi32, #tpu.memory_space<vmem>> -> memref<64xi32, #tpu.memory_space<vmem>>
      %dma_start3A_132 = arith.constant 0 : i32
      %dma_start3A_133 = arith.constant 0 : i32
      %dma_start3A_134 = tpu.memref_slice %arg6[%dma_start3A_132, %dma_start3A_133] : memref<100000x64xf32, #tpu.memory_space<hbm>> -> memref<100000x64xf32, #tpu.memory_space<hbm>>
      tpu.enqueue_indirect_dma source(%dma_start3A_134 : memref<100000x64xf32, #tpu.memory_space<hbm>>) target(%dma_start3A_129 : memref<64x64xf32, #tpu.memory_space<vmem>>) offsets(%dma_start3A_131 : memref<64xi32, #tpu.memory_space<vmem>>) semaphore(%arg24 : memref<!tpu.dma_semaphore, #tpu.memory_space<semaphore_mem>>)
      %scan3A_135 = arith.constant 0 : i32
      %scan3A_136 = arith.constant 0 : i32
      %scan3A_137 = arith.constant 5 : i32
      %scan3A_138 = arith.addi %scan3A_136, %scan3A_137 : i32
      %scan3A_139 = arith.constant 1 : i32
      %scan3A_140 = scf.for %scan3A_142 = %scan3A_136 to %scan3A_138 step %scan3A_139 iter_args(%scan3A_143 = %scan3A_135) -> (i32)  : i32 {
        %mul3A_144 = arith.constant 2 : i32
        %mul3A_145 = arith.muli %mul3A_144, %scan3A_142 : i32
        %add3A_146 = arith.constant 0 : i32
        %add3A_147 = arith.addi %mul3A_145, %add3A_146 : i32
        %mul3A_148 = arith.constant 320 : i32
        %mul3A_149 = arith.muli %add3A_147, %mul3A_148 : i32
        %add3A_150 = arith.constant 0 : i32
        %add3A_151 = arith.addi %mul3A_149, %add3A_150 : i32
        %dma_start3A_152 = arith.constant 0 : i32
        %dma_start3A_153 = arith.constant 0 : i32
        %dma_start3A_154 = tpu.memref_slice %arg12[%dma_start3A_152, %dma_start3A_153] : memref<320x16xf32, #tpu.memory_space<vmem>> -> memref<128x16xf32, #tpu.memory_space<vmem>>
        %dma_start3A_155 = tpu.memref_slice %arg8[%add3A_151] : memref<3200xi32, #tpu.memory_space<vmem>> -> memref<128xi32, #tpu.memory_space<vmem>>
        %dma_start3A_156 = arith.constant 0 : i32
        %dma_start3A_157 = arith.constant 0 : i32
        %dma_start3A_158 = tpu.memref_slice %arg20[%dma_start3A_156, %dma_start3A_157] : memref<32x16xf32, #tpu.memory_space<vmem_shared>> -> memref<32x16xf32, #tpu.memory_space<vmem_shared>>
        tpu.enqueue_indirect_dma source(%dma_start3A_158 : memref<32x16xf32, #tpu.memory_space<vmem_shared>>) target(%dma_start3A_154 : memref<128x16xf32, #tpu.memory_space<vmem>>) offsets(%dma_start3A_155 : memref<128xi32, #tpu.memory_space<vmem>>) semaphore(%arg27 : memref<!tpu.dma_semaphore, #tpu.memory_space<semaphore_mem>>)
        %mul3A_159 = arith.constant 320 : i32
        %mul3A_160 = arith.muli %add3A_147, %mul3A_159 : i32
        %add3A_161 = arith.constant 0 : i32
        %add3A_162 = arith.addi %mul3A_160, %add3A_161 : i32
        %dma_start3A_163 = arith.constant 0 : i32
        %dma_start3A_164 = arith.constant 0 : i32
        %dma_start3A_165 = tpu.memref_slice %arg13[%dma_start3A_163, %dma_start3A_164] : memref<320x16xf32, #tpu.memory_space<vmem>> -> memref<128x16xf32, #tpu.memory_space<vmem>>
        %dma_start3A_166 = tpu.memref_slice %arg9[%add3A_162] : memref<3200xi32, #tpu.memory_space<vmem>> -> memref<128xi32, #tpu.memory_space<vmem>>
        %dma_start3A_167 = arith.constant 0 : i32
        %dma_start3A_168 = arith.constant 0 : i32
        %dma_start3A_169 = tpu.memref_slice %arg21[%dma_start3A_167, %dma_start3A_168] : memref<512x16xf32, #tpu.memory_space<vmem_shared>> -> memref<512x16xf32, #tpu.memory_space<vmem_shared>>
        tpu.enqueue_indirect_dma source(%dma_start3A_169 : memref<512x16xf32, #tpu.memory_space<vmem_shared>>) target(%dma_start3A_165 : memref<128x16xf32, #tpu.memory_space<vmem>>) offsets(%dma_start3A_166 : memref<128xi32, #tpu.memory_space<vmem>>) semaphore(%arg27 : memref<!tpu.dma_semaphore, #tpu.memory_space<semaphore_mem>>)
        %mul3A_170 = arith.constant 320 : i32
        %mul3A_171 = arith.muli %add3A_147, %mul3A_170 : i32
        %add3A_172 = arith.constant 0 : i32
        %add3A_173 = arith.addi %mul3A_171, %add3A_172 : i32
        %dma_start3A_174 = arith.constant 0 : i32
        %dma_start3A_175 = arith.constant 0 : i32
        %dma_start3A_176 = tpu.memref_slice %arg14[%dma_start3A_174, %dma_start3A_175] : memref<320x32xf32, #tpu.memory_space<vmem>> -> memref<128x32xf32, #tpu.memory_space<vmem>>
        %dma_start3A_177 = tpu.memref_slice %arg10[%add3A_173] : memref<3200xi32, #tpu.memory_space<vmem>> -> memref<128xi32, #tpu.memory_space<vmem>>
        %dma_start3A_178 = arith.constant 0 : i32
        %dma_start3A_179 = arith.constant 0 : i32
        %dma_start3A_180 = tpu.memref_slice %arg22[%dma_start3A_178, %dma_start3A_179] : memref<8192x32xf32, #tpu.memory_space<vmem_shared>> -> memref<8192x32xf32, #tpu.memory_space<vmem_shared>>
        tpu.enqueue_indirect_dma source(%dma_start3A_180 : memref<8192x32xf32, #tpu.memory_space<vmem_shared>>) target(%dma_start3A_176 : memref<128x32xf32, #tpu.memory_space<vmem>>) offsets(%dma_start3A_177 : memref<128xi32, #tpu.memory_space<vmem>>) semaphore(%arg27 : memref<!tpu.dma_semaphore, #tpu.memory_space<semaphore_mem>>)
        %mul3A_181 = arith.constant 320 : i32
        %mul3A_182 = arith.muli %add3A_147, %mul3A_181 : i32
        %add3A_183 = arith.constant 128 : i32
        %add3A_184 = arith.addi %mul3A_182, %add3A_183 : i32
        %dma_start3A_185 = arith.constant 128 : i32
        %dma_start3A_186 = arith.constant 0 : i32
        %dma_start3A_187 = tpu.memref_slice %arg12[%dma_start3A_185, %dma_start3A_186] : memref<320x16xf32, #tpu.memory_space<vmem>> -> memref<128x16xf32, #tpu.memory_space<vmem>>
        %dma_start3A_188 = tpu.memref_slice %arg8[%add3A_184] : memref<3200xi32, #tpu.memory_space<vmem>> -> memref<128xi32, #tpu.memory_space<vmem>>
        %dma_start3A_189 = arith.constant 0 : i32
        %dma_start3A_190 = arith.constant 0 : i32
        %dma_start3A_191 = tpu.memref_slice %arg20[%dma_start3A_189, %dma_start3A_190] : memref<32x16xf32, #tpu.memory_space<vmem_shared>> -> memref<32x16xf32, #tpu.memory_space<vmem_shared>>
        tpu.enqueue_indirect_dma source(%dma_start3A_191 : memref<32x16xf32, #tpu.memory_space<vmem_shared>>) target(%dma_start3A_187 : memref<128x16xf32, #tpu.memory_space<vmem>>) offsets(%dma_start3A_188 : memref<128xi32, #tpu.memory_space<vmem>>) semaphore(%arg27 : memref<!tpu.dma_semaphore, #tpu.memory_space<semaphore_mem>>)
        %mul3A_192 = arith.constant 320 : i32
        %mul3A_193 = arith.muli %add3A_147, %mul3A_192 : i32
        %add3A_194 = arith.constant 128 : i32
        %add3A_195 = arith.addi %mul3A_193, %add3A_194 : i32
        %dma_start3A_196 = arith.constant 128 : i32
        %dma_start3A_197 = arith.constant 0 : i32
        %dma_start3A_198 = tpu.memref_slice %arg13[%dma_start3A_196, %dma_start3A_197] : memref<320x16xf32, #tpu.memory_space<vmem>> -> memref<128x16xf32, #tpu.memory_space<vmem>>
        %dma_start3A_199 = tpu.memref_slice %arg9[%add3A_195] : memref<3200xi32, #tpu.memory_space<vmem>> -> memref<128xi32, #tpu.memory_space<vmem>>
        %dma_start3A_200 = arith.constant 0 : i32
        %dma_start3A_201 = arith.constant 0 : i32
        %dma_start3A_202 = tpu.memref_slice %arg21[%dma_start3A_200, %dma_start3A_201] : memref<512x16xf32, #tpu.memory_space<vmem_shared>> -> memref<512x16xf32, #tpu.memory_space<vmem_shared>>
        tpu.enqueue_indirect_dma source(%dma_start3A_202 : memref<512x16xf32, #tpu.memory_space<vmem_shared>>) target(%dma_start3A_198 : memref<128x16xf32, #tpu.memory_space<vmem>>) offsets(%dma_start3A_199 : memref<128xi32, #tpu.memory_space<vmem>>) semaphore(%arg27 : memref<!tpu.dma_semaphore, #tpu.memory_space<semaphore_mem>>)
        %mul3A_203 = arith.constant 320 : i32
        %mul3A_204 = arith.muli %add3A_147, %mul3A_203 : i32
        %add3A_205 = arith.constant 128 : i32
        %add3A_206 = arith.addi %mul3A_204, %add3A_205 : i32
        %dma_start3A_207 = arith.constant 128 : i32
        %dma_start3A_208 = arith.constant 0 : i32
        %dma_start3A_209 = tpu.memref_slice %arg14[%dma_start3A_207, %dma_start3A_208] : memref<320x32xf32, #tpu.memory_space<vmem>> -> memref<128x32xf32, #tpu.memory_space<vmem>>
        %dma_start3A_210 = tpu.memref_slice %arg10[%add3A_206] : memref<3200xi32, #tpu.memory_space<vmem>> -> memref<128xi32, #tpu.memory_space<vmem>>
        %dma_start3A_211 = arith.constant 0 : i32
        %dma_start3A_212 = arith.constant 0 : i32
        %dma_start3A_213 = tpu.memref_slice %arg22[%dma_start3A_211, %dma_start3A_212] : memref<8192x32xf32, #tpu.memory_space<vmem_shared>> -> memref<8192x32xf32, #tpu.memory_space<vmem_shared>>
        tpu.enqueue_indirect_dma source(%dma_start3A_213 : memref<8192x32xf32, #tpu.memory_space<vmem_shared>>) target(%dma_start3A_209 : memref<128x32xf32, #tpu.memory_space<vmem>>) offsets(%dma_start3A_210 : memref<128xi32, #tpu.memory_space<vmem>>) semaphore(%arg27 : memref<!tpu.dma_semaphore, #tpu.memory_space<semaphore_mem>>)
        %mul3A_214 = arith.constant 320 : i32
        %mul3A_215 = arith.muli %add3A_147, %mul3A_214 : i32
        %add3A_216 = arith.constant 256 : i32
        %add3A_217 = arith.addi %mul3A_215, %add3A_216 : i32
        %dma_start3A_218 = arith.constant 256 : i32
        %dma_start3A_219 = arith.constant 0 : i32
        %dma_start3A_220 = tpu.memref_slice %arg12[%dma_start3A_218, %dma_start3A_219] : memref<320x16xf32, #tpu.memory_space<vmem>> -> memref<64x16xf32, #tpu.memory_space<vmem>>
        %dma_start3A_221 = tpu.memref_slice %arg8[%add3A_217] : memref<3200xi32, #tpu.memory_space<vmem>> -> memref<64xi32, #tpu.memory_space<vmem>>
        %dma_start3A_222 = arith.constant 0 : i32
        %dma_start3A_223 = arith.constant 0 : i32
        %dma_start3A_224 = tpu.memref_slice %arg20[%dma_start3A_222, %dma_start3A_223] : memref<32x16xf32, #tpu.memory_space<vmem_shared>> -> memref<32x16xf32, #tpu.memory_space<vmem_shared>>
        tpu.enqueue_indirect_dma source(%dma_start3A_224 : memref<32x16xf32, #tpu.memory_space<vmem_shared>>) target(%dma_start3A_220 : memref<64x16xf32, #tpu.memory_space<vmem>>) offsets(%dma_start3A_221 : memref<64xi32, #tpu.memory_space<vmem>>) semaphore(%arg27 : memref<!tpu.dma_semaphore, #tpu.memory_space<semaphore_mem>>)
        %mul3A_225 = arith.constant 320 : i32
        %mul3A_226 = arith.muli %add3A_147, %mul3A_225 : i32
        %add3A_227 = arith.constant 256 : i32
        %add3A_228 = arith.addi %mul3A_226, %add3A_227 : i32
        %dma_start3A_229 = arith.constant 256 : i32
        %dma_start3A_230 = arith.constant 0 : i32
        %dma_start3A_231 = tpu.memref_slice %arg13[%dma_start3A_229, %dma_start3A_230] : memref<320x16xf32, #tpu.memory_space<vmem>> -> memref<64x16xf32, #tpu.memory_space<vmem>>
        %dma_start3A_232 = tpu.memref_slice %arg9[%add3A_228] : memref<3200xi32, #tpu.memory_space<vmem>> -> memref<64xi32, #tpu.memory_space<vmem>>
        %dma_start3A_233 = arith.constant 0 : i32
        %dma_start3A_234 = arith.constant 0 : i32
        %dma_start3A_235 = tpu.memref_slice %arg21[%dma_start3A_233, %dma_start3A_234] : memref<512x16xf32, #tpu.memory_space<vmem_shared>> -> memref<512x16xf32, #tpu.memory_space<vmem_shared>>
        tpu.enqueue_indirect_dma source(%dma_start3A_235 : memref<512x16xf32, #tpu.memory_space<vmem_shared>>) target(%dma_start3A_231 : memref<64x16xf32, #tpu.memory_space<vmem>>) offsets(%dma_start3A_232 : memref<64xi32, #tpu.memory_space<vmem>>) semaphore(%arg27 : memref<!tpu.dma_semaphore, #tpu.memory_space<semaphore_mem>>)
        %mul3A_236 = arith.constant 320 : i32
        %mul3A_237 = arith.muli %add3A_147, %mul3A_236 : i32
        %add3A_238 = arith.constant 256 : i32
        %add3A_239 = arith.addi %mul3A_237, %add3A_238 : i32
        %dma_start3A_240 = arith.constant 256 : i32
        %dma_start3A_241 = arith.constant 0 : i32
        %dma_start3A_242 = tpu.memref_slice %arg14[%dma_start3A_240, %dma_start3A_241] : memref<320x32xf32, #tpu.memory_space<vmem>> -> memref<64x32xf32, #tpu.memory_space<vmem>>
        %dma_start3A_243 = tpu.memref_slice %arg10[%add3A_239] : memref<3200xi32, #tpu.memory_space<vmem>> -> memref<64xi32, #tpu.memory_space<vmem>>
        %dma_start3A_244 = arith.constant 0 : i32
        %dma_start3A_245 = arith.constant 0 : i32
        %dma_start3A_246 = tpu.memref_slice %arg22[%dma_start3A_244, %dma_start3A_245] : memref<8192x32xf32, #tpu.memory_space<vmem_shared>> -> memref<8192x32xf32, #tpu.memory_space<vmem_shared>>
        tpu.enqueue_indirect_dma source(%dma_start3A_246 : memref<8192x32xf32, #tpu.memory_space<vmem_shared>>) target(%dma_start3A_242 : memref<64x32xf32, #tpu.memory_space<vmem>>) offsets(%dma_start3A_243 : memref<64xi32, #tpu.memory_space<vmem>>) semaphore(%arg27 : memref<!tpu.dma_semaphore, #tpu.memory_space<semaphore_mem>>)
        %dma_wait3A_247 = arith.constant 0 : i32
        %dma_wait3A_248 = arith.constant 0 : i32
        %dma_wait3A_249 = tpu.memref_slice %arg12[%dma_wait3A_247, %dma_wait3A_248] : memref<320x16xf32, #tpu.memory_space<vmem>> -> memref<128x16xf32, #tpu.memory_space<vmem>>
        %dma_wait3A_250 = tpu.memref_slice %arg8[%add3A_151] : memref<3200xi32, #tpu.memory_space<vmem>> -> memref<128xi32, #tpu.memory_space<vmem>>
        %dma_wait3A_251 = arith.constant 0 : i32
        %dma_wait3A_252 = arith.constant 0 : i32
        %dma_wait3A_253 = tpu.memref_slice %arg20[%dma_wait3A_251, %dma_wait3A_252] : memref<32x16xf32, #tpu.memory_space<vmem_shared>> -> memref<32x16xf32, #tpu.memory_space<vmem_shared>>
        tpu.wait_indirect_dma semaphore(%arg27 : memref<!tpu.dma_semaphore, #tpu.memory_space<semaphore_mem>>) src(%dma_wait3A_253 : memref<32x16xf32, #tpu.memory_space<vmem_shared>>) dst(%dma_wait3A_249 : memref<128x16xf32, #tpu.memory_space<vmem>>)
        %dma_wait3A_254 = arith.constant 0 : i32
        %dma_wait3A_255 = arith.constant 0 : i32
        %dma_wait3A_256 = tpu.memref_slice %arg13[%dma_wait3A_254, %dma_wait3A_255] : memref<320x16xf32, #tpu.memory_space<vmem>> -> memref<128x16xf32, #tpu.memory_space<vmem>>
        %dma_wait3A_257 = tpu.memref_slice %arg9[%add3A_162] : memref<3200xi32, #tpu.memory_space<vmem>> -> memref<128xi32, #tpu.memory_space<vmem>>
        %dma_wait3A_258 = arith.constant 0 : i32
        %dma_wait3A_259 = arith.constant 0 : i32
        %dma_wait3A_260 = tpu.memref_slice %arg21[%dma_wait3A_258, %dma_wait3A_259] : memref<512x16xf32, #tpu.memory_space<vmem_shared>> -> memref<512x16xf32, #tpu.memory_space<vmem_shared>>
        tpu.wait_indirect_dma semaphore(%arg27 : memref<!tpu.dma_semaphore, #tpu.memory_space<semaphore_mem>>) src(%dma_wait3A_260 : memref<512x16xf32, #tpu.memory_space<vmem_shared>>) dst(%dma_wait3A_256 : memref<128x16xf32, #tpu.memory_space<vmem>>)
        %dma_wait3A_261 = arith.constant 0 : i32
        %dma_wait3A_262 = arith.constant 0 : i32
        %dma_wait3A_263 = tpu.memref_slice %arg14[%dma_wait3A_261, %dma_wait3A_262] : memref<320x32xf32, #tpu.memory_space<vmem>> -> memref<128x32xf32, #tpu.memory_space<vmem>>
        %dma_wait3A_264 = tpu.memref_slice %arg10[%add3A_173] : memref<3200xi32, #tpu.memory_space<vmem>> -> memref<128xi32, #tpu.memory_space<vmem>>
        %dma_wait3A_265 = arith.constant 0 : i32
        %dma_wait3A_266 = arith.constant 0 : i32
        %dma_wait3A_267 = tpu.memref_slice %arg22[%dma_wait3A_265, %dma_wait3A_266] : memref<8192x32xf32, #tpu.memory_space<vmem_shared>> -> memref<8192x32xf32, #tpu.memory_space<vmem_shared>>
        tpu.wait_indirect_dma semaphore(%arg27 : memref<!tpu.dma_semaphore, #tpu.memory_space<semaphore_mem>>) src(%dma_wait3A_267 : memref<8192x32xf32, #tpu.memory_space<vmem_shared>>) dst(%dma_wait3A_263 : memref<128x32xf32, #tpu.memory_space<vmem>>)
        %dma_wait3A_268 = arith.constant 128 : i32
        %dma_wait3A_269 = arith.constant 0 : i32
        %dma_wait3A_270 = tpu.memref_slice %arg12[%dma_wait3A_268, %dma_wait3A_269] : memref<320x16xf32, #tpu.memory_space<vmem>> -> memref<128x16xf32, #tpu.memory_space<vmem>>
        %dma_wait3A_271 = tpu.memref_slice %arg8[%add3A_184] : memref<3200xi32, #tpu.memory_space<vmem>> -> memref<128xi32, #tpu.memory_space<vmem>>
        %dma_wait3A_272 = arith.constant 0 : i32
        %dma_wait3A_273 = arith.constant 0 : i32
        %dma_wait3A_274 = tpu.memref_slice %arg20[%dma_wait3A_272, %dma_wait3A_273] : memref<32x16xf32, #tpu.memory_space<vmem_shared>> -> memref<32x16xf32, #tpu.memory_space<vmem_shared>>
        tpu.wait_indirect_dma semaphore(%arg27 : memref<!tpu.dma_semaphore, #tpu.memory_space<semaphore_mem>>) src(%dma_wait3A_274 : memref<32x16xf32, #tpu.memory_space<vmem_shared>>) dst(%dma_wait3A_270 : memref<128x16xf32, #tpu.memory_space<vmem>>)
        %dma_wait3A_275 = arith.constant 128 : i32
        %dma_wait3A_276 = arith.constant 0 : i32
        %dma_wait3A_277 = tpu.memref_slice %arg13[%dma_wait3A_275, %dma_wait3A_276] : memref<320x16xf32, #tpu.memory_space<vmem>> -> memref<128x16xf32, #tpu.memory_space<vmem>>
        %dma_wait3A_278 = tpu.memref_slice %arg9[%add3A_195] : memref<3200xi32, #tpu.memory_space<vmem>> -> memref<128xi32, #tpu.memory_space<vmem>>
        %dma_wait3A_279 = arith.constant 0 : i32
        %dma_wait3A_280 = arith.constant 0 : i32
        %dma_wait3A_281 = tpu.memref_slice %arg21[%dma_wait3A_279, %dma_wait3A_280] : memref<512x16xf32, #tpu.memory_space<vmem_shared>> -> memref<512x16xf32, #tpu.memory_space<vmem_shared>>
        tpu.wait_indirect_dma semaphore(%arg27 : memref<!tpu.dma_semaphore, #tpu.memory_space<semaphore_mem>>) src(%dma_wait3A_281 : memref<512x16xf32, #tpu.memory_space<vmem_shared>>) dst(%dma_wait3A_277 : memref<128x16xf32, #tpu.memory_space<vmem>>)
        %dma_wait3A_282 = arith.constant 128 : i32
        %dma_wait3A_283 = arith.constant 0 : i32
        %dma_wait3A_284 = tpu.memref_slice %arg14[%dma_wait3A_282, %dma_wait3A_283] : memref<320x32xf32, #tpu.memory_space<vmem>> -> memref<128x32xf32, #tpu.memory_space<vmem>>
        %dma_wait3A_285 = tpu.memref_slice %arg10[%add3A_206] : memref<3200xi32, #tpu.memory_space<vmem>> -> memref<128xi32, #tpu.memory_space<vmem>>
        %dma_wait3A_286 = arith.constant 0 : i32
        %dma_wait3A_287 = arith.constant 0 : i32
        %dma_wait3A_288 = tpu.memref_slice %arg22[%dma_wait3A_286, %dma_wait3A_287] : memref<8192x32xf32, #tpu.memory_space<vmem_shared>> -> memref<8192x32xf32, #tpu.memory_space<vmem_shared>>
        tpu.wait_indirect_dma semaphore(%arg27 : memref<!tpu.dma_semaphore, #tpu.memory_space<semaphore_mem>>) src(%dma_wait3A_288 : memref<8192x32xf32, #tpu.memory_space<vmem_shared>>) dst(%dma_wait3A_284 : memref<128x32xf32, #tpu.memory_space<vmem>>)
        %dma_wait3A_289 = arith.constant 256 : i32
        %dma_wait3A_290 = arith.constant 0 : i32
        %dma_wait3A_291 = tpu.memref_slice %arg12[%dma_wait3A_289, %dma_wait3A_290] : memref<320x16xf32, #tpu.memory_space<vmem>> -> memref<64x16xf32, #tpu.memory_space<vmem>>
        %dma_wait3A_292 = tpu.memref_slice %arg8[%add3A_217] : memref<3200xi32, #tpu.memory_space<vmem>> -> memref<64xi32, #tpu.memory_space<vmem>>
        %dma_wait3A_293 = arith.constant 0 : i32
        %dma_wait3A_294 = arith.constant 0 : i32
        %dma_wait3A_295 = tpu.memref_slice %arg20[%dma_wait3A_293, %dma_wait3A_294] : memref<32x16xf32, #tpu.memory_space<vmem_shared>> -> memref<32x16xf32, #tpu.memory_space<vmem_shared>>
        tpu.wait_indirect_dma semaphore(%arg27 : memref<!tpu.dma_semaphore, #tpu.memory_space<semaphore_mem>>) src(%dma_wait3A_295 : memref<32x16xf32, #tpu.memory_space<vmem_shared>>) dst(%dma_wait3A_291 : memref<64x16xf32, #tpu.memory_space<vmem>>)
        %dma_wait3A_296 = arith.constant 256 : i32
        %dma_wait3A_297 = arith.constant 0 : i32
        %dma_wait3A_298 = tpu.memref_slice %arg13[%dma_wait3A_296, %dma_wait3A_297] : memref<320x16xf32, #tpu.memory_space<vmem>> -> memref<64x16xf32, #tpu.memory_space<vmem>>
        %dma_wait3A_299 = tpu.memref_slice %arg9[%add3A_228] : memref<3200xi32, #tpu.memory_space<vmem>> -> memref<64xi32, #tpu.memory_space<vmem>>
        %dma_wait3A_300 = arith.constant 0 : i32
        %dma_wait3A_301 = arith.constant 0 : i32
        %dma_wait3A_302 = tpu.memref_slice %arg21[%dma_wait3A_300, %dma_wait3A_301] : memref<512x16xf32, #tpu.memory_space<vmem_shared>> -> memref<512x16xf32, #tpu.memory_space<vmem_shared>>
        tpu.wait_indirect_dma semaphore(%arg27 : memref<!tpu.dma_semaphore, #tpu.memory_space<semaphore_mem>>) src(%dma_wait3A_302 : memref<512x16xf32, #tpu.memory_space<vmem_shared>>) dst(%dma_wait3A_298 : memref<64x16xf32, #tpu.memory_space<vmem>>)
        %dma_wait3A_303 = arith.constant 256 : i32
        %dma_wait3A_304 = arith.constant 0 : i32
        %dma_wait3A_305 = tpu.memref_slice %arg14[%dma_wait3A_303, %dma_wait3A_304] : memref<320x32xf32, #tpu.memory_space<vmem>> -> memref<64x32xf32, #tpu.memory_space<vmem>>
        %dma_wait3A_306 = tpu.memref_slice %arg10[%add3A_239] : memref<3200xi32, #tpu.memory_space<vmem>> -> memref<64xi32, #tpu.memory_space<vmem>>
        %dma_wait3A_307 = arith.constant 0 : i32
        %dma_wait3A_308 = arith.constant 0 : i32
        %dma_wait3A_309 = tpu.memref_slice %arg22[%dma_wait3A_307, %dma_wait3A_308] : memref<8192x32xf32, #tpu.memory_space<vmem_shared>> -> memref<8192x32xf32, #tpu.memory_space<vmem_shared>>
        tpu.wait_indirect_dma semaphore(%arg27 : memref<!tpu.dma_semaphore, #tpu.memory_space<semaphore_mem>>) src(%dma_wait3A_309 : memref<8192x32xf32, #tpu.memory_space<vmem_shared>>) dst(%dma_wait3A_305 : memref<64x32xf32, #tpu.memory_space<vmem>>)
        %mul3A_310 = arith.constant 320 : i32
        %mul3A_311 = arith.muli %add3A_147, %mul3A_310 : i32
        %add3A_312 = arith.constant 0 : i32
        %add3A_313 = arith.addi %mul3A_311, %add3A_312 : i32
        %mul3A_314 = arith.constant 320 : i32
        %mul3A_315 = arith.muli %add3A_147, %mul3A_314 : i32
        %add3A_316 = arith.constant 128 : i32
        %add3A_317 = arith.addi %mul3A_315, %add3A_316 : i32
        %mul3A_318 = arith.constant 320 : i32
        %mul3A_319 = arith.muli %add3A_147, %mul3A_318 : i32
        %add3A_320 = arith.constant 256 : i32
        %add3A_321 = arith.addi %mul3A_319, %add3A_320 : i32
        %dma_wait3A_322 = arith.constant 0 : i32
        %dma_wait3A_323 = arith.constant 0 : i32
        %dma_wait3A_324 = tpu.memref_slice %arg15[%dma_wait3A_322, %dma_wait3A_323] : memref<320x64xf32, #tpu.memory_space<vmem>> -> memref<128x64xf32, #tpu.memory_space<vmem>>
        %dma_wait3A_325 = tpu.memref_slice %arg11[%add3A_313] : memref<3200xi32, #tpu.memory_space<vmem>> -> memref<128xi32, #tpu.memory_space<vmem>>
        %dma_wait3A_326 = arith.constant 0 : i32
        %dma_wait3A_327 = arith.constant 0 : i32
        %dma_wait3A_328 = tpu.memref_slice %arg6[%dma_wait3A_326, %dma_wait3A_327] : memref<100000x64xf32, #tpu.memory_space<hbm>> -> memref<100000x64xf32, #tpu.memory_space<hbm>>
        tpu.wait_indirect_dma semaphore(%arg23 : memref<!tpu.dma_semaphore, #tpu.memory_space<semaphore_mem>>) src(%dma_wait3A_328 : memref<100000x64xf32, #tpu.memory_space<hbm>>) dst(%dma_wait3A_324 : memref<128x64xf32, #tpu.memory_space<vmem>>)
        %dma_wait3A_329 = arith.constant 128 : i32
        %dma_wait3A_330 = arith.constant 0 : i32
        %dma_wait3A_331 = tpu.memref_slice %arg15[%dma_wait3A_329, %dma_wait3A_330] : memref<320x64xf32, #tpu.memory_space<vmem>> -> memref<128x64xf32, #tpu.memory_space<vmem>>
        %dma_wait3A_332 = tpu.memref_slice %arg11[%add3A_317] : memref<3200xi32, #tpu.memory_space<vmem>> -> memref<128xi32, #tpu.memory_space<vmem>>
        %dma_wait3A_333 = arith.constant 0 : i32
        %dma_wait3A_334 = arith.constant 0 : i32
        %dma_wait3A_335 = tpu.memref_slice %arg6[%dma_wait3A_333, %dma_wait3A_334] : memref<100000x64xf32, #tpu.memory_space<hbm>> -> memref<100000x64xf32, #tpu.memory_space<hbm>>
        tpu.wait_indirect_dma semaphore(%arg23 : memref<!tpu.dma_semaphore, #tpu.memory_space<semaphore_mem>>) src(%dma_wait3A_335 : memref<100000x64xf32, #tpu.memory_space<hbm>>) dst(%dma_wait3A_331 : memref<128x64xf32, #tpu.memory_space<vmem>>)
        %dma_wait3A_336 = arith.constant 256 : i32
        %dma_wait3A_337 = arith.constant 0 : i32
        %dma_wait3A_338 = tpu.memref_slice %arg15[%dma_wait3A_336, %dma_wait3A_337] : memref<320x64xf32, #tpu.memory_space<vmem>> -> memref<64x64xf32, #tpu.memory_space<vmem>>
        %dma_wait3A_339 = tpu.memref_slice %arg11[%add3A_321] : memref<3200xi32, #tpu.memory_space<vmem>> -> memref<64xi32, #tpu.memory_space<vmem>>
        %dma_wait3A_340 = arith.constant 0 : i32
        %dma_wait3A_341 = arith.constant 0 : i32
        %dma_wait3A_342 = tpu.memref_slice %arg6[%dma_wait3A_340, %dma_wait3A_341] : memref<100000x64xf32, #tpu.memory_space<hbm>> -> memref<100000x64xf32, #tpu.memory_space<hbm>>
        tpu.wait_indirect_dma semaphore(%arg23 : memref<!tpu.dma_semaphore, #tpu.memory_space<semaphore_mem>>) src(%dma_wait3A_342 : memref<100000x64xf32, #tpu.memory_space<hbm>>) dst(%dma_wait3A_338 : memref<64x64xf32, #tpu.memory_space<vmem>>)
        %mul3A_343 = arith.constant 320 : i32
        %mul3A_344 = arith.muli %add3A_147, %mul3A_343 : i32
        %add3A_345 = arith.addi %mul3A_2, %mul3A_344 : i32
        %dma_start3A_346 = arith.constant 0 : i32
        %dma_start3A_347 = arith.constant 0 : i32
        %dma_start3A_348 = tpu.memref_slice %arg12[%dma_start3A_346, %dma_start3A_347] : memref<320x16xf32, #tpu.memory_space<vmem>> -> memref<320x16xf32, #tpu.memory_space<vmem>>
        %dma_start3A_349 = arith.constant 0 : i32
        %dma_start3A_350 = tpu.memref_slice %arg7[%add3A_345, %dma_start3A_349] : memref<100000x128xf32, #tpu.memory_space<hbm>> -> memref<320x16xf32, #tpu.memory_space<hbm>>
        %dma_start3A_351 = arith.constant 0 : i32
        %dma_start3A_352 = tpu.memref_slice %arg7[%add3A_345, %dma_start3A_351] : memref<100000x128xf32, #tpu.memory_space<hbm>> -> memref<320x16xf32, #tpu.memory_space<hbm>>
        %dma_start3A_353 = arith.constant 0 : i32
        %dma_start3A_354 = arith.constant 0 : i32
        %dma_start3A_355 = tpu.memref_slice %arg12[%dma_start3A_353, %dma_start3A_354] : memref<320x16xf32, #tpu.memory_space<vmem>> -> memref<320x16xf32, #tpu.memory_space<vmem>>
        tpu.enqueue_dma source(%dma_start3A_355 : memref<320x16xf32, #tpu.memory_space<vmem>>) target(%dma_start3A_352 : memref<320x16xf32, #tpu.memory_space<hbm>>) target_semaphore(%arg25 : memref<!tpu.dma_semaphore, #tpu.memory_space<semaphore_mem>>)
        %mul3A_356 = arith.constant 320 : i32
        %mul3A_357 = arith.muli %add3A_147, %mul3A_356 : i32
        %add3A_358 = arith.addi %mul3A_2, %mul3A_357 : i32
        %dma_start3A_359 = arith.constant 0 : i32
        %dma_start3A_360 = arith.constant 0 : i32
        %dma_start3A_361 = tpu.memref_slice %arg13[%dma_start3A_359, %dma_start3A_360] : memref<320x16xf32, #tpu.memory_space<vmem>> -> memref<320x16xf32, #tpu.memory_space<vmem>>
        %dma_start3A_362 = arith.constant 16 : i32
        %dma_start3A_363 = tpu.memref_slice %arg7[%add3A_358, %dma_start3A_362] : memref<100000x128xf32, #tpu.memory_space<hbm>> -> memref<320x16xf32, #tpu.memory_space<hbm>>
        %dma_start3A_364 = arith.constant 16 : i32
        %dma_start3A_365 = tpu.memref_slice %arg7[%add3A_358, %dma_start3A_364] : memref<100000x128xf32, #tpu.memory_space<hbm>> -> memref<320x16xf32, #tpu.memory_space<hbm>>
        %dma_start3A_366 = arith.constant 0 : i32
        %dma_start3A_367 = arith.constant 0 : i32
        %dma_start3A_368 = tpu.memref_slice %arg13[%dma_start3A_366, %dma_start3A_367] : memref<320x16xf32, #tpu.memory_space<vmem>> -> memref<320x16xf32, #tpu.memory_space<vmem>>
        tpu.enqueue_dma source(%dma_start3A_368 : memref<320x16xf32, #tpu.memory_space<vmem>>) target(%dma_start3A_365 : memref<320x16xf32, #tpu.memory_space<hbm>>) target_semaphore(%arg25 : memref<!tpu.dma_semaphore, #tpu.memory_space<semaphore_mem>>)
        %mul3A_369 = arith.constant 320 : i32
        %mul3A_370 = arith.muli %add3A_147, %mul3A_369 : i32
        %add3A_371 = arith.addi %mul3A_2, %mul3A_370 : i32
        %dma_start3A_372 = arith.constant 0 : i32
        %dma_start3A_373 = arith.constant 0 : i32
        %dma_start3A_374 = tpu.memref_slice %arg14[%dma_start3A_372, %dma_start3A_373] : memref<320x32xf32, #tpu.memory_space<vmem>> -> memref<320x32xf32, #tpu.memory_space<vmem>>
        %dma_start3A_375 = arith.constant 32 : i32
        %dma_start3A_376 = tpu.memref_slice %arg7[%add3A_371, %dma_start3A_375] : memref<100000x128xf32, #tpu.memory_space<hbm>> -> memref<320x32xf32, #tpu.memory_space<hbm>>
        %dma_start3A_377 = arith.constant 32 : i32
        %dma_start3A_378 = tpu.memref_slice %arg7[%add3A_371, %dma_start3A_377] : memref<100000x128xf32, #tpu.memory_space<hbm>> -> memref<320x32xf32, #tpu.memory_space<hbm>>
        %dma_start3A_379 = arith.constant 0 : i32
        %dma_start3A_380 = arith.constant 0 : i32
        %dma_start3A_381 = tpu.memref_slice %arg14[%dma_start3A_379, %dma_start3A_380] : memref<320x32xf32, #tpu.memory_space<vmem>> -> memref<320x32xf32, #tpu.memory_space<vmem>>
        tpu.enqueue_dma source(%dma_start3A_381 : memref<320x32xf32, #tpu.memory_space<vmem>>) target(%dma_start3A_378 : memref<320x32xf32, #tpu.memory_space<hbm>>) target_semaphore(%arg25 : memref<!tpu.dma_semaphore, #tpu.memory_space<semaphore_mem>>)
        %mul3A_382 = arith.constant 320 : i32
        %mul3A_383 = arith.muli %add3A_147, %mul3A_382 : i32
        %add3A_384 = arith.addi %mul3A_2, %mul3A_383 : i32
        %dma_start3A_385 = arith.constant 0 : i32
        %dma_start3A_386 = arith.constant 0 : i32
        %dma_start3A_387 = tpu.memref_slice %arg15[%dma_start3A_385, %dma_start3A_386] : memref<320x64xf32, #tpu.memory_space<vmem>> -> memref<320x64xf32, #tpu.memory_space<vmem>>
        %dma_start3A_388 = arith.constant 64 : i32
        %dma_start3A_389 = tpu.memref_slice %arg7[%add3A_384, %dma_start3A_388] : memref<100000x128xf32, #tpu.memory_space<hbm>> -> memref<320x64xf32, #tpu.memory_space<hbm>>
        %dma_start3A_390 = arith.constant 64 : i32
        %dma_start3A_391 = tpu.memref_slice %arg7[%add3A_384, %dma_start3A_390] : memref<100000x128xf32, #tpu.memory_space<hbm>> -> memref<320x64xf32, #tpu.memory_space<hbm>>
        %dma_start3A_392 = arith.constant 0 : i32
        %dma_start3A_393 = arith.constant 0 : i32
        %dma_start3A_394 = tpu.memref_slice %arg15[%dma_start3A_392, %dma_start3A_393] : memref<320x64xf32, #tpu.memory_space<vmem>> -> memref<320x64xf32, #tpu.memory_space<vmem>>
        tpu.enqueue_dma source(%dma_start3A_394 : memref<320x64xf32, #tpu.memory_space<vmem>>) target(%dma_start3A_391 : memref<320x64xf32, #tpu.memory_space<hbm>>) target_semaphore(%arg25 : memref<!tpu.dma_semaphore, #tpu.memory_space<semaphore_mem>>)
        %dma_wait3A_395 = arith.constant 0 : i32
        %dma_wait3A_396 = arith.constant 0 : i32
        %dma_wait3A_397 = tpu.memref_slice %arg12[%dma_wait3A_395, %dma_wait3A_396] : memref<320x16xf32, #tpu.memory_space<vmem>> -> memref<320x16xf32, #tpu.memory_space<vmem>>
        %dma_wait3A_398 = arith.constant 0 : i32
        %dma_wait3A_399 = tpu.memref_slice %arg7[%add3A_345, %dma_wait3A_398] : memref<100000x128xf32, #tpu.memory_space<hbm>> -> memref<320x16xf32, #tpu.memory_space<hbm>>
        %dma_wait3A_400 = arith.constant 0 : i32
        %dma_wait3A_401 = tpu.memref_slice %arg7[%add3A_345, %dma_wait3A_400] : memref<100000x128xf32, #tpu.memory_space<hbm>> -> memref<320x16xf32, #tpu.memory_space<hbm>>
        %dma_wait3A_402 = arith.constant 0 : i32
        %dma_wait3A_403 = arith.constant 0 : i32
        %dma_wait3A_404 = tpu.memref_slice %arg12[%dma_wait3A_402, %dma_wait3A_403] : memref<320x16xf32, #tpu.memory_space<vmem>> -> memref<320x16xf32, #tpu.memory_space<vmem>>
        tpu.wait_dma2 semaphore(%arg25 : memref<!tpu.dma_semaphore, #tpu.memory_space<semaphore_mem>>) src(%dma_wait3A_404 : memref<320x16xf32, #tpu.memory_space<vmem>>) dst(%dma_wait3A_401 : memref<320x16xf32, #tpu.memory_space<hbm>>)
        %dma_wait3A_405 = arith.constant 0 : i32
        %dma_wait3A_406 = arith.constant 0 : i32
        %dma_wait3A_407 = tpu.memref_slice %arg13[%dma_wait3A_405, %dma_wait3A_406] : memref<320x16xf32, #tpu.memory_space<vmem>> -> memref<320x16xf32, #tpu.memory_space<vmem>>
        %dma_wait3A_408 = arith.constant 16 : i32
        %dma_wait3A_409 = tpu.memref_slice %arg7[%add3A_358, %dma_wait3A_408] : memref<100000x128xf32, #tpu.memory_space<hbm>> -> memref<320x16xf32, #tpu.memory_space<hbm>>
        %dma_wait3A_410 = arith.constant 16 : i32
        %dma_wait3A_411 = tpu.memref_slice %arg7[%add3A_358, %dma_wait3A_410] : memref<100000x128xf32, #tpu.memory_space<hbm>> -> memref<320x16xf32, #tpu.memory_space<hbm>>
        %dma_wait3A_412 = arith.constant 0 : i32
        %dma_wait3A_413 = arith.constant 0 : i32
        %dma_wait3A_414 = tpu.memref_slice %arg13[%dma_wait3A_412, %dma_wait3A_413] : memref<320x16xf32, #tpu.memory_space<vmem>> -> memref<320x16xf32, #tpu.memory_space<vmem>>
        tpu.wait_dma2 semaphore(%arg25 : memref<!tpu.dma_semaphore, #tpu.memory_space<semaphore_mem>>) src(%dma_wait3A_414 : memref<320x16xf32, #tpu.memory_space<vmem>>) dst(%dma_wait3A_411 : memref<320x16xf32, #tpu.memory_space<hbm>>)
        %dma_wait3A_415 = arith.constant 0 : i32
        %dma_wait3A_416 = arith.constant 0 : i32
        %dma_wait3A_417 = tpu.memref_slice %arg14[%dma_wait3A_415, %dma_wait3A_416] : memref<320x32xf32, #tpu.memory_space<vmem>> -> memref<320x32xf32, #tpu.memory_space<vmem>>
        %dma_wait3A_418 = arith.constant 32 : i32
        %dma_wait3A_419 = tpu.memref_slice %arg7[%add3A_371, %dma_wait3A_418] : memref<100000x128xf32, #tpu.memory_space<hbm>> -> memref<320x32xf32, #tpu.memory_space<hbm>>
        %dma_wait3A_420 = arith.constant 32 : i32
        %dma_wait3A_421 = tpu.memref_slice %arg7[%add3A_371, %dma_wait3A_420] : memref<100000x128xf32, #tpu.memory_space<hbm>> -> memref<320x32xf32, #tpu.memory_space<hbm>>
        %dma_wait3A_422 = arith.constant 0 : i32
        %dma_wait3A_423 = arith.constant 0 : i32
        %dma_wait3A_424 = tpu.memref_slice %arg14[%dma_wait3A_422, %dma_wait3A_423] : memref<320x32xf32, #tpu.memory_space<vmem>> -> memref<320x32xf32, #tpu.memory_space<vmem>>
        tpu.wait_dma2 semaphore(%arg25 : memref<!tpu.dma_semaphore, #tpu.memory_space<semaphore_mem>>) src(%dma_wait3A_424 : memref<320x32xf32, #tpu.memory_space<vmem>>) dst(%dma_wait3A_421 : memref<320x32xf32, #tpu.memory_space<hbm>>)
        %dma_wait3A_425 = arith.constant 0 : i32
        %dma_wait3A_426 = arith.constant 0 : i32
        %dma_wait3A_427 = tpu.memref_slice %arg15[%dma_wait3A_425, %dma_wait3A_426] : memref<320x64xf32, #tpu.memory_space<vmem>> -> memref<320x64xf32, #tpu.memory_space<vmem>>
        %dma_wait3A_428 = arith.constant 64 : i32
        %dma_wait3A_429 = tpu.memref_slice %arg7[%add3A_384, %dma_wait3A_428] : memref<100000x128xf32, #tpu.memory_space<hbm>> -> memref<320x64xf32, #tpu.memory_space<hbm>>
        %dma_wait3A_430 = arith.constant 64 : i32
        %dma_wait3A_431 = tpu.memref_slice %arg7[%add3A_384, %dma_wait3A_430] : memref<100000x128xf32, #tpu.memory_space<hbm>> -> memref<320x64xf32, #tpu.memory_space<hbm>>
        %dma_wait3A_432 = arith.constant 0 : i32
        %dma_wait3A_433 = arith.constant 0 : i32
        %dma_wait3A_434 = tpu.memref_slice %arg15[%dma_wait3A_432, %dma_wait3A_433] : memref<320x64xf32, #tpu.memory_space<vmem>> -> memref<320x64xf32, #tpu.memory_space<vmem>>
        tpu.wait_dma2 semaphore(%arg25 : memref<!tpu.dma_semaphore, #tpu.memory_space<semaphore_mem>>) src(%dma_wait3A_434 : memref<320x64xf32, #tpu.memory_space<vmem>>) dst(%dma_wait3A_431 : memref<320x64xf32, #tpu.memory_space<hbm>>)
        %add3A_435 = arith.constant 2 : i32
        %add3A_436 = arith.addi %add3A_147, %add3A_435 : i32
        %lt3A_437 = arith.constant 10 : i32
        %lt3A_438 = arith.cmpi slt, %add3A_436, %lt3A_437 : i32
        %convert_element_type3A_439 = arith.extui %lt3A_438 : i1 to i32
        %cond3A_440 = arith.constant 0 : i32
        %cond3A_441 = arith.cmpi ne, %convert_element_type3A_439, %cond3A_440 : i32
        scf.if %cond3A_441 {
          %add3A_741 = arith.constant 2 : i32
          %add3A_742 = arith.addi %add3A_147, %add3A_741 : i32
          %mul3A_743 = arith.constant 320 : i32
          %mul3A_744 = arith.muli %add3A_742, %mul3A_743 : i32
          %add3A_745 = arith.constant 0 : i32
          %add3A_746 = arith.addi %mul3A_744, %add3A_745 : i32
          %mul3A_747 = arith.constant 320 : i32
          %mul3A_748 = arith.muli %add3A_742, %mul3A_747 : i32
          %add3A_749 = arith.constant 128 : i32
          %add3A_750 = arith.addi %mul3A_748, %add3A_749 : i32
          %mul3A_751 = arith.constant 320 : i32
          %mul3A_752 = arith.muli %add3A_742, %mul3A_751 : i32
          %add3A_753 = arith.constant 256 : i32
          %add3A_754 = arith.addi %mul3A_752, %add3A_753 : i32
          %dma_start3A_755 = arith.constant 0 : i32
          %dma_start3A_756 = arith.constant 0 : i32
          %dma_start3A_757 = tpu.memref_slice %arg15[%dma_start3A_755, %dma_start3A_756] : memref<320x64xf32, #tpu.memory_space<vmem>> -> memref<128x64xf32, #tpu.memory_space<vmem>>
          %dma_start3A_758 = tpu.memref_slice %arg11[%add3A_746] : memref<3200xi32, #tpu.memory_space<vmem>> -> memref<128xi32, #tpu.memory_space<vmem>>
          %dma_start3A_759 = arith.constant 0 : i32
          %dma_start3A_760 = arith.constant 0 : i32
          %dma_start3A_761 = tpu.memref_slice %arg6[%dma_start3A_759, %dma_start3A_760] : memref<100000x64xf32, #tpu.memory_space<hbm>> -> memref<100000x64xf32, #tpu.memory_space<hbm>>
          tpu.enqueue_indirect_dma source(%dma_start3A_761 : memref<100000x64xf32, #tpu.memory_space<hbm>>) target(%dma_start3A_757 : memref<128x64xf32, #tpu.memory_space<vmem>>) offsets(%dma_start3A_758 : memref<128xi32, #tpu.memory_space<vmem>>) semaphore(%arg23 : memref<!tpu.dma_semaphore, #tpu.memory_space<semaphore_mem>>)
          %dma_start3A_762 = arith.constant 128 : i32
          %dma_start3A_763 = arith.constant 0 : i32
          %dma_start3A_764 = tpu.memref_slice %arg15[%dma_start3A_762, %dma_start3A_763] : memref<320x64xf32, #tpu.memory_space<vmem>> -> memref<128x64xf32, #tpu.memory_space<vmem>>
          %dma_start3A_765 = tpu.memref_slice %arg11[%add3A_750] : memref<3200xi32, #tpu.memory_space<vmem>> -> memref<128xi32, #tpu.memory_space<vmem>>
          %dma_start3A_766 = arith.constant 0 : i32
          %dma_start3A_767 = arith.constant 0 : i32
          %dma_start3A_768 = tpu.memref_slice %arg6[%dma_start3A_766, %dma_start3A_767] : memref<100000x64xf32, #tpu.memory_space<hbm>> -> memref<100000x64xf32, #tpu.memory_space<hbm>>
          tpu.enqueue_indirect_dma source(%dma_start3A_768 : memref<100000x64xf32, #tpu.memory_space<hbm>>) target(%dma_start3A_764 : memref<128x64xf32, #tpu.memory_space<vmem>>) offsets(%dma_start3A_765 : memref<128xi32, #tpu.memory_space<vmem>>) semaphore(%arg23 : memref<!tpu.dma_semaphore, #tpu.memory_space<semaphore_mem>>)
          %dma_start3A_769 = arith.constant 256 : i32
          %dma_start3A_770 = arith.constant 0 : i32
          %dma_start3A_771 = tpu.memref_slice %arg15[%dma_start3A_769, %dma_start3A_770] : memref<320x64xf32, #tpu.memory_space<vmem>> -> memref<64x64xf32, #tpu.memory_space<vmem>>
          %dma_start3A_772 = tpu.memref_slice %arg11[%add3A_754] : memref<3200xi32, #tpu.memory_space<vmem>> -> memref<64xi32, #tpu.memory_space<vmem>>
          %dma_start3A_773 = arith.constant 0 : i32
          %dma_start3A_774 = arith.constant 0 : i32
          %dma_start3A_775 = tpu.memref_slice %arg6[%dma_start3A_773, %dma_start3A_774] : memref<100000x64xf32, #tpu.memory_space<hbm>> -> memref<100000x64xf32, #tpu.memory_space<hbm>>
          tpu.enqueue_indirect_dma source(%dma_start3A_775 : memref<100000x64xf32, #tpu.memory_space<hbm>>) target(%dma_start3A_771 : memref<64x64xf32, #tpu.memory_space<vmem>>) offsets(%dma_start3A_772 : memref<64xi32, #tpu.memory_space<vmem>>) semaphore(%arg23 : memref<!tpu.dma_semaphore, #tpu.memory_space<semaphore_mem>>)
        } else {
        }
        %mul3A_442 = arith.constant 2 : i32
        %mul3A_443 = arith.muli %mul3A_442, %scan3A_142 : i32
        %add3A_444 = arith.constant 1 : i32
        %add3A_445 = arith.addi %mul3A_443, %add3A_444 : i32
        %mul3A_446 = arith.constant 320 : i32
        %mul3A_447 = arith.muli %add3A_445, %mul3A_446 : i32
        %add3A_448 = arith.constant 0 : i32
        %add3A_449 = arith.addi %mul3A_447, %add3A_448 : i32
        %dma_start3A_450 = arith.constant 0 : i32
        %dma_start3A_451 = arith.constant 0 : i32
        %dma_start3A_452 = tpu.memref_slice %arg16[%dma_start3A_450, %dma_start3A_451] : memref<320x16xf32, #tpu.memory_space<vmem>> -> memref<128x16xf32, #tpu.memory_space<vmem>>
        %dma_start3A_453 = tpu.memref_slice %arg8[%add3A_449] : memref<3200xi32, #tpu.memory_space<vmem>> -> memref<128xi32, #tpu.memory_space<vmem>>
        %dma_start3A_454 = arith.constant 0 : i32
        %dma_start3A_455 = arith.constant 0 : i32
        %dma_start3A_456 = tpu.memref_slice %arg20[%dma_start3A_454, %dma_start3A_455] : memref<32x16xf32, #tpu.memory_space<vmem_shared>> -> memref<32x16xf32, #tpu.memory_space<vmem_shared>>
        tpu.enqueue_indirect_dma source(%dma_start3A_456 : memref<32x16xf32, #tpu.memory_space<vmem_shared>>) target(%dma_start3A_452 : memref<128x16xf32, #tpu.memory_space<vmem>>) offsets(%dma_start3A_453 : memref<128xi32, #tpu.memory_space<vmem>>) semaphore(%arg27 : memref<!tpu.dma_semaphore, #tpu.memory_space<semaphore_mem>>)
        %mul3A_457 = arith.constant 320 : i32
        %mul3A_458 = arith.muli %add3A_445, %mul3A_457 : i32
        %add3A_459 = arith.constant 0 : i32
        %add3A_460 = arith.addi %mul3A_458, %add3A_459 : i32
        %dma_start3A_461 = arith.constant 0 : i32
        %dma_start3A_462 = arith.constant 0 : i32
        %dma_start3A_463 = tpu.memref_slice %arg17[%dma_start3A_461, %dma_start3A_462] : memref<320x16xf32, #tpu.memory_space<vmem>> -> memref<128x16xf32, #tpu.memory_space<vmem>>
        %dma_start3A_464 = tpu.memref_slice %arg9[%add3A_460] : memref<3200xi32, #tpu.memory_space<vmem>> -> memref<128xi32, #tpu.memory_space<vmem>>
        %dma_start3A_465 = arith.constant 0 : i32
        %dma_start3A_466 = arith.constant 0 : i32
        %dma_start3A_467 = tpu.memref_slice %arg21[%dma_start3A_465, %dma_start3A_466] : memref<512x16xf32, #tpu.memory_space<vmem_shared>> -> memref<512x16xf32, #tpu.memory_space<vmem_shared>>
        tpu.enqueue_indirect_dma source(%dma_start3A_467 : memref<512x16xf32, #tpu.memory_space<vmem_shared>>) target(%dma_start3A_463 : memref<128x16xf32, #tpu.memory_space<vmem>>) offsets(%dma_start3A_464 : memref<128xi32, #tpu.memory_space<vmem>>) semaphore(%arg27 : memref<!tpu.dma_semaphore, #tpu.memory_space<semaphore_mem>>)
        %mul3A_468 = arith.constant 320 : i32
        %mul3A_469 = arith.muli %add3A_445, %mul3A_468 : i32
        %add3A_470 = arith.constant 0 : i32
        %add3A_471 = arith.addi %mul3A_469, %add3A_470 : i32
        %dma_start3A_472 = arith.constant 0 : i32
        %dma_start3A_473 = arith.constant 0 : i32
        %dma_start3A_474 = tpu.memref_slice %arg18[%dma_start3A_472, %dma_start3A_473] : memref<320x32xf32, #tpu.memory_space<vmem>> -> memref<128x32xf32, #tpu.memory_space<vmem>>
        %dma_start3A_475 = tpu.memref_slice %arg10[%add3A_471] : memref<3200xi32, #tpu.memory_space<vmem>> -> memref<128xi32, #tpu.memory_space<vmem>>
        %dma_start3A_476 = arith.constant 0 : i32
        %dma_start3A_477 = arith.constant 0 : i32
        %dma_start3A_478 = tpu.memref_slice %arg22[%dma_start3A_476, %dma_start3A_477] : memref<8192x32xf32, #tpu.memory_space<vmem_shared>> -> memref<8192x32xf32, #tpu.memory_space<vmem_shared>>
        tpu.enqueue_indirect_dma source(%dma_start3A_478 : memref<8192x32xf32, #tpu.memory_space<vmem_shared>>) target(%dma_start3A_474 : memref<128x32xf32, #tpu.memory_space<vmem>>) offsets(%dma_start3A_475 : memref<128xi32, #tpu.memory_space<vmem>>) semaphore(%arg27 : memref<!tpu.dma_semaphore, #tpu.memory_space<semaphore_mem>>)
        %mul3A_479 = arith.constant 320 : i32
        %mul3A_480 = arith.muli %add3A_445, %mul3A_479 : i32
        %add3A_481 = arith.constant 128 : i32
        %add3A_482 = arith.addi %mul3A_480, %add3A_481 : i32
        %dma_start3A_483 = arith.constant 128 : i32
        %dma_start3A_484 = arith.constant 0 : i32
        %dma_start3A_485 = tpu.memref_slice %arg16[%dma_start3A_483, %dma_start3A_484] : memref<320x16xf32, #tpu.memory_space<vmem>> -> memref<128x16xf32, #tpu.memory_space<vmem>>
        %dma_start3A_486 = tpu.memref_slice %arg8[%add3A_482] : memref<3200xi32, #tpu.memory_space<vmem>> -> memref<128xi32, #tpu.memory_space<vmem>>
        %dma_start3A_487 = arith.constant 0 : i32
        %dma_start3A_488 = arith.constant 0 : i32
        %dma_start3A_489 = tpu.memref_slice %arg20[%dma_start3A_487, %dma_start3A_488] : memref<32x16xf32, #tpu.memory_space<vmem_shared>> -> memref<32x16xf32, #tpu.memory_space<vmem_shared>>
        tpu.enqueue_indirect_dma source(%dma_start3A_489 : memref<32x16xf32, #tpu.memory_space<vmem_shared>>) target(%dma_start3A_485 : memref<128x16xf32, #tpu.memory_space<vmem>>) offsets(%dma_start3A_486 : memref<128xi32, #tpu.memory_space<vmem>>) semaphore(%arg27 : memref<!tpu.dma_semaphore, #tpu.memory_space<semaphore_mem>>)
        %mul3A_490 = arith.constant 320 : i32
        %mul3A_491 = arith.muli %add3A_445, %mul3A_490 : i32
        %add3A_492 = arith.constant 128 : i32
        %add3A_493 = arith.addi %mul3A_491, %add3A_492 : i32
        %dma_start3A_494 = arith.constant 128 : i32
        %dma_start3A_495 = arith.constant 0 : i32
        %dma_start3A_496 = tpu.memref_slice %arg17[%dma_start3A_494, %dma_start3A_495] : memref<320x16xf32, #tpu.memory_space<vmem>> -> memref<128x16xf32, #tpu.memory_space<vmem>>
        %dma_start3A_497 = tpu.memref_slice %arg9[%add3A_493] : memref<3200xi32, #tpu.memory_space<vmem>> -> memref<128xi32, #tpu.memory_space<vmem>>
        %dma_start3A_498 = arith.constant 0 : i32
        %dma_start3A_499 = arith.constant 0 : i32
        %dma_start3A_500 = tpu.memref_slice %arg21[%dma_start3A_498, %dma_start3A_499] : memref<512x16xf32, #tpu.memory_space<vmem_shared>> -> memref<512x16xf32, #tpu.memory_space<vmem_shared>>
        tpu.enqueue_indirect_dma source(%dma_start3A_500 : memref<512x16xf32, #tpu.memory_space<vmem_shared>>) target(%dma_start3A_496 : memref<128x16xf32, #tpu.memory_space<vmem>>) offsets(%dma_start3A_497 : memref<128xi32, #tpu.memory_space<vmem>>) semaphore(%arg27 : memref<!tpu.dma_semaphore, #tpu.memory_space<semaphore_mem>>)
        %mul3A_501 = arith.constant 320 : i32
        %mul3A_502 = arith.muli %add3A_445, %mul3A_501 : i32
        %add3A_503 = arith.constant 128 : i32
        %add3A_504 = arith.addi %mul3A_502, %add3A_503 : i32
        %dma_start3A_505 = arith.constant 128 : i32
        %dma_start3A_506 = arith.constant 0 : i32
        %dma_start3A_507 = tpu.memref_slice %arg18[%dma_start3A_505, %dma_start3A_506] : memref<320x32xf32, #tpu.memory_space<vmem>> -> memref<128x32xf32, #tpu.memory_space<vmem>>
        %dma_start3A_508 = tpu.memref_slice %arg10[%add3A_504] : memref<3200xi32, #tpu.memory_space<vmem>> -> memref<128xi32, #tpu.memory_space<vmem>>
        %dma_start3A_509 = arith.constant 0 : i32
        %dma_start3A_510 = arith.constant 0 : i32
        %dma_start3A_511 = tpu.memref_slice %arg22[%dma_start3A_509, %dma_start3A_510] : memref<8192x32xf32, #tpu.memory_space<vmem_shared>> -> memref<8192x32xf32, #tpu.memory_space<vmem_shared>>
        tpu.enqueue_indirect_dma source(%dma_start3A_511 : memref<8192x32xf32, #tpu.memory_space<vmem_shared>>) target(%dma_start3A_507 : memref<128x32xf32, #tpu.memory_space<vmem>>) offsets(%dma_start3A_508 : memref<128xi32, #tpu.memory_space<vmem>>) semaphore(%arg27 : memref<!tpu.dma_semaphore, #tpu.memory_space<semaphore_mem>>)
        %mul3A_512 = arith.constant 320 : i32
        %mul3A_513 = arith.muli %add3A_445, %mul3A_512 : i32
        %add3A_514 = arith.constant 256 : i32
        %add3A_515 = arith.addi %mul3A_513, %add3A_514 : i32
        %dma_start3A_516 = arith.constant 256 : i32
        %dma_start3A_517 = arith.constant 0 : i32
        %dma_start3A_518 = tpu.memref_slice %arg16[%dma_start3A_516, %dma_start3A_517] : memref<320x16xf32, #tpu.memory_space<vmem>> -> memref<64x16xf32, #tpu.memory_space<vmem>>
        %dma_start3A_519 = tpu.memref_slice %arg8[%add3A_515] : memref<3200xi32, #tpu.memory_space<vmem>> -> memref<64xi32, #tpu.memory_space<vmem>>
        %dma_start3A_520 = arith.constant 0 : i32
        %dma_start3A_521 = arith.constant 0 : i32
        %dma_start3A_522 = tpu.memref_slice %arg20[%dma_start3A_520, %dma_start3A_521] : memref<32x16xf32, #tpu.memory_space<vmem_shared>> -> memref<32x16xf32, #tpu.memory_space<vmem_shared>>
        tpu.enqueue_indirect_dma source(%dma_start3A_522 : memref<32x16xf32, #tpu.memory_space<vmem_shared>>) target(%dma_start3A_518 : memref<64x16xf32, #tpu.memory_space<vmem>>) offsets(%dma_start3A_519 : memref<64xi32, #tpu.memory_space<vmem>>) semaphore(%arg27 : memref<!tpu.dma_semaphore, #tpu.memory_space<semaphore_mem>>)
        %mul3A_523 = arith.constant 320 : i32
        %mul3A_524 = arith.muli %add3A_445, %mul3A_523 : i32
        %add3A_525 = arith.constant 256 : i32
        %add3A_526 = arith.addi %mul3A_524, %add3A_525 : i32
        %dma_start3A_527 = arith.constant 256 : i32
        %dma_start3A_528 = arith.constant 0 : i32
        %dma_start3A_529 = tpu.memref_slice %arg17[%dma_start3A_527, %dma_start3A_528] : memref<320x16xf32, #tpu.memory_space<vmem>> -> memref<64x16xf32, #tpu.memory_space<vmem>>
        %dma_start3A_530 = tpu.memref_slice %arg9[%add3A_526] : memref<3200xi32, #tpu.memory_space<vmem>> -> memref<64xi32, #tpu.memory_space<vmem>>
        %dma_start3A_531 = arith.constant 0 : i32
        %dma_start3A_532 = arith.constant 0 : i32
        %dma_start3A_533 = tpu.memref_slice %arg21[%dma_start3A_531, %dma_start3A_532] : memref<512x16xf32, #tpu.memory_space<vmem_shared>> -> memref<512x16xf32, #tpu.memory_space<vmem_shared>>
        tpu.enqueue_indirect_dma source(%dma_start3A_533 : memref<512x16xf32, #tpu.memory_space<vmem_shared>>) target(%dma_start3A_529 : memref<64x16xf32, #tpu.memory_space<vmem>>) offsets(%dma_start3A_530 : memref<64xi32, #tpu.memory_space<vmem>>) semaphore(%arg27 : memref<!tpu.dma_semaphore, #tpu.memory_space<semaphore_mem>>)
        %mul3A_534 = arith.constant 320 : i32
        %mul3A_535 = arith.muli %add3A_445, %mul3A_534 : i32
        %add3A_536 = arith.constant 256 : i32
        %add3A_537 = arith.addi %mul3A_535, %add3A_536 : i32
        %dma_start3A_538 = arith.constant 256 : i32
        %dma_start3A_539 = arith.constant 0 : i32
        %dma_start3A_540 = tpu.memref_slice %arg18[%dma_start3A_538, %dma_start3A_539] : memref<320x32xf32, #tpu.memory_space<vmem>> -> memref<64x32xf32, #tpu.memory_space<vmem>>
        %dma_start3A_541 = tpu.memref_slice %arg10[%add3A_537] : memref<3200xi32, #tpu.memory_space<vmem>> -> memref<64xi32, #tpu.memory_space<vmem>>
        %dma_start3A_542 = arith.constant 0 : i32
        %dma_start3A_543 = arith.constant 0 : i32
        %dma_start3A_544 = tpu.memref_slice %arg22[%dma_start3A_542, %dma_start3A_543] : memref<8192x32xf32, #tpu.memory_space<vmem_shared>> -> memref<8192x32xf32, #tpu.memory_space<vmem_shared>>
        tpu.enqueue_indirect_dma source(%dma_start3A_544 : memref<8192x32xf32, #tpu.memory_space<vmem_shared>>) target(%dma_start3A_540 : memref<64x32xf32, #tpu.memory_space<vmem>>) offsets(%dma_start3A_541 : memref<64xi32, #tpu.memory_space<vmem>>) semaphore(%arg27 : memref<!tpu.dma_semaphore, #tpu.memory_space<semaphore_mem>>)
        %dma_wait3A_545 = arith.constant 0 : i32
        %dma_wait3A_546 = arith.constant 0 : i32
        %dma_wait3A_547 = tpu.memref_slice %arg16[%dma_wait3A_545, %dma_wait3A_546] : memref<320x16xf32, #tpu.memory_space<vmem>> -> memref<128x16xf32, #tpu.memory_space<vmem>>
        %dma_wait3A_548 = tpu.memref_slice %arg8[%add3A_449] : memref<3200xi32, #tpu.memory_space<vmem>> -> memref<128xi32, #tpu.memory_space<vmem>>
        %dma_wait3A_549 = arith.constant 0 : i32
        %dma_wait3A_550 = arith.constant 0 : i32
        %dma_wait3A_551 = tpu.memref_slice %arg20[%dma_wait3A_549, %dma_wait3A_550] : memref<32x16xf32, #tpu.memory_space<vmem_shared>> -> memref<32x16xf32, #tpu.memory_space<vmem_shared>>
        tpu.wait_indirect_dma semaphore(%arg27 : memref<!tpu.dma_semaphore, #tpu.memory_space<semaphore_mem>>) src(%dma_wait3A_551 : memref<32x16xf32, #tpu.memory_space<vmem_shared>>) dst(%dma_wait3A_547 : memref<128x16xf32, #tpu.memory_space<vmem>>)
        %dma_wait3A_552 = arith.constant 0 : i32
        %dma_wait3A_553 = arith.constant 0 : i32
        %dma_wait3A_554 = tpu.memref_slice %arg17[%dma_wait3A_552, %dma_wait3A_553] : memref<320x16xf32, #tpu.memory_space<vmem>> -> memref<128x16xf32, #tpu.memory_space<vmem>>
        %dma_wait3A_555 = tpu.memref_slice %arg9[%add3A_460] : memref<3200xi32, #tpu.memory_space<vmem>> -> memref<128xi32, #tpu.memory_space<vmem>>
        %dma_wait3A_556 = arith.constant 0 : i32
        %dma_wait3A_557 = arith.constant 0 : i32
        %dma_wait3A_558 = tpu.memref_slice %arg21[%dma_wait3A_556, %dma_wait3A_557] : memref<512x16xf32, #tpu.memory_space<vmem_shared>> -> memref<512x16xf32, #tpu.memory_space<vmem_shared>>
        tpu.wait_indirect_dma semaphore(%arg27 : memref<!tpu.dma_semaphore, #tpu.memory_space<semaphore_mem>>) src(%dma_wait3A_558 : memref<512x16xf32, #tpu.memory_space<vmem_shared>>) dst(%dma_wait3A_554 : memref<128x16xf32, #tpu.memory_space<vmem>>)
        %dma_wait3A_559 = arith.constant 0 : i32
        %dma_wait3A_560 = arith.constant 0 : i32
        %dma_wait3A_561 = tpu.memref_slice %arg18[%dma_wait3A_559, %dma_wait3A_560] : memref<320x32xf32, #tpu.memory_space<vmem>> -> memref<128x32xf32, #tpu.memory_space<vmem>>
        %dma_wait3A_562 = tpu.memref_slice %arg10[%add3A_471] : memref<3200xi32, #tpu.memory_space<vmem>> -> memref<128xi32, #tpu.memory_space<vmem>>
        %dma_wait3A_563 = arith.constant 0 : i32
        %dma_wait3A_564 = arith.constant 0 : i32
        %dma_wait3A_565 = tpu.memref_slice %arg22[%dma_wait3A_563, %dma_wait3A_564] : memref<8192x32xf32, #tpu.memory_space<vmem_shared>> -> memref<8192x32xf32, #tpu.memory_space<vmem_shared>>
        tpu.wait_indirect_dma semaphore(%arg27 : memref<!tpu.dma_semaphore, #tpu.memory_space<semaphore_mem>>) src(%dma_wait3A_565 : memref<8192x32xf32, #tpu.memory_space<vmem_shared>>) dst(%dma_wait3A_561 : memref<128x32xf32, #tpu.memory_space<vmem>>)
        %dma_wait3A_566 = arith.constant 128 : i32
        %dma_wait3A_567 = arith.constant 0 : i32
        %dma_wait3A_568 = tpu.memref_slice %arg16[%dma_wait3A_566, %dma_wait3A_567] : memref<320x16xf32, #tpu.memory_space<vmem>> -> memref<128x16xf32, #tpu.memory_space<vmem>>
        %dma_wait3A_569 = tpu.memref_slice %arg8[%add3A_482] : memref<3200xi32, #tpu.memory_space<vmem>> -> memref<128xi32, #tpu.memory_space<vmem>>
        %dma_wait3A_570 = arith.constant 0 : i32
        %dma_wait3A_571 = arith.constant 0 : i32
        %dma_wait3A_572 = tpu.memref_slice %arg20[%dma_wait3A_570, %dma_wait3A_571] : memref<32x16xf32, #tpu.memory_space<vmem_shared>> -> memref<32x16xf32, #tpu.memory_space<vmem_shared>>
        tpu.wait_indirect_dma semaphore(%arg27 : memref<!tpu.dma_semaphore, #tpu.memory_space<semaphore_mem>>) src(%dma_wait3A_572 : memref<32x16xf32, #tpu.memory_space<vmem_shared>>) dst(%dma_wait3A_568 : memref<128x16xf32, #tpu.memory_space<vmem>>)
        %dma_wait3A_573 = arith.constant 128 : i32
        %dma_wait3A_574 = arith.constant 0 : i32
        %dma_wait3A_575 = tpu.memref_slice %arg17[%dma_wait3A_573, %dma_wait3A_574] : memref<320x16xf32, #tpu.memory_space<vmem>> -> memref<128x16xf32, #tpu.memory_space<vmem>>
        %dma_wait3A_576 = tpu.memref_slice %arg9[%add3A_493] : memref<3200xi32, #tpu.memory_space<vmem>> -> memref<128xi32, #tpu.memory_space<vmem>>
        %dma_wait3A_577 = arith.constant 0 : i32
        %dma_wait3A_578 = arith.constant 0 : i32
        %dma_wait3A_579 = tpu.memref_slice %arg21[%dma_wait3A_577, %dma_wait3A_578] : memref<512x16xf32, #tpu.memory_space<vmem_shared>> -> memref<512x16xf32, #tpu.memory_space<vmem_shared>>
        tpu.wait_indirect_dma semaphore(%arg27 : memref<!tpu.dma_semaphore, #tpu.memory_space<semaphore_mem>>) src(%dma_wait3A_579 : memref<512x16xf32, #tpu.memory_space<vmem_shared>>) dst(%dma_wait3A_575 : memref<128x16xf32, #tpu.memory_space<vmem>>)
        %dma_wait3A_580 = arith.constant 128 : i32
        %dma_wait3A_581 = arith.constant 0 : i32
        %dma_wait3A_582 = tpu.memref_slice %arg18[%dma_wait3A_580, %dma_wait3A_581] : memref<320x32xf32, #tpu.memory_space<vmem>> -> memref<128x32xf32, #tpu.memory_space<vmem>>
        %dma_wait3A_583 = tpu.memref_slice %arg10[%add3A_504] : memref<3200xi32, #tpu.memory_space<vmem>> -> memref<128xi32, #tpu.memory_space<vmem>>
        %dma_wait3A_584 = arith.constant 0 : i32
        %dma_wait3A_585 = arith.constant 0 : i32
        %dma_wait3A_586 = tpu.memref_slice %arg22[%dma_wait3A_584, %dma_wait3A_585] : memref<8192x32xf32, #tpu.memory_space<vmem_shared>> -> memref<8192x32xf32, #tpu.memory_space<vmem_shared>>
        tpu.wait_indirect_dma semaphore(%arg27 : memref<!tpu.dma_semaphore, #tpu.memory_space<semaphore_mem>>) src(%dma_wait3A_586 : memref<8192x32xf32, #tpu.memory_space<vmem_shared>>) dst(%dma_wait3A_582 : memref<128x32xf32, #tpu.memory_space<vmem>>)
        %dma_wait3A_587 = arith.constant 256 : i32
        %dma_wait3A_588 = arith.constant 0 : i32
        %dma_wait3A_589 = tpu.memref_slice %arg16[%dma_wait3A_587, %dma_wait3A_588] : memref<320x16xf32, #tpu.memory_space<vmem>> -> memref<64x16xf32, #tpu.memory_space<vmem>>
        %dma_wait3A_590 = tpu.memref_slice %arg8[%add3A_515] : memref<3200xi32, #tpu.memory_space<vmem>> -> memref<64xi32, #tpu.memory_space<vmem>>
        %dma_wait3A_591 = arith.constant 0 : i32
        %dma_wait3A_592 = arith.constant 0 : i32
        %dma_wait3A_593 = tpu.memref_slice %arg20[%dma_wait3A_591, %dma_wait3A_592] : memref<32x16xf32, #tpu.memory_space<vmem_shared>> -> memref<32x16xf32, #tpu.memory_space<vmem_shared>>
        tpu.wait_indirect_dma semaphore(%arg27 : memref<!tpu.dma_semaphore, #tpu.memory_space<semaphore_mem>>) src(%dma_wait3A_593 : memref<32x16xf32, #tpu.memory_space<vmem_shared>>) dst(%dma_wait3A_589 : memref<64x16xf32, #tpu.memory_space<vmem>>)
        %dma_wait3A_594 = arith.constant 256 : i32
        %dma_wait3A_595 = arith.constant 0 : i32
        %dma_wait3A_596 = tpu.memref_slice %arg17[%dma_wait3A_594, %dma_wait3A_595] : memref<320x16xf32, #tpu.memory_space<vmem>> -> memref<64x16xf32, #tpu.memory_space<vmem>>
        %dma_wait3A_597 = tpu.memref_slice %arg9[%add3A_526] : memref<3200xi32, #tpu.memory_space<vmem>> -> memref<64xi32, #tpu.memory_space<vmem>>
        %dma_wait3A_598 = arith.constant 0 : i32
        %dma_wait3A_599 = arith.constant 0 : i32
        %dma_wait3A_600 = tpu.memref_slice %arg21[%dma_wait3A_598, %dma_wait3A_599] : memref<512x16xf32, #tpu.memory_space<vmem_shared>> -> memref<512x16xf32, #tpu.memory_space<vmem_shared>>
        tpu.wait_indirect_dma semaphore(%arg27 : memref<!tpu.dma_semaphore, #tpu.memory_space<semaphore_mem>>) src(%dma_wait3A_600 : memref<512x16xf32, #tpu.memory_space<vmem_shared>>) dst(%dma_wait3A_596 : memref<64x16xf32, #tpu.memory_space<vmem>>)
        %dma_wait3A_601 = arith.constant 256 : i32
        %dma_wait3A_602 = arith.constant 0 : i32
        %dma_wait3A_603 = tpu.memref_slice %arg18[%dma_wait3A_601, %dma_wait3A_602] : memref<320x32xf32, #tpu.memory_space<vmem>> -> memref<64x32xf32, #tpu.memory_space<vmem>>
        %dma_wait3A_604 = tpu.memref_slice %arg10[%add3A_537] : memref<3200xi32, #tpu.memory_space<vmem>> -> memref<64xi32, #tpu.memory_space<vmem>>
        %dma_wait3A_605 = arith.constant 0 : i32
        %dma_wait3A_606 = arith.constant 0 : i32
        %dma_wait3A_607 = tpu.memref_slice %arg22[%dma_wait3A_605, %dma_wait3A_606] : memref<8192x32xf32, #tpu.memory_space<vmem_shared>> -> memref<8192x32xf32, #tpu.memory_space<vmem_shared>>
        tpu.wait_indirect_dma semaphore(%arg27 : memref<!tpu.dma_semaphore, #tpu.memory_space<semaphore_mem>>) src(%dma_wait3A_607 : memref<8192x32xf32, #tpu.memory_space<vmem_shared>>) dst(%dma_wait3A_603 : memref<64x32xf32, #tpu.memory_space<vmem>>)
        %mul3A_608 = arith.constant 320 : i32
        %mul3A_609 = arith.muli %add3A_445, %mul3A_608 : i32
        %add3A_610 = arith.constant 0 : i32
        %add3A_611 = arith.addi %mul3A_609, %add3A_610 : i32
        %mul3A_612 = arith.constant 320 : i32
        %mul3A_613 = arith.muli %add3A_445, %mul3A_612 : i32
        %add3A_614 = arith.constant 128 : i32
        %add3A_615 = arith.addi %mul3A_613, %add3A_614 : i32
        %mul3A_616 = arith.constant 320 : i32
        %mul3A_617 = arith.muli %add3A_445, %mul3A_616 : i32
        %add3A_618 = arith.constant 256 : i32
        %add3A_619 = arith.addi %mul3A_617, %add3A_618 : i32
        %dma_wait3A_620 = arith.constant 0 : i32
        %dma_wait3A_621 = arith.constant 0 : i32
        %dma_wait3A_622 = tpu.memref_slice %arg19[%dma_wait3A_620, %dma_wait3A_621] : memref<320x64xf32, #tpu.memory_space<vmem>> -> memref<128x64xf32, #tpu.memory_space<vmem>>
        %dma_wait3A_623 = tpu.memref_slice %arg11[%add3A_611] : memref<3200xi32, #tpu.memory_space<vmem>> -> memref<128xi32, #tpu.memory_space<vmem>>
        %dma_wait3A_624 = arith.constant 0 : i32
        %dma_wait3A_625 = arith.constant 0 : i32
        %dma_wait3A_626 = tpu.memref_slice %arg6[%dma_wait3A_624, %dma_wait3A_625] : memref<100000x64xf32, #tpu.memory_space<hbm>> -> memref<100000x64xf32, #tpu.memory_space<hbm>>
        tpu.wait_indirect_dma semaphore(%arg24 : memref<!tpu.dma_semaphore, #tpu.memory_space<semaphore_mem>>) src(%dma_wait3A_626 : memref<100000x64xf32, #tpu.memory_space<hbm>>) dst(%dma_wait3A_622 : memref<128x64xf32, #tpu.memory_space<vmem>>)
        %dma_wait3A_627 = arith.constant 128 : i32
        %dma_wait3A_628 = arith.constant 0 : i32
        %dma_wait3A_629 = tpu.memref_slice %arg19[%dma_wait3A_627, %dma_wait3A_628] : memref<320x64xf32, #tpu.memory_space<vmem>> -> memref<128x64xf32, #tpu.memory_space<vmem>>
        %dma_wait3A_630 = tpu.memref_slice %arg11[%add3A_615] : memref<3200xi32, #tpu.memory_space<vmem>> -> memref<128xi32, #tpu.memory_space<vmem>>
        %dma_wait3A_631 = arith.constant 0 : i32
        %dma_wait3A_632 = arith.constant 0 : i32
        %dma_wait3A_633 = tpu.memref_slice %arg6[%dma_wait3A_631, %dma_wait3A_632] : memref<100000x64xf32, #tpu.memory_space<hbm>> -> memref<100000x64xf32, #tpu.memory_space<hbm>>
        tpu.wait_indirect_dma semaphore(%arg24 : memref<!tpu.dma_semaphore, #tpu.memory_space<semaphore_mem>>) src(%dma_wait3A_633 : memref<100000x64xf32, #tpu.memory_space<hbm>>) dst(%dma_wait3A_629 : memref<128x64xf32, #tpu.memory_space<vmem>>)
        %dma_wait3A_634 = arith.constant 256 : i32
        %dma_wait3A_635 = arith.constant 0 : i32
        %dma_wait3A_636 = tpu.memref_slice %arg19[%dma_wait3A_634, %dma_wait3A_635] : memref<320x64xf32, #tpu.memory_space<vmem>> -> memref<64x64xf32, #tpu.memory_space<vmem>>
        %dma_wait3A_637 = tpu.memref_slice %arg11[%add3A_619] : memref<3200xi32, #tpu.memory_space<vmem>> -> memref<64xi32, #tpu.memory_space<vmem>>
        %dma_wait3A_638 = arith.constant 0 : i32
        %dma_wait3A_639 = arith.constant 0 : i32
        %dma_wait3A_640 = tpu.memref_slice %arg6[%dma_wait3A_638, %dma_wait3A_639] : memref<100000x64xf32, #tpu.memory_space<hbm>> -> memref<100000x64xf32, #tpu.memory_space<hbm>>
        tpu.wait_indirect_dma semaphore(%arg24 : memref<!tpu.dma_semaphore, #tpu.memory_space<semaphore_mem>>) src(%dma_wait3A_640 : memref<100000x64xf32, #tpu.memory_space<hbm>>) dst(%dma_wait3A_636 : memref<64x64xf32, #tpu.memory_space<vmem>>)
        %mul3A_641 = arith.constant 320 : i32
        %mul3A_642 = arith.muli %add3A_445, %mul3A_641 : i32
        %add3A_643 = arith.addi %mul3A_2, %mul3A_642 : i32
        %dma_start3A_644 = arith.constant 0 : i32
        %dma_start3A_645 = arith.constant 0 : i32
        %dma_start3A_646 = tpu.memref_slice %arg16[%dma_start3A_644, %dma_start3A_645] : memref<320x16xf32, #tpu.memory_space<vmem>> -> memref<320x16xf32, #tpu.memory_space<vmem>>
        %dma_start3A_647 = arith.constant 0 : i32
        %dma_start3A_648 = tpu.memref_slice %arg7[%add3A_643, %dma_start3A_647] : memref<100000x128xf32, #tpu.memory_space<hbm>> -> memref<320x16xf32, #tpu.memory_space<hbm>>
        %dma_start3A_649 = arith.constant 0 : i32
        %dma_start3A_650 = tpu.memref_slice %arg7[%add3A_643, %dma_start3A_649] : memref<100000x128xf32, #tpu.memory_space<hbm>> -> memref<320x16xf32, #tpu.memory_space<hbm>>
        %dma_start3A_651 = arith.constant 0 : i32
        %dma_start3A_652 = arith.constant 0 : i32
        %dma_start3A_653 = tpu.memref_slice %arg16[%dma_start3A_651, %dma_start3A_652] : memref<320x16xf32, #tpu.memory_space<vmem>> -> memref<320x16xf32, #tpu.memory_space<vmem>>
        tpu.enqueue_dma source(%dma_start3A_653 : memref<320x16xf32, #tpu.memory_space<vmem>>) target(%dma_start3A_650 : memref<320x16xf32, #tpu.memory_space<hbm>>) target_semaphore(%arg26 : memref<!tpu.dma_semaphore, #tpu.memory_space<semaphore_mem>>)
        %mul3A_654 = arith.constant 320 : i32
        %mul3A_655 = arith.muli %add3A_445, %mul3A_654 : i32
        %add3A_656 = arith.addi %mul3A_2, %mul3A_655 : i32
        %dma_start3A_657 = arith.constant 0 : i32
        %dma_start3A_658 = arith.constant 0 : i32
        %dma_start3A_659 = tpu.memref_slice %arg17[%dma_start3A_657, %dma_start3A_658] : memref<320x16xf32, #tpu.memory_space<vmem>> -> memref<320x16xf32, #tpu.memory_space<vmem>>
        %dma_start3A_660 = arith.constant 16 : i32
        %dma_start3A_661 = tpu.memref_slice %arg7[%add3A_656, %dma_start3A_660] : memref<100000x128xf32, #tpu.memory_space<hbm>> -> memref<320x16xf32, #tpu.memory_space<hbm>>
        %dma_start3A_662 = arith.constant 16 : i32
        %dma_start3A_663 = tpu.memref_slice %arg7[%add3A_656, %dma_start3A_662] : memref<100000x128xf32, #tpu.memory_space<hbm>> -> memref<320x16xf32, #tpu.memory_space<hbm>>
        %dma_start3A_664 = arith.constant 0 : i32
        %dma_start3A_665 = arith.constant 0 : i32
        %dma_start3A_666 = tpu.memref_slice %arg17[%dma_start3A_664, %dma_start3A_665] : memref<320x16xf32, #tpu.memory_space<vmem>> -> memref<320x16xf32, #tpu.memory_space<vmem>>
        tpu.enqueue_dma source(%dma_start3A_666 : memref<320x16xf32, #tpu.memory_space<vmem>>) target(%dma_start3A_663 : memref<320x16xf32, #tpu.memory_space<hbm>>) target_semaphore(%arg26 : memref<!tpu.dma_semaphore, #tpu.memory_space<semaphore_mem>>)
        %mul3A_667 = arith.constant 320 : i32
        %mul3A_668 = arith.muli %add3A_445, %mul3A_667 : i32
        %add3A_669 = arith.addi %mul3A_2, %mul3A_668 : i32
        %dma_start3A_670 = arith.constant 0 : i32
        %dma_start3A_671 = arith.constant 0 : i32
        %dma_start3A_672 = tpu.memref_slice %arg18[%dma_start3A_670, %dma_start3A_671] : memref<320x32xf32, #tpu.memory_space<vmem>> -> memref<320x32xf32, #tpu.memory_space<vmem>>
        %dma_start3A_673 = arith.constant 32 : i32
        %dma_start3A_674 = tpu.memref_slice %arg7[%add3A_669, %dma_start3A_673] : memref<100000x128xf32, #tpu.memory_space<hbm>> -> memref<320x32xf32, #tpu.memory_space<hbm>>
        %dma_start3A_675 = arith.constant 32 : i32
        %dma_start3A_676 = tpu.memref_slice %arg7[%add3A_669, %dma_start3A_675] : memref<100000x128xf32, #tpu.memory_space<hbm>> -> memref<320x32xf32, #tpu.memory_space<hbm>>
        %dma_start3A_677 = arith.constant 0 : i32
        %dma_start3A_678 = arith.constant 0 : i32
        %dma_start3A_679 = tpu.memref_slice %arg18[%dma_start3A_677, %dma_start3A_678] : memref<320x32xf32, #tpu.memory_space<vmem>> -> memref<320x32xf32, #tpu.memory_space<vmem>>
        tpu.enqueue_dma source(%dma_start3A_679 : memref<320x32xf32, #tpu.memory_space<vmem>>) target(%dma_start3A_676 : memref<320x32xf32, #tpu.memory_space<hbm>>) target_semaphore(%arg26 : memref<!tpu.dma_semaphore, #tpu.memory_space<semaphore_mem>>)
        %mul3A_680 = arith.constant 320 : i32
        %mul3A_681 = arith.muli %add3A_445, %mul3A_680 : i32
        %add3A_682 = arith.addi %mul3A_2, %mul3A_681 : i32
        %dma_start3A_683 = arith.constant 0 : i32
        %dma_start3A_684 = arith.constant 0 : i32
        %dma_start3A_685 = tpu.memref_slice %arg19[%dma_start3A_683, %dma_start3A_684] : memref<320x64xf32, #tpu.memory_space<vmem>> -> memref<320x64xf32, #tpu.memory_space<vmem>>
        %dma_start3A_686 = arith.constant 64 : i32
        %dma_start3A_687 = tpu.memref_slice %arg7[%add3A_682, %dma_start3A_686] : memref<100000x128xf32, #tpu.memory_space<hbm>> -> memref<320x64xf32, #tpu.memory_space<hbm>>
        %dma_start3A_688 = arith.constant 64 : i32
        %dma_start3A_689 = tpu.memref_slice %arg7[%add3A_682, %dma_start3A_688] : memref<100000x128xf32, #tpu.memory_space<hbm>> -> memref<320x64xf32, #tpu.memory_space<hbm>>
        %dma_start3A_690 = arith.constant 0 : i32
        %dma_start3A_691 = arith.constant 0 : i32
        %dma_start3A_692 = tpu.memref_slice %arg19[%dma_start3A_690, %dma_start3A_691] : memref<320x64xf32, #tpu.memory_space<vmem>> -> memref<320x64xf32, #tpu.memory_space<vmem>>
        tpu.enqueue_dma source(%dma_start3A_692 : memref<320x64xf32, #tpu.memory_space<vmem>>) target(%dma_start3A_689 : memref<320x64xf32, #tpu.memory_space<hbm>>) target_semaphore(%arg26 : memref<!tpu.dma_semaphore, #tpu.memory_space<semaphore_mem>>)
        %dma_wait3A_693 = arith.constant 0 : i32
        %dma_wait3A_694 = arith.constant 0 : i32
        %dma_wait3A_695 = tpu.memref_slice %arg16[%dma_wait3A_693, %dma_wait3A_694] : memref<320x16xf32, #tpu.memory_space<vmem>> -> memref<320x16xf32, #tpu.memory_space<vmem>>
        %dma_wait3A_696 = arith.constant 0 : i32
        %dma_wait3A_697 = tpu.memref_slice %arg7[%add3A_643, %dma_wait3A_696] : memref<100000x128xf32, #tpu.memory_space<hbm>> -> memref<320x16xf32, #tpu.memory_space<hbm>>
        %dma_wait3A_698 = arith.constant 0 : i32
        %dma_wait3A_699 = tpu.memref_slice %arg7[%add3A_643, %dma_wait3A_698] : memref<100000x128xf32, #tpu.memory_space<hbm>> -> memref<320x16xf32, #tpu.memory_space<hbm>>
        %dma_wait3A_700 = arith.constant 0 : i32
        %dma_wait3A_701 = arith.constant 0 : i32
        %dma_wait3A_702 = tpu.memref_slice %arg16[%dma_wait3A_700, %dma_wait3A_701] : memref<320x16xf32, #tpu.memory_space<vmem>> -> memref<320x16xf32, #tpu.memory_space<vmem>>
        tpu.wait_dma2 semaphore(%arg26 : memref<!tpu.dma_semaphore, #tpu.memory_space<semaphore_mem>>) src(%dma_wait3A_702 : memref<320x16xf32, #tpu.memory_space<vmem>>) dst(%dma_wait3A_699 : memref<320x16xf32, #tpu.memory_space<hbm>>)
        %dma_wait3A_703 = arith.constant 0 : i32
        %dma_wait3A_704 = arith.constant 0 : i32
        %dma_wait3A_705 = tpu.memref_slice %arg17[%dma_wait3A_703, %dma_wait3A_704] : memref<320x16xf32, #tpu.memory_space<vmem>> -> memref<320x16xf32, #tpu.memory_space<vmem>>
        %dma_wait3A_706 = arith.constant 16 : i32
        %dma_wait3A_707 = tpu.memref_slice %arg7[%add3A_656, %dma_wait3A_706] : memref<100000x128xf32, #tpu.memory_space<hbm>> -> memref<320x16xf32, #tpu.memory_space<hbm>>
        %dma_wait3A_708 = arith.constant 16 : i32
        %dma_wait3A_709 = tpu.memref_slice %arg7[%add3A_656, %dma_wait3A_708] : memref<100000x128xf32, #tpu.memory_space<hbm>> -> memref<320x16xf32, #tpu.memory_space<hbm>>
        %dma_wait3A_710 = arith.constant 0 : i32
        %dma_wait3A_711 = arith.constant 0 : i32
        %dma_wait3A_712 = tpu.memref_slice %arg17[%dma_wait3A_710, %dma_wait3A_711] : memref<320x16xf32, #tpu.memory_space<vmem>> -> memref<320x16xf32, #tpu.memory_space<vmem>>
        tpu.wait_dma2 semaphore(%arg26 : memref<!tpu.dma_semaphore, #tpu.memory_space<semaphore_mem>>) src(%dma_wait3A_712 : memref<320x16xf32, #tpu.memory_space<vmem>>) dst(%dma_wait3A_709 : memref<320x16xf32, #tpu.memory_space<hbm>>)
        %dma_wait3A_713 = arith.constant 0 : i32
        %dma_wait3A_714 = arith.constant 0 : i32
        %dma_wait3A_715 = tpu.memref_slice %arg18[%dma_wait3A_713, %dma_wait3A_714] : memref<320x32xf32, #tpu.memory_space<vmem>> -> memref<320x32xf32, #tpu.memory_space<vmem>>
        %dma_wait3A_716 = arith.constant 32 : i32
        %dma_wait3A_717 = tpu.memref_slice %arg7[%add3A_669, %dma_wait3A_716] : memref<100000x128xf32, #tpu.memory_space<hbm>> -> memref<320x32xf32, #tpu.memory_space<hbm>>
        %dma_wait3A_718 = arith.constant 32 : i32
        %dma_wait3A_719 = tpu.memref_slice %arg7[%add3A_669, %dma_wait3A_718] : memref<100000x128xf32, #tpu.memory_space<hbm>> -> memref<320x32xf32, #tpu.memory_space<hbm>>
        %dma_wait3A_720 = arith.constant 0 : i32
        %dma_wait3A_721 = arith.constant 0 : i32
        %dma_wait3A_722 = tpu.memref_slice %arg18[%dma_wait3A_720, %dma_wait3A_721] : memref<320x32xf32, #tpu.memory_space<vmem>> -> memref<320x32xf32, #tpu.memory_space<vmem>>
        tpu.wait_dma2 semaphore(%arg26 : memref<!tpu.dma_semaphore, #tpu.memory_space<semaphore_mem>>) src(%dma_wait3A_722 : memref<320x32xf32, #tpu.memory_space<vmem>>) dst(%dma_wait3A_719 : memref<320x32xf32, #tpu.memory_space<hbm>>)
        %dma_wait3A_723 = arith.constant 0 : i32
        %dma_wait3A_724 = arith.constant 0 : i32
        %dma_wait3A_725 = tpu.memref_slice %arg19[%dma_wait3A_723, %dma_wait3A_724] : memref<320x64xf32, #tpu.memory_space<vmem>> -> memref<320x64xf32, #tpu.memory_space<vmem>>
        %dma_wait3A_726 = arith.constant 64 : i32
        %dma_wait3A_727 = tpu.memref_slice %arg7[%add3A_682, %dma_wait3A_726] : memref<100000x128xf32, #tpu.memory_space<hbm>> -> memref<320x64xf32, #tpu.memory_space<hbm>>
        %dma_wait3A_728 = arith.constant 64 : i32
        %dma_wait3A_729 = tpu.memref_slice %arg7[%add3A_682, %dma_wait3A_728] : memref<100000x128xf32, #tpu.memory_space<hbm>> -> memref<320x64xf32, #tpu.memory_space<hbm>>
        %dma_wait3A_730 = arith.constant 0 : i32
        %dma_wait3A_731 = arith.constant 0 : i32
        %dma_wait3A_732 = tpu.memref_slice %arg19[%dma_wait3A_730, %dma_wait3A_731] : memref<320x64xf32, #tpu.memory_space<vmem>> -> memref<320x64xf32, #tpu.memory_space<vmem>>
        tpu.wait_dma2 semaphore(%arg26 : memref<!tpu.dma_semaphore, #tpu.memory_space<semaphore_mem>>) src(%dma_wait3A_732 : memref<320x64xf32, #tpu.memory_space<vmem>>) dst(%dma_wait3A_729 : memref<320x64xf32, #tpu.memory_space<hbm>>)
        %add3A_733 = arith.constant 2 : i32
        %add3A_734 = arith.addi %add3A_445, %add3A_733 : i32
        %lt3A_735 = arith.constant 10 : i32
        %lt3A_736 = arith.cmpi slt, %add3A_734, %lt3A_735 : i32
        %convert_element_type3A_737 = arith.extui %lt3A_736 : i1 to i32
        %cond3A_738 = arith.constant 0 : i32
        %cond3A_739 = arith.cmpi ne, %convert_element_type3A_737, %cond3A_738 : i32
        scf.if %cond3A_739 {
          %add3A_741 = arith.constant 2 : i32
          %add3A_742 = arith.addi %add3A_445, %add3A_741 : i32
          %mul3A_743 = arith.constant 320 : i32
          %mul3A_744 = arith.muli %add3A_742, %mul3A_743 : i32
          %add3A_745 = arith.constant 0 : i32
          %add3A_746 = arith.addi %mul3A_744, %add3A_745 : i32
          %mul3A_747 = arith.constant 320 : i32
          %mul3A_748 = arith.muli %add3A_742, %mul3A_747 : i32
          %add3A_749 = arith.constant 128 : i32
          %add3A_750 = arith.addi %mul3A_748, %add3A_749 : i32
          %mul3A_751 = arith.constant 320 : i32
          %mul3A_752 = arith.muli %add3A_742, %mul3A_751 : i32
          %add3A_753 = arith.constant 256 : i32
          %add3A_754 = arith.addi %mul3A_752, %add3A_753 : i32
          %dma_start3A_755 = arith.constant 0 : i32
          %dma_start3A_756 = arith.constant 0 : i32
          %dma_start3A_757 = tpu.memref_slice %arg19[%dma_start3A_755, %dma_start3A_756] : memref<320x64xf32, #tpu.memory_space<vmem>> -> memref<128x64xf32, #tpu.memory_space<vmem>>
          %dma_start3A_758 = tpu.memref_slice %arg11[%add3A_746] : memref<3200xi32, #tpu.memory_space<vmem>> -> memref<128xi32, #tpu.memory_space<vmem>>
          %dma_start3A_759 = arith.constant 0 : i32
          %dma_start3A_760 = arith.constant 0 : i32
          %dma_start3A_761 = tpu.memref_slice %arg6[%dma_start3A_759, %dma_start3A_760] : memref<100000x64xf32, #tpu.memory_space<hbm>> -> memref<100000x64xf32, #tpu.memory_space<hbm>>
          tpu.enqueue_indirect_dma source(%dma_start3A_761 : memref<100000x64xf32, #tpu.memory_space<hbm>>) target(%dma_start3A_757 : memref<128x64xf32, #tpu.memory_space<vmem>>) offsets(%dma_start3A_758 : memref<128xi32, #tpu.memory_space<vmem>>) semaphore(%arg24 : memref<!tpu.dma_semaphore, #tpu.memory_space<semaphore_mem>>)
          %dma_start3A_762 = arith.constant 128 : i32
          %dma_start3A_763 = arith.constant 0 : i32
          %dma_start3A_764 = tpu.memref_slice %arg19[%dma_start3A_762, %dma_start3A_763] : memref<320x64xf32, #tpu.memory_space<vmem>> -> memref<128x64xf32, #tpu.memory_space<vmem>>
          %dma_start3A_765 = tpu.memref_slice %arg11[%add3A_750] : memref<3200xi32, #tpu.memory_space<vmem>> -> memref<128xi32, #tpu.memory_space<vmem>>
          %dma_start3A_766 = arith.constant 0 : i32
          %dma_start3A_767 = arith.constant 0 : i32
          %dma_start3A_768 = tpu.memref_slice %arg6[%dma_start3A_766, %dma_start3A_767] : memref<100000x64xf32, #tpu.memory_space<hbm>> -> memref<100000x64xf32, #tpu.memory_space<hbm>>
          tpu.enqueue_indirect_dma source(%dma_start3A_768 : memref<100000x64xf32, #tpu.memory_space<hbm>>) target(%dma_start3A_764 : memref<128x64xf32, #tpu.memory_space<vmem>>) offsets(%dma_start3A_765 : memref<128xi32, #tpu.memory_space<vmem>>) semaphore(%arg24 : memref<!tpu.dma_semaphore, #tpu.memory_space<semaphore_mem>>)
          %dma_start3A_769 = arith.constant 256 : i32
          %dma_start3A_770 = arith.constant 0 : i32
          %dma_start3A_771 = tpu.memref_slice %arg19[%dma_start3A_769, %dma_start3A_770] : memref<320x64xf32, #tpu.memory_space<vmem>> -> memref<64x64xf32, #tpu.memory_space<vmem>>
          %dma_start3A_772 = tpu.memref_slice %arg11[%add3A_754] : memref<3200xi32, #tpu.memory_space<vmem>> -> memref<64xi32, #tpu.memory_space<vmem>>
          %dma_start3A_773 = arith.constant 0 : i32
          %dma_start3A_774 = arith.constant 0 : i32
          %dma_start3A_775 = tpu.memref_slice %arg6[%dma_start3A_773, %dma_start3A_774] : memref<100000x64xf32, #tpu.memory_space<hbm>> -> memref<100000x64xf32, #tpu.memory_space<hbm>>
          tpu.enqueue_indirect_dma source(%dma_start3A_775 : memref<100000x64xf32, #tpu.memory_space<hbm>>) target(%dma_start3A_771 : memref<64x64xf32, #tpu.memory_space<vmem>>) offsets(%dma_start3A_772 : memref<64xi32, #tpu.memory_space<vmem>>) semaphore(%arg24 : memref<!tpu.dma_semaphore, #tpu.memory_space<semaphore_mem>>)
        } else {
        }
        %scan3A_740 = arith.constant 0 : i32
        scf.yield %scan3A_740 : i32
      }
      %scan3A_141 = arith.constant 5 : i32
    } else {
    }
    %eq3A_22 = arith.constant 31 : i32
    %eq3A_23 = arith.cmpi eq, %add3A, %eq3A_22 : i32
    %convert_element_type3A_24 = arith.extui %eq3A_23 : i1 to i32
    %cond3A_25 = arith.constant 0 : i32
    %cond3A_26 = arith.cmpi ne, %convert_element_type3A_24, %cond3A_25 : i32
    scf.if %cond3A_26 {
      %add3A_27 = arith.constant 0 : i32
      %add3A_28 = arith.addi %add3A_27, %mul3A_2 : i32
      %dma_start3A = arith.constant 0 : i32
      %dma_start3A_29 = tpu.memref_slice %arg8[%dma_start3A] : memref<3200xi32, #tpu.memory_space<vmem>> -> memref<800xi32, #tpu.memory_space<vmem>>
      %dma_start3A_30 = tpu.memref_slice %arg2[%add3A_28] : memref<400000xi32, #tpu.memory_space<hbm>> -> memref<800xi32, #tpu.memory_space<hbm>>
      %dma_start3A_31 = arith.constant 0 : i32
      %dma_start3A_32 = tpu.memref_slice %arg8[%dma_start3A_31] : memref<3200xi32, #tpu.memory_space<vmem>> -> memref<800xi32, #tpu.memory_space<vmem>>
      %dma_start3A_33 = tpu.memref_slice %arg2[%add3A_28] : memref<400000xi32, #tpu.memory_space<hbm>> -> memref<800xi32, #tpu.memory_space<hbm>>
      tpu.enqueue_dma source(%dma_start3A_33 : memref<800xi32, #tpu.memory_space<hbm>>) target(%dma_start3A_32 : memref<800xi32, #tpu.memory_space<vmem>>) target_semaphore(%arg23 : memref<!tpu.dma_semaphore, #tpu.memory_space<semaphore_mem>>)
      %add3A_34 = arith.constant 100000 : i32
      %add3A_35 = arith.addi %add3A_34, %mul3A_2 : i32
      %dma_start3A_36 = arith.constant 0 : i32
      %dma_start3A_37 = tpu.memref_slice %arg9[%dma_start3A_36] : memref<3200xi32, #tpu.memory_space<vmem>> -> memref<800xi32, #tpu.memory_space<vmem>>
      %dma_start3A_38 = tpu.memref_slice %arg2[%add3A_35] : memref<400000xi32, #tpu.memory_space<hbm>> -> memref<800xi32, #tpu.memory_space<hbm>>
      %dma_start3A_39 = arith.constant 0 : i32
      %dma_start3A_40 = tpu.memref_slice %arg9[%dma_start3A_39] : memref<3200xi32, #tpu.memory_space<vmem>> -> memref<800xi32, #tpu.memory_space<vmem>>
      %dma_start3A_41 = tpu.memref_slice %arg2[%add3A_35] : memref<400000xi32, #tpu.memory_space<hbm>> -> memref<800xi32, #tpu.memory_space<hbm>>
      tpu.enqueue_dma source(%dma_start3A_41 : memref<800xi32, #tpu.memory_space<hbm>>) target(%dma_start3A_40 : memref<800xi32, #tpu.memory_space<vmem>>) target_semaphore(%arg23 : memref<!tpu.dma_semaphore, #tpu.memory_space<semaphore_mem>>)
      %add3A_42 = arith.constant 200000 : i32
      %add3A_43 = arith.addi %add3A_42, %mul3A_2 : i32
      %dma_start3A_44 = arith.constant 0 : i32
      %dma_start3A_45 = tpu.memref_slice %arg10[%dma_start3A_44] : memref<3200xi32, #tpu.memory_space<vmem>> -> memref<800xi32, #tpu.memory_space<vmem>>
      %dma_start3A_46 = tpu.memref_slice %arg2[%add3A_43] : memref<400000xi32, #tpu.memory_space<hbm>> -> memref<800xi32, #tpu.memory_space<hbm>>
      %dma_start3A_47 = arith.constant 0 : i32
      %dma_start3A_48 = tpu.memref_slice %arg10[%dma_start3A_47] : memref<3200xi32, #tpu.memory_space<vmem>> -> memref<800xi32, #tpu.memory_space<vmem>>
      %dma_start3A_49 = tpu.memref_slice %arg2[%add3A_43] : memref<400000xi32, #tpu.memory_space<hbm>> -> memref<800xi32, #tpu.memory_space<hbm>>
      tpu.enqueue_dma source(%dma_start3A_49 : memref<800xi32, #tpu.memory_space<hbm>>) target(%dma_start3A_48 : memref<800xi32, #tpu.memory_space<vmem>>) target_semaphore(%arg23 : memref<!tpu.dma_semaphore, #tpu.memory_space<semaphore_mem>>)
      %add3A_50 = arith.constant 300000 : i32
      %add3A_51 = arith.addi %add3A_50, %mul3A_2 : i32
      %dma_start3A_52 = arith.constant 0 : i32
      %dma_start3A_53 = tpu.memref_slice %arg11[%dma_start3A_52] : memref<3200xi32, #tpu.memory_space<vmem>> -> memref<800xi32, #tpu.memory_space<vmem>>
      %dma_start3A_54 = tpu.memref_slice %arg2[%add3A_51] : memref<400000xi32, #tpu.memory_space<hbm>> -> memref<800xi32, #tpu.memory_space<hbm>>
      %dma_start3A_55 = arith.constant 0 : i32
      %dma_start3A_56 = tpu.memref_slice %arg11[%dma_start3A_55] : memref<3200xi32, #tpu.memory_space<vmem>> -> memref<800xi32, #tpu.memory_space<vmem>>
      %dma_start3A_57 = tpu.memref_slice %arg2[%add3A_51] : memref<400000xi32, #tpu.memory_space<hbm>> -> memref<800xi32, #tpu.memory_space<hbm>>
      tpu.enqueue_dma source(%dma_start3A_57 : memref<800xi32, #tpu.memory_space<hbm>>) target(%dma_start3A_56 : memref<800xi32, #tpu.memory_space<vmem>>) target_semaphore(%arg23 : memref<!tpu.dma_semaphore, #tpu.memory_space<semaphore_mem>>)
      %dma_wait3A = arith.constant 0 : i32
      %dma_wait3A_58 = tpu.memref_slice %arg8[%dma_wait3A] : memref<3200xi32, #tpu.memory_space<vmem>> -> memref<800xi32, #tpu.memory_space<vmem>>
      %dma_wait3A_59 = tpu.memref_slice %arg2[%add3A_28] : memref<400000xi32, #tpu.memory_space<hbm>> -> memref<800xi32, #tpu.memory_space<hbm>>
      %dma_wait3A_60 = arith.constant 0 : i32
      %dma_wait3A_61 = tpu.memref_slice %arg8[%dma_wait3A_60] : memref<3200xi32, #tpu.memory_space<vmem>> -> memref<800xi32, #tpu.memory_space<vmem>>
      %dma_wait3A_62 = tpu.memref_slice %arg2[%add3A_28] : memref<400000xi32, #tpu.memory_space<hbm>> -> memref<800xi32, #tpu.memory_space<hbm>>
      tpu.wait_dma2 semaphore(%arg23 : memref<!tpu.dma_semaphore, #tpu.memory_space<semaphore_mem>>) src(%dma_wait3A_62 : memref<800xi32, #tpu.memory_space<hbm>>) dst(%dma_wait3A_61 : memref<800xi32, #tpu.memory_space<vmem>>)
      %dma_wait3A_63 = arith.constant 0 : i32
      %dma_wait3A_64 = tpu.memref_slice %arg9[%dma_wait3A_63] : memref<3200xi32, #tpu.memory_space<vmem>> -> memref<800xi32, #tpu.memory_space<vmem>>
      %dma_wait3A_65 = tpu.memref_slice %arg2[%add3A_35] : memref<400000xi32, #tpu.memory_space<hbm>> -> memref<800xi32, #tpu.memory_space<hbm>>
      %dma_wait3A_66 = arith.constant 0 : i32
      %dma_wait3A_67 = tpu.memref_slice %arg9[%dma_wait3A_66] : memref<3200xi32, #tpu.memory_space<vmem>> -> memref<800xi32, #tpu.memory_space<vmem>>
      %dma_wait3A_68 = tpu.memref_slice %arg2[%add3A_35] : memref<400000xi32, #tpu.memory_space<hbm>> -> memref<800xi32, #tpu.memory_space<hbm>>
      tpu.wait_dma2 semaphore(%arg23 : memref<!tpu.dma_semaphore, #tpu.memory_space<semaphore_mem>>) src(%dma_wait3A_68 : memref<800xi32, #tpu.memory_space<hbm>>) dst(%dma_wait3A_67 : memref<800xi32, #tpu.memory_space<vmem>>)
      %dma_wait3A_69 = arith.constant 0 : i32
      %dma_wait3A_70 = tpu.memref_slice %arg10[%dma_wait3A_69] : memref<3200xi32, #tpu.memory_space<vmem>> -> memref<800xi32, #tpu.memory_space<vmem>>
      %dma_wait3A_71 = tpu.memref_slice %arg2[%add3A_43] : memref<400000xi32, #tpu.memory_space<hbm>> -> memref<800xi32, #tpu.memory_space<hbm>>
      %dma_wait3A_72 = arith.constant 0 : i32
      %dma_wait3A_73 = tpu.memref_slice %arg10[%dma_wait3A_72] : memref<3200xi32, #tpu.memory_space<vmem>> -> memref<800xi32, #tpu.memory_space<vmem>>
      %dma_wait3A_74 = tpu.memref_slice %arg2[%add3A_43] : memref<400000xi32, #tpu.memory_space<hbm>> -> memref<800xi32, #tpu.memory_space<hbm>>
      tpu.wait_dma2 semaphore(%arg23 : memref<!tpu.dma_semaphore, #tpu.memory_space<semaphore_mem>>) src(%dma_wait3A_74 : memref<800xi32, #tpu.memory_space<hbm>>) dst(%dma_wait3A_73 : memref<800xi32, #tpu.memory_space<vmem>>)
      %dma_wait3A_75 = arith.constant 0 : i32
      %dma_wait3A_76 = tpu.memref_slice %arg11[%dma_wait3A_75] : memref<3200xi32, #tpu.memory_space<vmem>> -> memref<800xi32, #tpu.memory_space<vmem>>
      %dma_wait3A_77 = tpu.memref_slice %arg2[%add3A_51] : memref<400000xi32, #tpu.memory_space<hbm>> -> memref<800xi32, #tpu.memory_space<hbm>>
      %dma_wait3A_78 = arith.constant 0 : i32
      %dma_wait3A_79 = tpu.memref_slice %arg11[%dma_wait3A_78] : memref<3200xi32, #tpu.memory_space<vmem>> -> memref<800xi32, #tpu.memory_space<vmem>>
      %dma_wait3A_80 = tpu.memref_slice %arg2[%add3A_51] : memref<400000xi32, #tpu.memory_space<hbm>> -> memref<800xi32, #tpu.memory_space<hbm>>
      tpu.wait_dma2 semaphore(%arg23 : memref<!tpu.dma_semaphore, #tpu.memory_space<semaphore_mem>>) src(%dma_wait3A_80 : memref<800xi32, #tpu.memory_space<hbm>>) dst(%dma_wait3A_79 : memref<800xi32, #tpu.memory_space<vmem>>)
      %scan3A = arith.constant 0 : i32
      %scan3A_81 = arith.constant 0 : i32
      %scan3A_82 = arith.constant 50 : i32
      %scan3A_83 = arith.addi %scan3A_81, %scan3A_82 : i32
      %scan3A_84 = arith.constant 1 : i32
      %scan3A_85 = scf.for %scan3A_863 = %scan3A_81 to %scan3A_83 step %scan3A_84 iter_args(%scan3A_864 = %scan3A) -> (i32)  : i32 {
        %mul3A_865 = arith.constant 16 : i32
        %mul3A_866 = arith.muli %scan3A_863, %mul3A_865 : i32
        %get3A = arith.index_cast %mul3A_866 : i32 to index
        %get3A_867 = tpu.vector_load %arg8[%get3A] {strides = array<i32>} : memref<3200xi32, #tpu.memory_space<vmem>>, vector<16xi32>,
        %get3A_868 = vector.shape_cast %get3A_867 : vector<16xi32> to vector<16xi32>
        %sub3A = arith.constant 1 : i32
        %sub3A_869 = vector.broadcast %sub3A : i32 to vector<16xi32>
        %sub3A_870 = arith.subi %get3A_868, %sub3A_869 : vector<16xi32>
        %swap3A = arith.index_cast %mul3A_866 : i32 to index
        %swap3A_871 = tpu.vector_load %arg8[%swap3A] {strides = array<i32>} : memref<3200xi32, #tpu.memory_space<vmem>>, vector<16xi32>,
        %swap3A_872 = vector.shape_cast %swap3A_871 : vector<16xi32> to vector<16xi32>
        %swap3A_873 = vector.shape_cast %sub3A_870 : vector<16xi32> to vector<16xi32>
        tpu.vector_store %arg8[%swap3A], %swap3A_873 {strides = array<i32>} : memref<3200xi32, #tpu.memory_space<vmem>>, vector<16xi32>,
        %mul3A_874 = arith.constant 16 : i32
        %mul3A_875 = arith.muli %scan3A_863, %mul3A_874 : i32
        %get3A_876 = arith.index_cast %mul3A_875 : i32 to index
        %get3A_877 = tpu.vector_load %arg9[%get3A_876] {strides = array<i32>} : memref<3200xi32, #tpu.memory_space<vmem>>, vector<16xi32>,
        %get3A_878 = vector.shape_cast %get3A_877 : vector<16xi32> to vector<16xi32>
        %sub3A_879 = arith.constant 1 : i32
        %sub3A_880 = vector.broadcast %sub3A_879 : i32 to vector<16xi32>
        %sub3A_881 = arith.subi %get3A_878, %sub3A_880 : vector<16xi32>
        %swap3A_882 = arith.index_cast %mul3A_875 : i32 to index
        %swap3A_883 = tpu.vector_load %arg9[%swap3A_882] {strides = array<i32>} : memref<3200xi32, #tpu.memory_space<vmem>>, vector<16xi32>,
        %swap3A_884 = vector.shape_cast %swap3A_883 : vector<16xi32> to vector<16xi32>
        %swap3A_885 = vector.shape_cast %sub3A_881 : vector<16xi32> to vector<16xi32>
        tpu.vector_store %arg9[%swap3A_882], %swap3A_885 {strides = array<i32>} : memref<3200xi32, #tpu.memory_space<vmem>>, vector<16xi32>,
        %mul3A_886 = arith.constant 16 : i32
        %mul3A_887 = arith.muli %scan3A_863, %mul3A_886 : i32
        %get3A_888 = arith.index_cast %mul3A_887 : i32 to index
        %get3A_889 = tpu.vector_load %arg10[%get3A_888] {strides = array<i32>} : memref<3200xi32, #tpu.memory_space<vmem>>, vector<16xi32>,
        %get3A_890 = vector.shape_cast %get3A_889 : vector<16xi32> to vector<16xi32>
        %sub3A_891 = arith.constant 1 : i32
        %sub3A_892 = vector.broadcast %sub3A_891 : i32 to vector<16xi32>
        %sub3A_893 = arith.subi %get3A_890, %sub3A_892 : vector<16xi32>
        %swap3A_894 = arith.index_cast %mul3A_887 : i32 to index
        %swap3A_895 = tpu.vector_load %arg10[%swap3A_894] {strides = array<i32>} : memref<3200xi32, #tpu.memory_space<vmem>>, vector<16xi32>,
        %swap3A_896 = vector.shape_cast %swap3A_895 : vector<16xi32> to vector<16xi32>
        %swap3A_897 = vector.shape_cast %sub3A_893 : vector<16xi32> to vector<16xi32>
        tpu.vector_store %arg10[%swap3A_894], %swap3A_897 {strides = array<i32>} : memref<3200xi32, #tpu.memory_space<vmem>>, vector<16xi32>,
        %mul3A_898 = arith.constant 16 : i32
        %mul3A_899 = arith.muli %scan3A_863, %mul3A_898 : i32
        %get3A_900 = arith.index_cast %mul3A_899 : i32 to index
        %get3A_901 = tpu.vector_load %arg11[%get3A_900] {strides = array<i32>} : memref<3200xi32, #tpu.memory_space<vmem>>, vector<16xi32>,
        %get3A_902 = vector.shape_cast %get3A_901 : vector<16xi32> to vector<16xi32>
        %sub3A_903 = arith.constant 1 : i32
        %sub3A_904 = vector.broadcast %sub3A_903 : i32 to vector<16xi32>
        %sub3A_905 = arith.subi %get3A_902, %sub3A_904 : vector<16xi32>
        %swap3A_906 = arith.index_cast %mul3A_899 : i32 to index
        %swap3A_907 = tpu.vector_load %arg11[%swap3A_906] {strides = array<i32>} : memref<3200xi32, #tpu.memory_space<vmem>>, vector<16xi32>,
        %swap3A_908 = vector.shape_cast %swap3A_907 : vector<16xi32> to vector<16xi32>
        %swap3A_909 = vector.shape_cast %sub3A_905 : vector<16xi32> to vector<16xi32>
        tpu.vector_store %arg11[%swap3A_906], %swap3A_909 {strides = array<i32>} : memref<3200xi32, #tpu.memory_space<vmem>>, vector<16xi32>,
        %scan3A_910 = arith.constant 0 : i32
        scf.yield %scan3A_910 : i32
      }
      %scan3A_86 = arith.constant 50 : i32
      %dma_start3A_87 = arith.constant 0 : i32
      %dma_start3A_88 = arith.constant 0 : i32
      %dma_start3A_89 = tpu.memref_slice %arg15[%dma_start3A_87, %dma_start3A_88] : memref<320x64xf32, #tpu.memory_space<vmem>> -> memref<128x64xf32, #tpu.memory_space<vmem>>
      %dma_start3A_90 = arith.constant 0 : i32
      %dma_start3A_91 = tpu.memref_slice %arg11[%dma_start3A_90] : memref<3200xi32, #tpu.memory_space<vmem>> -> memref<128xi32, #tpu.memory_space<vmem>>
      %dma_start3A_92 = arith.constant 0 : i32
      %dma_start3A_93 = arith.constant 0 : i32
      %dma_start3A_94 = tpu.memref_slice %arg6[%dma_start3A_92, %dma_start3A_93] : memref<100000x64xf32, #tpu.memory_space<hbm>> -> memref<100000x64xf32, #tpu.memory_space<hbm>>
      tpu.enqueue_indirect_dma source(%dma_start3A_94 : memref<100000x64xf32, #tpu.memory_space<hbm>>) target(%dma_start3A_89 : memref<128x64xf32, #tpu.memory_space<vmem>>) offsets(%dma_start3A_91 : memref<128xi32, #tpu.memory_space<vmem>>) semaphore(%arg23 : memref<!tpu.dma_semaphore, #tpu.memory_space<semaphore_mem>>)
      %dma_start3A_95 = arith.constant 128 : i32
      %dma_start3A_96 = arith.constant 0 : i32
      %dma_start3A_97 = tpu.memref_slice %arg15[%dma_start3A_95, %dma_start3A_96] : memref<320x64xf32, #tpu.memory_space<vmem>> -> memref<128x64xf32, #tpu.memory_space<vmem>>
      %dma_start3A_98 = arith.constant 128 : i32
      %dma_start3A_99 = tpu.memref_slice %arg11[%dma_start3A_98] : memref<3200xi32, #tpu.memory_space<vmem>> -> memref<128xi32, #tpu.memory_space<vmem>>
      %dma_start3A_100 = arith.constant 0 : i32
      %dma_start3A_101 = arith.constant 0 : i32
      %dma_start3A_102 = tpu.memref_slice %arg6[%dma_start3A_100, %dma_start3A_101] : memref<100000x64xf32, #tpu.memory_space<hbm>> -> memref<100000x64xf32, #tpu.memory_space<hbm>>
      tpu.enqueue_indirect_dma source(%dma_start3A_102 : memref<100000x64xf32, #tpu.memory_space<hbm>>) target(%dma_start3A_97 : memref<128x64xf32, #tpu.memory_space<vmem>>) offsets(%dma_start3A_99 : memref<128xi32, #tpu.memory_space<vmem>>) semaphore(%arg23 : memref<!tpu.dma_semaphore, #tpu.memory_space<semaphore_mem>>)
      %dma_start3A_103 = arith.constant 256 : i32
      %dma_start3A_104 = arith.constant 0 : i32
      %dma_start3A_105 = tpu.memref_slice %arg15[%dma_start3A_103, %dma_start3A_104] : memref<320x64xf32, #tpu.memory_space<vmem>> -> memref<64x64xf32, #tpu.memory_space<vmem>>
      %dma_start3A_106 = arith.constant 256 : i32
      %dma_start3A_107 = tpu.memref_slice %arg11[%dma_start3A_106] : memref<3200xi32, #tpu.memory_space<vmem>> -> memref<64xi32, #tpu.memory_space<vmem>>
      %dma_start3A_108 = arith.constant 0 : i32
      %dma_start3A_109 = arith.constant 0 : i32
      %dma_start3A_110 = tpu.memref_slice %arg6[%dma_start3A_108, %dma_start3A_109] : memref<100000x64xf32, #tpu.memory_space<hbm>> -> memref<100000x64xf32, #tpu.memory_space<hbm>>
      tpu.enqueue_indirect_dma source(%dma_start3A_110 : memref<100000x64xf32, #tpu.memory_space<hbm>>) target(%dma_start3A_105 : memref<64x64xf32, #tpu.memory_space<vmem>>) offsets(%dma_start3A_107 : memref<64xi32, #tpu.memory_space<vmem>>) semaphore(%arg23 : memref<!tpu.dma_semaphore, #tpu.memory_space<semaphore_mem>>)
      %dma_start3A_111 = arith.constant 0 : i32
      %dma_start3A_112 = arith.constant 0 : i32
      %dma_start3A_113 = tpu.memref_slice %arg19[%dma_start3A_111, %dma_start3A_112] : memref<320x64xf32, #tpu.memory_space<vmem>> -> memref<128x64xf32, #tpu.memory_space<vmem>>
      %dma_start3A_114 = arith.constant 320 : i32
      %dma_start3A_115 = tpu.memref_slice %arg11[%dma_start3A_114] : memref<3200xi32, #tpu.memory_space<vmem>> -> memref<128xi32, #tpu.memory_space<vmem>>
      %dma_start3A_116 = arith.constant 0 : i32
      %dma_start3A_117 = arith.constant 0 : i32
      %dma_start3A_118 = tpu.memref_slice %arg6[%dma_start3A_116, %dma_start3A_117] : memref<100000x64xf32, #tpu.memory_space<hbm>> -> memref<100000x64xf32, #tpu.memory_space<hbm>>
      tpu.enqueue_indirect_dma source(%dma_start3A_118 : memref<100000x64xf32, #tpu.memory_space<hbm>>) target(%dma_start3A_113 : memref<128x64xf32, #tpu.memory_space<vmem>>) offsets(%dma_start3A_115 : memref<128xi32, #tpu.memory_space<vmem>>) semaphore(%arg24 : memref<!tpu.dma_semaphore, #tpu.memory_space<semaphore_mem>>)
      %dma_start3A_119 = arith.constant 128 : i32
      %dma_start3A_120 = arith.constant 0 : i32
      %dma_start3A_121 = tpu.memref_slice %arg19[%dma_start3A_119, %dma_start3A_120] : memref<320x64xf32, #tpu.memory_space<vmem>> -> memref<128x64xf32, #tpu.memory_space<vmem>>
      %dma_start3A_122 = arith.constant 448 : i32
      %dma_start3A_123 = tpu.memref_slice %arg11[%dma_start3A_122] : memref<3200xi32, #tpu.memory_space<vmem>> -> memref<128xi32, #tpu.memory_space<vmem>>
      %dma_start3A_124 = arith.constant 0 : i32
      %dma_start3A_125 = arith.constant 0 : i32
      %dma_start3A_126 = tpu.memref_slice %arg6[%dma_start3A_124, %dma_start3A_125] : memref<100000x64xf32, #tpu.memory_space<hbm>> -> memref<100000x64xf32, #tpu.memory_space<hbm>>
      tpu.enqueue_indirect_dma source(%dma_start3A_126 : memref<100000x64xf32, #tpu.memory_space<hbm>>) target(%dma_start3A_121 : memref<128x64xf32, #tpu.memory_space<vmem>>) offsets(%dma_start3A_123 : memref<128xi32, #tpu.memory_space<vmem>>) semaphore(%arg24 : memref<!tpu.dma_semaphore, #tpu.memory_space<semaphore_mem>>)
      %dma_start3A_127 = arith.constant 256 : i32
      %dma_start3A_128 = arith.constant 0 : i32
      %dma_start3A_129 = tpu.memref_slice %arg19[%dma_start3A_127, %dma_start3A_128] : memref<320x64xf32, #tpu.memory_space<vmem>> -> memref<64x64xf32, #tpu.memory_space<vmem>>
      %dma_start3A_130 = arith.constant 576 : i32
      %dma_start3A_131 = tpu.memref_slice %arg11[%dma_start3A_130] : memref<3200xi32, #tpu.memory_space<vmem>> -> memref<64xi32, #tpu.memory_space<vmem>>
      %dma_start3A_132 = arith.constant 0 : i32
      %dma_start3A_133 = arith.constant 0 : i32
      %dma_start3A_134 = tpu.memref_slice %arg6[%dma_start3A_132, %dma_start3A_133] : memref<100000x64xf32, #tpu.memory_space<hbm>> -> memref<100000x64xf32, #tpu.memory_space<hbm>>
      tpu.enqueue_indirect_dma source(%dma_start3A_134 : memref<100000x64xf32, #tpu.memory_space<hbm>>) target(%dma_start3A_129 : memref<64x64xf32, #tpu.memory_space<vmem>>) offsets(%dma_start3A_131 : memref<64xi32, #tpu.memory_space<vmem>>) semaphore(%arg24 : memref<!tpu.dma_semaphore, #tpu.memory_space<semaphore_mem>>)
      %dma_start3A_135 = arith.constant 0 : i32
      %dma_start3A_136 = arith.constant 0 : i32
      %dma_start3A_137 = tpu.memref_slice %arg12[%dma_start3A_135, %dma_start3A_136] : memref<320x16xf32, #tpu.memory_space<vmem>> -> memref<128x16xf32, #tpu.memory_space<vmem>>
      %dma_start3A_138 = arith.constant 0 : i32
      %dma_start3A_139 = tpu.memref_slice %arg8[%dma_start3A_138] : memref<3200xi32, #tpu.memory_space<vmem>> -> memref<128xi32, #tpu.memory_space<vmem>>
      %dma_start3A_140 = arith.constant 0 : i32
      %dma_start3A_141 = arith.constant 0 : i32
      %dma_start3A_142 = tpu.memref_slice %arg20[%dma_start3A_140, %dma_start3A_141] : memref<32x16xf32, #tpu.memory_space<vmem_shared>> -> memref<32x16xf32, #tpu.memory_space<vmem_shared>>
      tpu.enqueue_indirect_dma source(%dma_start3A_142 : memref<32x16xf32, #tpu.memory_space<vmem_shared>>) target(%dma_start3A_137 : memref<128x16xf32, #tpu.memory_space<vmem>>) offsets(%dma_start3A_139 : memref<128xi32, #tpu.memory_space<vmem>>) semaphore(%arg27 : memref<!tpu.dma_semaphore, #tpu.memory_space<semaphore_mem>>)
      %dma_start3A_143 = arith.constant 0 : i32
      %dma_start3A_144 = arith.constant 0 : i32
      %dma_start3A_145 = tpu.memref_slice %arg13[%dma_start3A_143, %dma_start3A_144] : memref<320x16xf32, #tpu.memory_space<vmem>> -> memref<128x16xf32, #tpu.memory_space<vmem>>
      %dma_start3A_146 = arith.constant 0 : i32
      %dma_start3A_147 = tpu.memref_slice %arg9[%dma_start3A_146] : memref<3200xi32, #tpu.memory_space<vmem>> -> memref<128xi32, #tpu.memory_space<vmem>>
      %dma_start3A_148 = arith.constant 0 : i32
      %dma_start3A_149 = arith.constant 0 : i32
      %dma_start3A_150 = tpu.memref_slice %arg21[%dma_start3A_148, %dma_start3A_149] : memref<512x16xf32, #tpu.memory_space<vmem_shared>> -> memref<512x16xf32, #tpu.memory_space<vmem_shared>>
      tpu.enqueue_indirect_dma source(%dma_start3A_150 : memref<512x16xf32, #tpu.memory_space<vmem_shared>>) target(%dma_start3A_145 : memref<128x16xf32, #tpu.memory_space<vmem>>) offsets(%dma_start3A_147 : memref<128xi32, #tpu.memory_space<vmem>>) semaphore(%arg27 : memref<!tpu.dma_semaphore, #tpu.memory_space<semaphore_mem>>)
      %dma_start3A_151 = arith.constant 0 : i32
      %dma_start3A_152 = arith.constant 0 : i32
      %dma_start3A_153 = tpu.memref_slice %arg14[%dma_start3A_151, %dma_start3A_152] : memref<320x32xf32, #tpu.memory_space<vmem>> -> memref<128x32xf32, #tpu.memory_space<vmem>>
      %dma_start3A_154 = arith.constant 0 : i32
      %dma_start3A_155 = tpu.memref_slice %arg10[%dma_start3A_154] : memref<3200xi32, #tpu.memory_space<vmem>> -> memref<128xi32, #tpu.memory_space<vmem>>
      %dma_start3A_156 = arith.constant 0 : i32
      %dma_start3A_157 = arith.constant 0 : i32
      %dma_start3A_158 = tpu.memref_slice %arg22[%dma_start3A_156, %dma_start3A_157] : memref<8192x32xf32, #tpu.memory_space<vmem_shared>> -> memref<8192x32xf32, #tpu.memory_space<vmem_shared>>
      tpu.enqueue_indirect_dma source(%dma_start3A_158 : memref<8192x32xf32, #tpu.memory_space<vmem_shared>>) target(%dma_start3A_153 : memref<128x32xf32, #tpu.memory_space<vmem>>) offsets(%dma_start3A_155 : memref<128xi32, #tpu.memory_space<vmem>>) semaphore(%arg27 : memref<!tpu.dma_semaphore, #tpu.memory_space<semaphore_mem>>)
      %dma_start3A_159 = arith.constant 128 : i32
      %dma_start3A_160 = arith.constant 0 : i32
      %dma_start3A_161 = tpu.memref_slice %arg12[%dma_start3A_159, %dma_start3A_160] : memref<320x16xf32, #tpu.memory_space<vmem>> -> memref<128x16xf32, #tpu.memory_space<vmem>>
      %dma_start3A_162 = arith.constant 128 : i32
      %dma_start3A_163 = tpu.memref_slice %arg8[%dma_start3A_162] : memref<3200xi32, #tpu.memory_space<vmem>> -> memref<128xi32, #tpu.memory_space<vmem>>
      %dma_start3A_164 = arith.constant 0 : i32
      %dma_start3A_165 = arith.constant 0 : i32
      %dma_start3A_166 = tpu.memref_slice %arg20[%dma_start3A_164, %dma_start3A_165] : memref<32x16xf32, #tpu.memory_space<vmem_shared>> -> memref<32x16xf32, #tpu.memory_space<vmem_shared>>
      tpu.enqueue_indirect_dma source(%dma_start3A_166 : memref<32x16xf32, #tpu.memory_space<vmem_shared>>) target(%dma_start3A_161 : memref<128x16xf32, #tpu.memory_space<vmem>>) offsets(%dma_start3A_163 : memref<128xi32, #tpu.memory_space<vmem>>) semaphore(%arg27 : memref<!tpu.dma_semaphore, #tpu.memory_space<semaphore_mem>>)
      %dma_start3A_167 = arith.constant 128 : i32
      %dma_start3A_168 = arith.constant 0 : i32
      %dma_start3A_169 = tpu.memref_slice %arg13[%dma_start3A_167, %dma_start3A_168] : memref<320x16xf32, #tpu.memory_space<vmem>> -> memref<128x16xf32, #tpu.memory_space<vmem>>
      %dma_start3A_170 = arith.constant 128 : i32
      %dma_start3A_171 = tpu.memref_slice %arg9[%dma_start3A_170] : memref<3200xi32, #tpu.memory_space<vmem>> -> memref<128xi32, #tpu.memory_space<vmem>>
      %dma_start3A_172 = arith.constant 0 : i32
      %dma_start3A_173 = arith.constant 0 : i32
      %dma_start3A_174 = tpu.memref_slice %arg21[%dma_start3A_172, %dma_start3A_173] : memref<512x16xf32, #tpu.memory_space<vmem_shared>> -> memref<512x16xf32, #tpu.memory_space<vmem_shared>>
      tpu.enqueue_indirect_dma source(%dma_start3A_174 : memref<512x16xf32, #tpu.memory_space<vmem_shared>>) target(%dma_start3A_169 : memref<128x16xf32, #tpu.memory_space<vmem>>) offsets(%dma_start3A_171 : memref<128xi32, #tpu.memory_space<vmem>>) semaphore(%arg27 : memref<!tpu.dma_semaphore, #tpu.memory_space<semaphore_mem>>)
      %dma_start3A_175 = arith.constant 128 : i32
      %dma_start3A_176 = arith.constant 0 : i32
      %dma_start3A_177 = tpu.memref_slice %arg14[%dma_start3A_175, %dma_start3A_176] : memref<320x32xf32, #tpu.memory_space<vmem>> -> memref<128x32xf32, #tpu.memory_space<vmem>>
      %dma_start3A_178 = arith.constant 128 : i32
      %dma_start3A_179 = tpu.memref_slice %arg10[%dma_start3A_178] : memref<3200xi32, #tpu.memory_space<vmem>> -> memref<128xi32, #tpu.memory_space<vmem>>
      %dma_start3A_180 = arith.constant 0 : i32
      %dma_start3A_181 = arith.constant 0 : i32
      %dma_start3A_182 = tpu.memref_slice %arg22[%dma_start3A_180, %dma_start3A_181] : memref<8192x32xf32, #tpu.memory_space<vmem_shared>> -> memref<8192x32xf32, #tpu.memory_space<vmem_shared>>
      tpu.enqueue_indirect_dma source(%dma_start3A_182 : memref<8192x32xf32, #tpu.memory_space<vmem_shared>>) target(%dma_start3A_177 : memref<128x32xf32, #tpu.memory_space<vmem>>) offsets(%dma_start3A_179 : memref<128xi32, #tpu.memory_space<vmem>>) semaphore(%arg27 : memref<!tpu.dma_semaphore, #tpu.memory_space<semaphore_mem>>)
      %dma_start3A_183 = arith.constant 256 : i32
      %dma_start3A_184 = arith.constant 0 : i32
      %dma_start3A_185 = tpu.memref_slice %arg12[%dma_start3A_183, %dma_start3A_184] : memref<320x16xf32, #tpu.memory_space<vmem>> -> memref<64x16xf32, #tpu.memory_space<vmem>>
      %dma_start3A_186 = arith.constant 256 : i32
      %dma_start3A_187 = tpu.memref_slice %arg8[%dma_start3A_186] : memref<3200xi32, #tpu.memory_space<vmem>> -> memref<64xi32, #tpu.memory_space<vmem>>
      %dma_start3A_188 = arith.constant 0 : i32
      %dma_start3A_189 = arith.constant 0 : i32
      %dma_start3A_190 = tpu.memref_slice %arg20[%dma_start3A_188, %dma_start3A_189] : memref<32x16xf32, #tpu.memory_space<vmem_shared>> -> memref<32x16xf32, #tpu.memory_space<vmem_shared>>
      tpu.enqueue_indirect_dma source(%dma_start3A_190 : memref<32x16xf32, #tpu.memory_space<vmem_shared>>) target(%dma_start3A_185 : memref<64x16xf32, #tpu.memory_space<vmem>>) offsets(%dma_start3A_187 : memref<64xi32, #tpu.memory_space<vmem>>) semaphore(%arg27 : memref<!tpu.dma_semaphore, #tpu.memory_space<semaphore_mem>>)
      %dma_start3A_191 = arith.constant 256 : i32
      %dma_start3A_192 = arith.constant 0 : i32
      %dma_start3A_193 = tpu.memref_slice %arg13[%dma_start3A_191, %dma_start3A_192] : memref<320x16xf32, #tpu.memory_space<vmem>> -> memref<64x16xf32, #tpu.memory_space<vmem>>
      %dma_start3A_194 = arith.constant 256 : i32
      %dma_start3A_195 = tpu.memref_slice %arg9[%dma_start3A_194] : memref<3200xi32, #tpu.memory_space<vmem>> -> memref<64xi32, #tpu.memory_space<vmem>>
      %dma_start3A_196 = arith.constant 0 : i32
      %dma_start3A_197 = arith.constant 0 : i32
      %dma_start3A_198 = tpu.memref_slice %arg21[%dma_start3A_196, %dma_start3A_197] : memref<512x16xf32, #tpu.memory_space<vmem_shared>> -> memref<512x16xf32, #tpu.memory_space<vmem_shared>>
      tpu.enqueue_indirect_dma source(%dma_start3A_198 : memref<512x16xf32, #tpu.memory_space<vmem_shared>>) target(%dma_start3A_193 : memref<64x16xf32, #tpu.memory_space<vmem>>) offsets(%dma_start3A_195 : memref<64xi32, #tpu.memory_space<vmem>>) semaphore(%arg27 : memref<!tpu.dma_semaphore, #tpu.memory_space<semaphore_mem>>)
      %dma_start3A_199 = arith.constant 256 : i32
      %dma_start3A_200 = arith.constant 0 : i32
      %dma_start3A_201 = tpu.memref_slice %arg14[%dma_start3A_199, %dma_start3A_200] : memref<320x32xf32, #tpu.memory_space<vmem>> -> memref<64x32xf32, #tpu.memory_space<vmem>>
      %dma_start3A_202 = arith.constant 256 : i32
      %dma_start3A_203 = tpu.memref_slice %arg10[%dma_start3A_202] : memref<3200xi32, #tpu.memory_space<vmem>> -> memref<64xi32, #tpu.memory_space<vmem>>
      %dma_start3A_204 = arith.constant 0 : i32
      %dma_start3A_205 = arith.constant 0 : i32
      %dma_start3A_206 = tpu.memref_slice %arg22[%dma_start3A_204, %dma_start3A_205] : memref<8192x32xf32, #tpu.memory_space<vmem_shared>> -> memref<8192x32xf32, #tpu.memory_space<vmem_shared>>
      tpu.enqueue_indirect_dma source(%dma_start3A_206 : memref<8192x32xf32, #tpu.memory_space<vmem_shared>>) target(%dma_start3A_201 : memref<64x32xf32, #tpu.memory_space<vmem>>) offsets(%dma_start3A_203 : memref<64xi32, #tpu.memory_space<vmem>>) semaphore(%arg27 : memref<!tpu.dma_semaphore, #tpu.memory_space<semaphore_mem>>)
      %dma_wait3A_207 = arith.constant 0 : i32
      %dma_wait3A_208 = arith.constant 0 : i32
      %dma_wait3A_209 = tpu.memref_slice %arg12[%dma_wait3A_207, %dma_wait3A_208] : memref<320x16xf32, #tpu.memory_space<vmem>> -> memref<128x16xf32, #tpu.memory_space<vmem>>
      %dma_wait3A_210 = arith.constant 0 : i32
      %dma_wait3A_211 = tpu.memref_slice %arg8[%dma_wait3A_210] : memref<3200xi32, #tpu.memory_space<vmem>> -> memref<128xi32, #tpu.memory_space<vmem>>
      %dma_wait3A_212 = arith.constant 0 : i32
      %dma_wait3A_213 = arith.constant 0 : i32
      %dma_wait3A_214 = tpu.memref_slice %arg20[%dma_wait3A_212, %dma_wait3A_213] : memref<32x16xf32, #tpu.memory_space<vmem_shared>> -> memref<32x16xf32, #tpu.memory_space<vmem_shared>>
      tpu.wait_indirect_dma semaphore(%arg27 : memref<!tpu.dma_semaphore, #tpu.memory_space<semaphore_mem>>) src(%dma_wait3A_214 : memref<32x16xf32, #tpu.memory_space<vmem_shared>>) dst(%dma_wait3A_209 : memref<128x16xf32, #tpu.memory_space<vmem>>)
      %dma_wait3A_215 = arith.constant 0 : i32
      %dma_wait3A_216 = arith.constant 0 : i32
      %dma_wait3A_217 = tpu.memref_slice %arg13[%dma_wait3A_215, %dma_wait3A_216] : memref<320x16xf32, #tpu.memory_space<vmem>> -> memref<128x16xf32, #tpu.memory_space<vmem>>
      %dma_wait3A_218 = arith.constant 0 : i32
      %dma_wait3A_219 = tpu.memref_slice %arg9[%dma_wait3A_218] : memref<3200xi32, #tpu.memory_space<vmem>> -> memref<128xi32, #tpu.memory_space<vmem>>
      %dma_wait3A_220 = arith.constant 0 : i32
      %dma_wait3A_221 = arith.constant 0 : i32
      %dma_wait3A_222 = tpu.memref_slice %arg21[%dma_wait3A_220, %dma_wait3A_221] : memref<512x16xf32, #tpu.memory_space<vmem_shared>> -> memref<512x16xf32, #tpu.memory_space<vmem_shared>>
      tpu.wait_indirect_dma semaphore(%arg27 : memref<!tpu.dma_semaphore, #tpu.memory_space<semaphore_mem>>) src(%dma_wait3A_222 : memref<512x16xf32, #tpu.memory_space<vmem_shared>>) dst(%dma_wait3A_217 : memref<128x16xf32, #tpu.memory_space<vmem>>)
      %dma_wait3A_223 = arith.constant 0 : i32
      %dma_wait3A_224 = arith.constant 0 : i32
      %dma_wait3A_225 = tpu.memref_slice %arg14[%dma_wait3A_223, %dma_wait3A_224] : memref<320x32xf32, #tpu.memory_space<vmem>> -> memref<128x32xf32, #tpu.memory_space<vmem>>
      %dma_wait3A_226 = arith.constant 0 : i32
      %dma_wait3A_227 = tpu.memref_slice %arg10[%dma_wait3A_226] : memref<3200xi32, #tpu.memory_space<vmem>> -> memref<128xi32, #tpu.memory_space<vmem>>
      %dma_wait3A_228 = arith.constant 0 : i32
      %dma_wait3A_229 = arith.constant 0 : i32
      %dma_wait3A_230 = tpu.memref_slice %arg22[%dma_wait3A_228, %dma_wait3A_229] : memref<8192x32xf32, #tpu.memory_space<vmem_shared>> -> memref<8192x32xf32, #tpu.memory_space<vmem_shared>>
      tpu.wait_indirect_dma semaphore(%arg27 : memref<!tpu.dma_semaphore, #tpu.memory_space<semaphore_mem>>) src(%dma_wait3A_230 : memref<8192x32xf32, #tpu.memory_space<vmem_shared>>) dst(%dma_wait3A_225 : memref<128x32xf32, #tpu.memory_space<vmem>>)
      %dma_wait3A_231 = arith.constant 128 : i32
      %dma_wait3A_232 = arith.constant 0 : i32
      %dma_wait3A_233 = tpu.memref_slice %arg12[%dma_wait3A_231, %dma_wait3A_232] : memref<320x16xf32, #tpu.memory_space<vmem>> -> memref<128x16xf32, #tpu.memory_space<vmem>>
      %dma_wait3A_234 = arith.constant 128 : i32
      %dma_wait3A_235 = tpu.memref_slice %arg8[%dma_wait3A_234] : memref<3200xi32, #tpu.memory_space<vmem>> -> memref<128xi32, #tpu.memory_space<vmem>>
      %dma_wait3A_236 = arith.constant 0 : i32
      %dma_wait3A_237 = arith.constant 0 : i32
      %dma_wait3A_238 = tpu.memref_slice %arg20[%dma_wait3A_236, %dma_wait3A_237] : memref<32x16xf32, #tpu.memory_space<vmem_shared>> -> memref<32x16xf32, #tpu.memory_space<vmem_shared>>
      tpu.wait_indirect_dma semaphore(%arg27 : memref<!tpu.dma_semaphore, #tpu.memory_space<semaphore_mem>>) src(%dma_wait3A_238 : memref<32x16xf32, #tpu.memory_space<vmem_shared>>) dst(%dma_wait3A_233 : memref<128x16xf32, #tpu.memory_space<vmem>>)
      %dma_wait3A_239 = arith.constant 128 : i32
      %dma_wait3A_240 = arith.constant 0 : i32
      %dma_wait3A_241 = tpu.memref_slice %arg13[%dma_wait3A_239, %dma_wait3A_240] : memref<320x16xf32, #tpu.memory_space<vmem>> -> memref<128x16xf32, #tpu.memory_space<vmem>>
      %dma_wait3A_242 = arith.constant 128 : i32
      %dma_wait3A_243 = tpu.memref_slice %arg9[%dma_wait3A_242] : memref<3200xi32, #tpu.memory_space<vmem>> -> memref<128xi32, #tpu.memory_space<vmem>>
      %dma_wait3A_244 = arith.constant 0 : i32
      %dma_wait3A_245 = arith.constant 0 : i32
      %dma_wait3A_246 = tpu.memref_slice %arg21[%dma_wait3A_244, %dma_wait3A_245] : memref<512x16xf32, #tpu.memory_space<vmem_shared>> -> memref<512x16xf32, #tpu.memory_space<vmem_shared>>
      tpu.wait_indirect_dma semaphore(%arg27 : memref<!tpu.dma_semaphore, #tpu.memory_space<semaphore_mem>>) src(%dma_wait3A_246 : memref<512x16xf32, #tpu.memory_space<vmem_shared>>) dst(%dma_wait3A_241 : memref<128x16xf32, #tpu.memory_space<vmem>>)
      %dma_wait3A_247 = arith.constant 128 : i32
      %dma_wait3A_248 = arith.constant 0 : i32
      %dma_wait3A_249 = tpu.memref_slice %arg14[%dma_wait3A_247, %dma_wait3A_248] : memref<320x32xf32, #tpu.memory_space<vmem>> -> memref<128x32xf32, #tpu.memory_space<vmem>>
      %dma_wait3A_250 = arith.constant 128 : i32
      %dma_wait3A_251 = tpu.memref_slice %arg10[%dma_wait3A_250] : memref<3200xi32, #tpu.memory_space<vmem>> -> memref<128xi32, #tpu.memory_space<vmem>>
      %dma_wait3A_252 = arith.constant 0 : i32
      %dma_wait3A_253 = arith.constant 0 : i32
      %dma_wait3A_254 = tpu.memref_slice %arg22[%dma_wait3A_252, %dma_wait3A_253] : memref<8192x32xf32, #tpu.memory_space<vmem_shared>> -> memref<8192x32xf32, #tpu.memory_space<vmem_shared>>
      tpu.wait_indirect_dma semaphore(%arg27 : memref<!tpu.dma_semaphore, #tpu.memory_space<semaphore_mem>>) src(%dma_wait3A_254 : memref<8192x32xf32, #tpu.memory_space<vmem_shared>>) dst(%dma_wait3A_249 : memref<128x32xf32, #tpu.memory_space<vmem>>)
      %dma_wait3A_255 = arith.constant 256 : i32
      %dma_wait3A_256 = arith.constant 0 : i32
      %dma_wait3A_257 = tpu.memref_slice %arg12[%dma_wait3A_255, %dma_wait3A_256] : memref<320x16xf32, #tpu.memory_space<vmem>> -> memref<64x16xf32, #tpu.memory_space<vmem>>
      %dma_wait3A_258 = arith.constant 256 : i32
      %dma_wait3A_259 = tpu.memref_slice %arg8[%dma_wait3A_258] : memref<3200xi32, #tpu.memory_space<vmem>> -> memref<64xi32, #tpu.memory_space<vmem>>
      %dma_wait3A_260 = arith.constant 0 : i32
      %dma_wait3A_261 = arith.constant 0 : i32
      %dma_wait3A_262 = tpu.memref_slice %arg20[%dma_wait3A_260, %dma_wait3A_261] : memref<32x16xf32, #tpu.memory_space<vmem_shared>> -> memref<32x16xf32, #tpu.memory_space<vmem_shared>>
      tpu.wait_indirect_dma semaphore(%arg27 : memref<!tpu.dma_semaphore, #tpu.memory_space<semaphore_mem>>) src(%dma_wait3A_262 : memref<32x16xf32, #tpu.memory_space<vmem_shared>>) dst(%dma_wait3A_257 : memref<64x16xf32, #tpu.memory_space<vmem>>)
      %dma_wait3A_263 = arith.constant 256 : i32
      %dma_wait3A_264 = arith.constant 0 : i32
      %dma_wait3A_265 = tpu.memref_slice %arg13[%dma_wait3A_263, %dma_wait3A_264] : memref<320x16xf32, #tpu.memory_space<vmem>> -> memref<64x16xf32, #tpu.memory_space<vmem>>
      %dma_wait3A_266 = arith.constant 256 : i32
      %dma_wait3A_267 = tpu.memref_slice %arg9[%dma_wait3A_266] : memref<3200xi32, #tpu.memory_space<vmem>> -> memref<64xi32, #tpu.memory_space<vmem>>
      %dma_wait3A_268 = arith.constant 0 : i32
      %dma_wait3A_269 = arith.constant 0 : i32
      %dma_wait3A_270 = tpu.memref_slice %arg21[%dma_wait3A_268, %dma_wait3A_269] : memref<512x16xf32, #tpu.memory_space<vmem_shared>> -> memref<512x16xf32, #tpu.memory_space<vmem_shared>>
      tpu.wait_indirect_dma semaphore(%arg27 : memref<!tpu.dma_semaphore, #tpu.memory_space<semaphore_mem>>) src(%dma_wait3A_270 : memref<512x16xf32, #tpu.memory_space<vmem_shared>>) dst(%dma_wait3A_265 : memref<64x16xf32, #tpu.memory_space<vmem>>)
      %dma_wait3A_271 = arith.constant 256 : i32
      %dma_wait3A_272 = arith.constant 0 : i32
      %dma_wait3A_273 = tpu.memref_slice %arg14[%dma_wait3A_271, %dma_wait3A_272] : memref<320x32xf32, #tpu.memory_space<vmem>> -> memref<64x32xf32, #tpu.memory_space<vmem>>
      %dma_wait3A_274 = arith.constant 256 : i32
      %dma_wait3A_275 = tpu.memref_slice %arg10[%dma_wait3A_274] : memref<3200xi32, #tpu.memory_space<vmem>> -> memref<64xi32, #tpu.memory_space<vmem>>
      %dma_wait3A_276 = arith.constant 0 : i32
      %dma_wait3A_277 = arith.constant 0 : i32
      %dma_wait3A_278 = tpu.memref_slice %arg22[%dma_wait3A_276, %dma_wait3A_277] : memref<8192x32xf32, #tpu.memory_space<vmem_shared>> -> memref<8192x32xf32, #tpu.memory_space<vmem_shared>>
      tpu.wait_indirect_dma semaphore(%arg27 : memref<!tpu.dma_semaphore, #tpu.memory_space<semaphore_mem>>) src(%dma_wait3A_278 : memref<8192x32xf32, #tpu.memory_space<vmem_shared>>) dst(%dma_wait3A_273 : memref<64x32xf32, #tpu.memory_space<vmem>>)
      %dma_wait3A_279 = arith.constant 0 : i32
      %dma_wait3A_280 = arith.constant 0 : i32
      %dma_wait3A_281 = tpu.memref_slice %arg15[%dma_wait3A_279, %dma_wait3A_280] : memref<320x64xf32, #tpu.memory_space<vmem>> -> memref<128x64xf32, #tpu.memory_space<vmem>>
      %dma_wait3A_282 = arith.constant 0 : i32
      %dma_wait3A_283 = tpu.memref_slice %arg11[%dma_wait3A_282] : memref<3200xi32, #tpu.memory_space<vmem>> -> memref<128xi32, #tpu.memory_space<vmem>>
      %dma_wait3A_284 = arith.constant 0 : i32
      %dma_wait3A_285 = arith.constant 0 : i32
      %dma_wait3A_286 = tpu.memref_slice %arg6[%dma_wait3A_284, %dma_wait3A_285] : memref<100000x64xf32, #tpu.memory_space<hbm>> -> memref<100000x64xf32, #tpu.memory_space<hbm>>
      tpu.wait_indirect_dma semaphore(%arg23 : memref<!tpu.dma_semaphore, #tpu.memory_space<semaphore_mem>>) src(%dma_wait3A_286 : memref<100000x64xf32, #tpu.memory_space<hbm>>) dst(%dma_wait3A_281 : memref<128x64xf32, #tpu.memory_space<vmem>>)
      %dma_wait3A_287 = arith.constant 128 : i32
      %dma_wait3A_288 = arith.constant 0 : i32
      %dma_wait3A_289 = tpu.memref_slice %arg15[%dma_wait3A_287, %dma_wait3A_288] : memref<320x64xf32, #tpu.memory_space<vmem>> -> memref<128x64xf32, #tpu.memory_space<vmem>>
      %dma_wait3A_290 = arith.constant 128 : i32
      %dma_wait3A_291 = tpu.memref_slice %arg11[%dma_wait3A_290] : memref<3200xi32, #tpu.memory_space<vmem>> -> memref<128xi32, #tpu.memory_space<vmem>>
      %dma_wait3A_292 = arith.constant 0 : i32
      %dma_wait3A_293 = arith.constant 0 : i32
      %dma_wait3A_294 = tpu.memref_slice %arg6[%dma_wait3A_292, %dma_wait3A_293] : memref<100000x64xf32, #tpu.memory_space<hbm>> -> memref<100000x64xf32, #tpu.memory_space<hbm>>
      tpu.wait_indirect_dma semaphore(%arg23 : memref<!tpu.dma_semaphore, #tpu.memory_space<semaphore_mem>>) src(%dma_wait3A_294 : memref<100000x64xf32, #tpu.memory_space<hbm>>) dst(%dma_wait3A_289 : memref<128x64xf32, #tpu.memory_space<vmem>>)
      %dma_wait3A_295 = arith.constant 256 : i32
      %dma_wait3A_296 = arith.constant 0 : i32
      %dma_wait3A_297 = tpu.memref_slice %arg15[%dma_wait3A_295, %dma_wait3A_296] : memref<320x64xf32, #tpu.memory_space<vmem>> -> memref<64x64xf32, #tpu.memory_space<vmem>>
      %dma_wait3A_298 = arith.constant 256 : i32
      %dma_wait3A_299 = tpu.memref_slice %arg11[%dma_wait3A_298] : memref<3200xi32, #tpu.memory_space<vmem>> -> memref<64xi32, #tpu.memory_space<vmem>>
      %dma_wait3A_300 = arith.constant 0 : i32
      %dma_wait3A_301 = arith.constant 0 : i32
      %dma_wait3A_302 = tpu.memref_slice %arg6[%dma_wait3A_300, %dma_wait3A_301] : memref<100000x64xf32, #tpu.memory_space<hbm>> -> memref<100000x64xf32, #tpu.memory_space<hbm>>
      tpu.wait_indirect_dma semaphore(%arg23 : memref<!tpu.dma_semaphore, #tpu.memory_space<semaphore_mem>>) src(%dma_wait3A_302 : memref<100000x64xf32, #tpu.memory_space<hbm>>) dst(%dma_wait3A_297 : memref<64x64xf32, #tpu.memory_space<vmem>>)
      %add3A_303 = arith.constant 0 : i32
      %add3A_304 = arith.addi %mul3A_2, %add3A_303 : i32
      %dma_start3A_305 = arith.constant 0 : i32
      %dma_start3A_306 = arith.constant 0 : i32
      %dma_start3A_307 = tpu.memref_slice %arg12[%dma_start3A_305, %dma_start3A_306] : memref<320x16xf32, #tpu.memory_space<vmem>> -> memref<320x16xf32, #tpu.memory_space<vmem>>
      %dma_start3A_308 = arith.constant 0 : i32
      %dma_start3A_309 = tpu.memref_slice %arg7[%add3A_304, %dma_start3A_308] : memref<100000x128xf32, #tpu.memory_space<hbm>> -> memref<320x16xf32, #tpu.memory_space<hbm>>
      %dma_start3A_310 = arith.constant 0 : i32
      %dma_start3A_311 = tpu.memref_slice %arg7[%add3A_304, %dma_start3A_310] : memref<100000x128xf32, #tpu.memory_space<hbm>> -> memref<320x16xf32, #tpu.memory_space<hbm>>
      %dma_start3A_312 = arith.constant 0 : i32
      %dma_start3A_313 = arith.constant 0 : i32
      %dma_start3A_314 = tpu.memref_slice %arg12[%dma_start3A_312, %dma_start3A_313] : memref<320x16xf32, #tpu.memory_space<vmem>> -> memref<320x16xf32, #tpu.memory_space<vmem>>
      tpu.enqueue_dma source(%dma_start3A_314 : memref<320x16xf32, #tpu.memory_space<vmem>>) target(%dma_start3A_311 : memref<320x16xf32, #tpu.memory_space<hbm>>) target_semaphore(%arg25 : memref<!tpu.dma_semaphore, #tpu.memory_space<semaphore_mem>>)
      %add3A_315 = arith.constant 0 : i32
      %add3A_316 = arith.addi %mul3A_2, %add3A_315 : i32
      %dma_start3A_317 = arith.constant 0 : i32
      %dma_start3A_318 = arith.constant 0 : i32
      %dma_start3A_319 = tpu.memref_slice %arg13[%dma_start3A_317, %dma_start3A_318] : memref<320x16xf32, #tpu.memory_space<vmem>> -> memref<320x16xf32, #tpu.memory_space<vmem>>
      %dma_start3A_320 = arith.constant 16 : i32
      %dma_start3A_321 = tpu.memref_slice %arg7[%add3A_316, %dma_start3A_320] : memref<100000x128xf32, #tpu.memory_space<hbm>> -> memref<320x16xf32, #tpu.memory_space<hbm>>
      %dma_start3A_322 = arith.constant 16 : i32
      %dma_start3A_323 = tpu.memref_slice %arg7[%add3A_316, %dma_start3A_322] : memref<100000x128xf32, #tpu.memory_space<hbm>> -> memref<320x16xf32, #tpu.memory_space<hbm>>
      %dma_start3A_324 = arith.constant 0 : i32
      %dma_start3A_325 = arith.constant 0 : i32
      %dma_start3A_326 = tpu.memref_slice %arg13[%dma_start3A_324, %dma_start3A_325] : memref<320x16xf32, #tpu.memory_space<vmem>> -> memref<320x16xf32, #tpu.memory_space<vmem>>
      tpu.enqueue_dma source(%dma_start3A_326 : memref<320x16xf32, #tpu.memory_space<vmem>>) target(%dma_start3A_323 : memref<320x16xf32, #tpu.memory_space<hbm>>) target_semaphore(%arg25 : memref<!tpu.dma_semaphore, #tpu.memory_space<semaphore_mem>>)
      %add3A_327 = arith.constant 0 : i32
      %add3A_328 = arith.addi %mul3A_2, %add3A_327 : i32
      %dma_start3A_329 = arith.constant 0 : i32
      %dma_start3A_330 = arith.constant 0 : i32
      %dma_start3A_331 = tpu.memref_slice %arg14[%dma_start3A_329, %dma_start3A_330] : memref<320x32xf32, #tpu.memory_space<vmem>> -> memref<320x32xf32, #tpu.memory_space<vmem>>
      %dma_start3A_332 = arith.constant 32 : i32
      %dma_start3A_333 = tpu.memref_slice %arg7[%add3A_328, %dma_start3A_332] : memref<100000x128xf32, #tpu.memory_space<hbm>> -> memref<320x32xf32, #tpu.memory_space<hbm>>
      %dma_start3A_334 = arith.constant 32 : i32
      %dma_start3A_335 = tpu.memref_slice %arg7[%add3A_328, %dma_start3A_334] : memref<100000x128xf32, #tpu.memory_space<hbm>> -> memref<320x32xf32, #tpu.memory_space<hbm>>
      %dma_start3A_336 = arith.constant 0 : i32
      %dma_start3A_337 = arith.constant 0 : i32
      %dma_start3A_338 = tpu.memref_slice %arg14[%dma_start3A_336, %dma_start3A_337] : memref<320x32xf32, #tpu.memory_space<vmem>> -> memref<320x32xf32, #tpu.memory_space<vmem>>
      tpu.enqueue_dma source(%dma_start3A_338 : memref<320x32xf32, #tpu.memory_space<vmem>>) target(%dma_start3A_335 : memref<320x32xf32, #tpu.memory_space<hbm>>) target_semaphore(%arg25 : memref<!tpu.dma_semaphore, #tpu.memory_space<semaphore_mem>>)
      %add3A_339 = arith.constant 0 : i32
      %add3A_340 = arith.addi %mul3A_2, %add3A_339 : i32
      %dma_start3A_341 = arith.constant 0 : i32
      %dma_start3A_342 = arith.constant 0 : i32
      %dma_start3A_343 = tpu.memref_slice %arg15[%dma_start3A_341, %dma_start3A_342] : memref<320x64xf32, #tpu.memory_space<vmem>> -> memref<320x64xf32, #tpu.memory_space<vmem>>
      %dma_start3A_344 = arith.constant 64 : i32
      %dma_start3A_345 = tpu.memref_slice %arg7[%add3A_340, %dma_start3A_344] : memref<100000x128xf32, #tpu.memory_space<hbm>> -> memref<320x64xf32, #tpu.memory_space<hbm>>
      %dma_start3A_346 = arith.constant 64 : i32
      %dma_start3A_347 = tpu.memref_slice %arg7[%add3A_340, %dma_start3A_346] : memref<100000x128xf32, #tpu.memory_space<hbm>> -> memref<320x64xf32, #tpu.memory_space<hbm>>
      %dma_start3A_348 = arith.constant 0 : i32
      %dma_start3A_349 = arith.constant 0 : i32
      %dma_start3A_350 = tpu.memref_slice %arg15[%dma_start3A_348, %dma_start3A_349] : memref<320x64xf32, #tpu.memory_space<vmem>> -> memref<320x64xf32, #tpu.memory_space<vmem>>
      tpu.enqueue_dma source(%dma_start3A_350 : memref<320x64xf32, #tpu.memory_space<vmem>>) target(%dma_start3A_347 : memref<320x64xf32, #tpu.memory_space<hbm>>) target_semaphore(%arg25 : memref<!tpu.dma_semaphore, #tpu.memory_space<semaphore_mem>>)
      %dma_wait3A_351 = arith.constant 0 : i32
      %dma_wait3A_352 = arith.constant 0 : i32
      %dma_wait3A_353 = tpu.memref_slice %arg12[%dma_wait3A_351, %dma_wait3A_352] : memref<320x16xf32, #tpu.memory_space<vmem>> -> memref<320x16xf32, #tpu.memory_space<vmem>>
      %dma_wait3A_354 = arith.constant 0 : i32
      %dma_wait3A_355 = tpu.memref_slice %arg7[%add3A_304, %dma_wait3A_354] : memref<100000x128xf32, #tpu.memory_space<hbm>> -> memref<320x16xf32, #tpu.memory_space<hbm>>
      %dma_wait3A_356 = arith.constant 0 : i32
      %dma_wait3A_357 = tpu.memref_slice %arg7[%add3A_304, %dma_wait3A_356] : memref<100000x128xf32, #tpu.memory_space<hbm>> -> memref<320x16xf32, #tpu.memory_space<hbm>>
      %dma_wait3A_358 = arith.constant 0 : i32
      %dma_wait3A_359 = arith.constant 0 : i32
      %dma_wait3A_360 = tpu.memref_slice %arg12[%dma_wait3A_358, %dma_wait3A_359] : memref<320x16xf32, #tpu.memory_space<vmem>> -> memref<320x16xf32, #tpu.memory_space<vmem>>
      tpu.wait_dma2 semaphore(%arg25 : memref<!tpu.dma_semaphore, #tpu.memory_space<semaphore_mem>>) src(%dma_wait3A_360 : memref<320x16xf32, #tpu.memory_space<vmem>>) dst(%dma_wait3A_357 : memref<320x16xf32, #tpu.memory_space<hbm>>)
      %dma_wait3A_361 = arith.constant 0 : i32
      %dma_wait3A_362 = arith.constant 0 : i32
      %dma_wait3A_363 = tpu.memref_slice %arg13[%dma_wait3A_361, %dma_wait3A_362] : memref<320x16xf32, #tpu.memory_space<vmem>> -> memref<320x16xf32, #tpu.memory_space<vmem>>
      %dma_wait3A_364 = arith.constant 16 : i32
      %dma_wait3A_365 = tpu.memref_slice %arg7[%add3A_316, %dma_wait3A_364] : memref<100000x128xf32, #tpu.memory_space<hbm>> -> memref<320x16xf32, #tpu.memory_space<hbm>>
      %dma_wait3A_366 = arith.constant 16 : i32
      %dma_wait3A_367 = tpu.memref_slice %arg7[%add3A_316, %dma_wait3A_366] : memref<100000x128xf32, #tpu.memory_space<hbm>> -> memref<320x16xf32, #tpu.memory_space<hbm>>
      %dma_wait3A_368 = arith.constant 0 : i32
      %dma_wait3A_369 = arith.constant 0 : i32
      %dma_wait3A_370 = tpu.memref_slice %arg13[%dma_wait3A_368, %dma_wait3A_369] : memref<320x16xf32, #tpu.memory_space<vmem>> -> memref<320x16xf32, #tpu.memory_space<vmem>>
      tpu.wait_dma2 semaphore(%arg25 : memref<!tpu.dma_semaphore, #tpu.memory_space<semaphore_mem>>) src(%dma_wait3A_370 : memref<320x16xf32, #tpu.memory_space<vmem>>) dst(%dma_wait3A_367 : memref<320x16xf32, #tpu.memory_space<hbm>>)
      %dma_wait3A_371 = arith.constant 0 : i32
      %dma_wait3A_372 = arith.constant 0 : i32
      %dma_wait3A_373 = tpu.memref_slice %arg14[%dma_wait3A_371, %dma_wait3A_372] : memref<320x32xf32, #tpu.memory_space<vmem>> -> memref<320x32xf32, #tpu.memory_space<vmem>>
      %dma_wait3A_374 = arith.constant 32 : i32
      %dma_wait3A_375 = tpu.memref_slice %arg7[%add3A_328, %dma_wait3A_374] : memref<100000x128xf32, #tpu.memory_space<hbm>> -> memref<320x32xf32, #tpu.memory_space<hbm>>
      %dma_wait3A_376 = arith.constant 32 : i32
      %dma_wait3A_377 = tpu.memref_slice %arg7[%add3A_328, %dma_wait3A_376] : memref<100000x128xf32, #tpu.memory_space<hbm>> -> memref<320x32xf32, #tpu.memory_space<hbm>>
      %dma_wait3A_378 = arith.constant 0 : i32
      %dma_wait3A_379 = arith.constant 0 : i32
      %dma_wait3A_380 = tpu.memref_slice %arg14[%dma_wait3A_378, %dma_wait3A_379] : memref<320x32xf32, #tpu.memory_space<vmem>> -> memref<320x32xf32, #tpu.memory_space<vmem>>
      tpu.wait_dma2 semaphore(%arg25 : memref<!tpu.dma_semaphore, #tpu.memory_space<semaphore_mem>>) src(%dma_wait3A_380 : memref<320x32xf32, #tpu.memory_space<vmem>>) dst(%dma_wait3A_377 : memref<320x32xf32, #tpu.memory_space<hbm>>)
      %dma_wait3A_381 = arith.constant 0 : i32
      %dma_wait3A_382 = arith.constant 0 : i32
      %dma_wait3A_383 = tpu.memref_slice %arg15[%dma_wait3A_381, %dma_wait3A_382] : memref<320x64xf32, #tpu.memory_space<vmem>> -> memref<320x64xf32, #tpu.memory_space<vmem>>
      %dma_wait3A_384 = arith.constant 64 : i32
      %dma_wait3A_385 = tpu.memref_slice %arg7[%add3A_340, %dma_wait3A_384] : memref<100000x128xf32, #tpu.memory_space<hbm>> -> memref<320x64xf32, #tpu.memory_space<hbm>>
      %dma_wait3A_386 = arith.constant 64 : i32
      %dma_wait3A_387 = tpu.memref_slice %arg7[%add3A_340, %dma_wait3A_386] : memref<100000x128xf32, #tpu.memory_space<hbm>> -> memref<320x64xf32, #tpu.memory_space<hbm>>
      %dma_wait3A_388 = arith.constant 0 : i32
      %dma_wait3A_389 = arith.constant 0 : i32
      %dma_wait3A_390 = tpu.memref_slice %arg15[%dma_wait3A_388, %dma_wait3A_389] : memref<320x64xf32, #tpu.memory_space<vmem>> -> memref<320x64xf32, #tpu.memory_space<vmem>>
      tpu.wait_dma2 semaphore(%arg25 : memref<!tpu.dma_semaphore, #tpu.memory_space<semaphore_mem>>) src(%dma_wait3A_390 : memref<320x64xf32, #tpu.memory_space<vmem>>) dst(%dma_wait3A_387 : memref<320x64xf32, #tpu.memory_space<hbm>>)
      %dma_start3A_391 = arith.constant 0 : i32
      %dma_start3A_392 = arith.constant 0 : i32
      %dma_start3A_393 = tpu.memref_slice %arg15[%dma_start3A_391, %dma_start3A_392] : memref<320x64xf32, #tpu.memory_space<vmem>> -> memref<128x64xf32, #tpu.memory_space<vmem>>
      %dma_start3A_394 = arith.constant 640 : i32
      %dma_start3A_395 = tpu.memref_slice %arg11[%dma_start3A_394] : memref<3200xi32, #tpu.memory_space<vmem>> -> memref<128xi32, #tpu.memory_space<vmem>>
      %dma_start3A_396 = arith.constant 0 : i32
      %dma_start3A_397 = arith.constant 0 : i32
      %dma_start3A_398 = tpu.memref_slice %arg6[%dma_start3A_396, %dma_start3A_397] : memref<100000x64xf32, #tpu.memory_space<hbm>> -> memref<100000x64xf32, #tpu.memory_space<hbm>>
      tpu.enqueue_indirect_dma source(%dma_start3A_398 : memref<100000x64xf32, #tpu.memory_space<hbm>>) target(%dma_start3A_393 : memref<128x64xf32, #tpu.memory_space<vmem>>) offsets(%dma_start3A_395 : memref<128xi32, #tpu.memory_space<vmem>>) semaphore(%arg23 : memref<!tpu.dma_semaphore, #tpu.memory_space<semaphore_mem>>)
      %dma_start3A_399 = arith.constant 128 : i32
      %dma_start3A_400 = arith.constant 0 : i32
      %dma_start3A_401 = tpu.memref_slice %arg15[%dma_start3A_399, %dma_start3A_400] : memref<320x64xf32, #tpu.memory_space<vmem>> -> memref<32x64xf32, #tpu.memory_space<vmem>>
      %dma_start3A_402 = arith.constant 768 : i32
      %dma_start3A_403 = tpu.memref_slice %arg11[%dma_start3A_402] : memref<3200xi32, #tpu.memory_space<vmem>> -> memref<32xi32, #tpu.memory_space<vmem>>
      %dma_start3A_404 = arith.constant 0 : i32
      %dma_start3A_405 = arith.constant 0 : i32
      %dma_start3A_406 = tpu.memref_slice %arg6[%dma_start3A_404, %dma_start3A_405] : memref<100000x64xf32, #tpu.memory_space<hbm>> -> memref<100000x64xf32, #tpu.memory_space<hbm>>
      tpu.enqueue_indirect_dma source(%dma_start3A_406 : memref<100000x64xf32, #tpu.memory_space<hbm>>) target(%dma_start3A_401 : memref<32x64xf32, #tpu.memory_space<vmem>>) offsets(%dma_start3A_403 : memref<32xi32, #tpu.memory_space<vmem>>) semaphore(%arg23 : memref<!tpu.dma_semaphore, #tpu.memory_space<semaphore_mem>>)
      %dma_start3A_407 = arith.constant 0 : i32
      %dma_start3A_408 = arith.constant 0 : i32
      %dma_start3A_409 = tpu.memref_slice %arg16[%dma_start3A_407, %dma_start3A_408] : memref<320x16xf32, #tpu.memory_space<vmem>> -> memref<128x16xf32, #tpu.memory_space<vmem>>
      %dma_start3A_410 = arith.constant 320 : i32
      %dma_start3A_411 = tpu.memref_slice %arg8[%dma_start3A_410] : memref<3200xi32, #tpu.memory_space<vmem>> -> memref<128xi32, #tpu.memory_space<vmem>>
      %dma_start3A_412 = arith.constant 0 : i32
      %dma_start3A_413 = arith.constant 0 : i32
      %dma_start3A_414 = tpu.memref_slice %arg20[%dma_start3A_412, %dma_start3A_413] : memref<32x16xf32, #tpu.memory_space<vmem_shared>> -> memref<32x16xf32, #tpu.memory_space<vmem_shared>>
      tpu.enqueue_indirect_dma source(%dma_start3A_414 : memref<32x16xf32, #tpu.memory_space<vmem_shared>>) target(%dma_start3A_409 : memref<128x16xf32, #tpu.memory_space<vmem>>) offsets(%dma_start3A_411 : memref<128xi32, #tpu.memory_space<vmem>>) semaphore(%arg27 : memref<!tpu.dma_semaphore, #tpu.memory_space<semaphore_mem>>)
      %dma_start3A_415 = arith.constant 0 : i32
      %dma_start3A_416 = arith.constant 0 : i32
      %dma_start3A_417 = tpu.memref_slice %arg17[%dma_start3A_415, %dma_start3A_416] : memref<320x16xf32, #tpu.memory_space<vmem>> -> memref<128x16xf32, #tpu.memory_space<vmem>>
      %dma_start3A_418 = arith.constant 320 : i32
      %dma_start3A_419 = tpu.memref_slice %arg9[%dma_start3A_418] : memref<3200xi32, #tpu.memory_space<vmem>> -> memref<128xi32, #tpu.memory_space<vmem>>
      %dma_start3A_420 = arith.constant 0 : i32
      %dma_start3A_421 = arith.constant 0 : i32
      %dma_start3A_422 = tpu.memref_slice %arg21[%dma_start3A_420, %dma_start3A_421] : memref<512x16xf32, #tpu.memory_space<vmem_shared>> -> memref<512x16xf32, #tpu.memory_space<vmem_shared>>
      tpu.enqueue_indirect_dma source(%dma_start3A_422 : memref<512x16xf32, #tpu.memory_space<vmem_shared>>) target(%dma_start3A_417 : memref<128x16xf32, #tpu.memory_space<vmem>>) offsets(%dma_start3A_419 : memref<128xi32, #tpu.memory_space<vmem>>) semaphore(%arg27 : memref<!tpu.dma_semaphore, #tpu.memory_space<semaphore_mem>>)
      %dma_start3A_423 = arith.constant 0 : i32
      %dma_start3A_424 = arith.constant 0 : i32
      %dma_start3A_425 = tpu.memref_slice %arg18[%dma_start3A_423, %dma_start3A_424] : memref<320x32xf32, #tpu.memory_space<vmem>> -> memref<128x32xf32, #tpu.memory_space<vmem>>
      %dma_start3A_426 = arith.constant 320 : i32
      %dma_start3A_427 = tpu.memref_slice %arg10[%dma_start3A_426] : memref<3200xi32, #tpu.memory_space<vmem>> -> memref<128xi32, #tpu.memory_space<vmem>>
      %dma_start3A_428 = arith.constant 0 : i32
      %dma_start3A_429 = arith.constant 0 : i32
      %dma_start3A_430 = tpu.memref_slice %arg22[%dma_start3A_428, %dma_start3A_429] : memref<8192x32xf32, #tpu.memory_space<vmem_shared>> -> memref<8192x32xf32, #tpu.memory_space<vmem_shared>>
      tpu.enqueue_indirect_dma source(%dma_start3A_430 : memref<8192x32xf32, #tpu.memory_space<vmem_shared>>) target(%dma_start3A_425 : memref<128x32xf32, #tpu.memory_space<vmem>>) offsets(%dma_start3A_427 : memref<128xi32, #tpu.memory_space<vmem>>) semaphore(%arg27 : memref<!tpu.dma_semaphore, #tpu.memory_space<semaphore_mem>>)
      %dma_start3A_431 = arith.constant 128 : i32
      %dma_start3A_432 = arith.constant 0 : i32
      %dma_start3A_433 = tpu.memref_slice %arg16[%dma_start3A_431, %dma_start3A_432] : memref<320x16xf32, #tpu.memory_space<vmem>> -> memref<128x16xf32, #tpu.memory_space<vmem>>
      %dma_start3A_434 = arith.constant 448 : i32
      %dma_start3A_435 = tpu.memref_slice %arg8[%dma_start3A_434] : memref<3200xi32, #tpu.memory_space<vmem>> -> memref<128xi32, #tpu.memory_space<vmem>>
      %dma_start3A_436 = arith.constant 0 : i32
      %dma_start3A_437 = arith.constant 0 : i32
      %dma_start3A_438 = tpu.memref_slice %arg20[%dma_start3A_436, %dma_start3A_437] : memref<32x16xf32, #tpu.memory_space<vmem_shared>> -> memref<32x16xf32, #tpu.memory_space<vmem_shared>>
      tpu.enqueue_indirect_dma source(%dma_start3A_438 : memref<32x16xf32, #tpu.memory_space<vmem_shared>>) target(%dma_start3A_433 : memref<128x16xf32, #tpu.memory_space<vmem>>) offsets(%dma_start3A_435 : memref<128xi32, #tpu.memory_space<vmem>>) semaphore(%arg27 : memref<!tpu.dma_semaphore, #tpu.memory_space<semaphore_mem>>)
      %dma_start3A_439 = arith.constant 128 : i32
      %dma_start3A_440 = arith.constant 0 : i32
      %dma_start3A_441 = tpu.memref_slice %arg17[%dma_start3A_439, %dma_start3A_440] : memref<320x16xf32, #tpu.memory_space<vmem>> -> memref<128x16xf32, #tpu.memory_space<vmem>>
      %dma_start3A_442 = arith.constant 448 : i32
      %dma_start3A_443 = tpu.memref_slice %arg9[%dma_start3A_442] : memref<3200xi32, #tpu.memory_space<vmem>> -> memref<128xi32, #tpu.memory_space<vmem>>
      %dma_start3A_444 = arith.constant 0 : i32
      %dma_start3A_445 = arith.constant 0 : i32
      %dma_start3A_446 = tpu.memref_slice %arg21[%dma_start3A_444, %dma_start3A_445] : memref<512x16xf32, #tpu.memory_space<vmem_shared>> -> memref<512x16xf32, #tpu.memory_space<vmem_shared>>
      tpu.enqueue_indirect_dma source(%dma_start3A_446 : memref<512x16xf32, #tpu.memory_space<vmem_shared>>) target(%dma_start3A_441 : memref<128x16xf32, #tpu.memory_space<vmem>>) offsets(%dma_start3A_443 : memref<128xi32, #tpu.memory_space<vmem>>) semaphore(%arg27 : memref<!tpu.dma_semaphore, #tpu.memory_space<semaphore_mem>>)
      %dma_start3A_447 = arith.constant 128 : i32
      %dma_start3A_448 = arith.constant 0 : i32
      %dma_start3A_449 = tpu.memref_slice %arg18[%dma_start3A_447, %dma_start3A_448] : memref<320x32xf32, #tpu.memory_space<vmem>> -> memref<128x32xf32, #tpu.memory_space<vmem>>
      %dma_start3A_450 = arith.constant 448 : i32
      %dma_start3A_451 = tpu.memref_slice %arg10[%dma_start3A_450] : memref<3200xi32, #tpu.memory_space<vmem>> -> memref<128xi32, #tpu.memory_space<vmem>>
      %dma_start3A_452 = arith.constant 0 : i32
      %dma_start3A_453 = arith.constant 0 : i32
      %dma_start3A_454 = tpu.memref_slice %arg22[%dma_start3A_452, %dma_start3A_453] : memref<8192x32xf32, #tpu.memory_space<vmem_shared>> -> memref<8192x32xf32, #tpu.memory_space<vmem_shared>>
      tpu.enqueue_indirect_dma source(%dma_start3A_454 : memref<8192x32xf32, #tpu.memory_space<vmem_shared>>) target(%dma_start3A_449 : memref<128x32xf32, #tpu.memory_space<vmem>>) offsets(%dma_start3A_451 : memref<128xi32, #tpu.memory_space<vmem>>) semaphore(%arg27 : memref<!tpu.dma_semaphore, #tpu.memory_space<semaphore_mem>>)
      %dma_start3A_455 = arith.constant 256 : i32
      %dma_start3A_456 = arith.constant 0 : i32
      %dma_start3A_457 = tpu.memref_slice %arg16[%dma_start3A_455, %dma_start3A_456] : memref<320x16xf32, #tpu.memory_space<vmem>> -> memref<64x16xf32, #tpu.memory_space<vmem>>
      %dma_start3A_458 = arith.constant 576 : i32
      %dma_start3A_459 = tpu.memref_slice %arg8[%dma_start3A_458] : memref<3200xi32, #tpu.memory_space<vmem>> -> memref<64xi32, #tpu.memory_space<vmem>>
      %dma_start3A_460 = arith.constant 0 : i32
      %dma_start3A_461 = arith.constant 0 : i32
      %dma_start3A_462 = tpu.memref_slice %arg20[%dma_start3A_460, %dma_start3A_461] : memref<32x16xf32, #tpu.memory_space<vmem_shared>> -> memref<32x16xf32, #tpu.memory_space<vmem_shared>>
      tpu.enqueue_indirect_dma source(%dma_start3A_462 : memref<32x16xf32, #tpu.memory_space<vmem_shared>>) target(%dma_start3A_457 : memref<64x16xf32, #tpu.memory_space<vmem>>) offsets(%dma_start3A_459 : memref<64xi32, #tpu.memory_space<vmem>>) semaphore(%arg27 : memref<!tpu.dma_semaphore, #tpu.memory_space<semaphore_mem>>)
      %dma_start3A_463 = arith.constant 256 : i32
      %dma_start3A_464 = arith.constant 0 : i32
      %dma_start3A_465 = tpu.memref_slice %arg17[%dma_start3A_463, %dma_start3A_464] : memref<320x16xf32, #tpu.memory_space<vmem>> -> memref<64x16xf32, #tpu.memory_space<vmem>>
      %dma_start3A_466 = arith.constant 576 : i32
      %dma_start3A_467 = tpu.memref_slice %arg9[%dma_start3A_466] : memref<3200xi32, #tpu.memory_space<vmem>> -> memref<64xi32, #tpu.memory_space<vmem>>
      %dma_start3A_468 = arith.constant 0 : i32
      %dma_start3A_469 = arith.constant 0 : i32
      %dma_start3A_470 = tpu.memref_slice %arg21[%dma_start3A_468, %dma_start3A_469] : memref<512x16xf32, #tpu.memory_space<vmem_shared>> -> memref<512x16xf32, #tpu.memory_space<vmem_shared>>
      tpu.enqueue_indirect_dma source(%dma_start3A_470 : memref<512x16xf32, #tpu.memory_space<vmem_shared>>) target(%dma_start3A_465 : memref<64x16xf32, #tpu.memory_space<vmem>>) offsets(%dma_start3A_467 : memref<64xi32, #tpu.memory_space<vmem>>) semaphore(%arg27 : memref<!tpu.dma_semaphore, #tpu.memory_space<semaphore_mem>>)
      %dma_start3A_471 = arith.constant 256 : i32
      %dma_start3A_472 = arith.constant 0 : i32
      %dma_start3A_473 = tpu.memref_slice %arg18[%dma_start3A_471, %dma_start3A_472] : memref<320x32xf32, #tpu.memory_space<vmem>> -> memref<64x32xf32, #tpu.memory_space<vmem>>
      %dma_start3A_474 = arith.constant 576 : i32
      %dma_start3A_475 = tpu.memref_slice %arg10[%dma_start3A_474] : memref<3200xi32, #tpu.memory_space<vmem>> -> memref<64xi32, #tpu.memory_space<vmem>>
      %dma_start3A_476 = arith.constant 0 : i32
      %dma_start3A_477 = arith.constant 0 : i32
      %dma_start3A_478 = tpu.memref_slice %arg22[%dma_start3A_476, %dma_start3A_477] : memref<8192x32xf32, #tpu.memory_space<vmem_shared>> -> memref<8192x32xf32, #tpu.memory_space<vmem_shared>>
      tpu.enqueue_indirect_dma source(%dma_start3A_478 : memref<8192x32xf32, #tpu.memory_space<vmem_shared>>) target(%dma_start3A_473 : memref<64x32xf32, #tpu.memory_space<vmem>>) offsets(%dma_start3A_475 : memref<64xi32, #tpu.memory_space<vmem>>) semaphore(%arg27 : memref<!tpu.dma_semaphore, #tpu.memory_space<semaphore_mem>>)
      %dma_wait3A_479 = arith.constant 0 : i32
      %dma_wait3A_480 = arith.constant 0 : i32
      %dma_wait3A_481 = tpu.memref_slice %arg16[%dma_wait3A_479, %dma_wait3A_480] : memref<320x16xf32, #tpu.memory_space<vmem>> -> memref<128x16xf32, #tpu.memory_space<vmem>>
      %dma_wait3A_482 = arith.constant 320 : i32
      %dma_wait3A_483 = tpu.memref_slice %arg8[%dma_wait3A_482] : memref<3200xi32, #tpu.memory_space<vmem>> -> memref<128xi32, #tpu.memory_space<vmem>>
      %dma_wait3A_484 = arith.constant 0 : i32
      %dma_wait3A_485 = arith.constant 0 : i32
      %dma_wait3A_486 = tpu.memref_slice %arg20[%dma_wait3A_484, %dma_wait3A_485] : memref<32x16xf32, #tpu.memory_space<vmem_shared>> -> memref<32x16xf32, #tpu.memory_space<vmem_shared>>
      tpu.wait_indirect_dma semaphore(%arg27 : memref<!tpu.dma_semaphore, #tpu.memory_space<semaphore_mem>>) src(%dma_wait3A_486 : memref<32x16xf32, #tpu.memory_space<vmem_shared>>) dst(%dma_wait3A_481 : memref<128x16xf32, #tpu.memory_space<vmem>>)
      %dma_wait3A_487 = arith.constant 0 : i32
      %dma_wait3A_488 = arith.constant 0 : i32
      %dma_wait3A_489 = tpu.memref_slice %arg17[%dma_wait3A_487, %dma_wait3A_488] : memref<320x16xf32, #tpu.memory_space<vmem>> -> memref<128x16xf32, #tpu.memory_space<vmem>>
      %dma_wait3A_490 = arith.constant 320 : i32
      %dma_wait3A_491 = tpu.memref_slice %arg9[%dma_wait3A_490] : memref<3200xi32, #tpu.memory_space<vmem>> -> memref<128xi32, #tpu.memory_space<vmem>>
      %dma_wait3A_492 = arith.constant 0 : i32
      %dma_wait3A_493 = arith.constant 0 : i32
      %dma_wait3A_494 = tpu.memref_slice %arg21[%dma_wait3A_492, %dma_wait3A_493] : memref<512x16xf32, #tpu.memory_space<vmem_shared>> -> memref<512x16xf32, #tpu.memory_space<vmem_shared>>
      tpu.wait_indirect_dma semaphore(%arg27 : memref<!tpu.dma_semaphore, #tpu.memory_space<semaphore_mem>>) src(%dma_wait3A_494 : memref<512x16xf32, #tpu.memory_space<vmem_shared>>) dst(%dma_wait3A_489 : memref<128x16xf32, #tpu.memory_space<vmem>>)
      %dma_wait3A_495 = arith.constant 0 : i32
      %dma_wait3A_496 = arith.constant 0 : i32
      %dma_wait3A_497 = tpu.memref_slice %arg18[%dma_wait3A_495, %dma_wait3A_496] : memref<320x32xf32, #tpu.memory_space<vmem>> -> memref<128x32xf32, #tpu.memory_space<vmem>>
      %dma_wait3A_498 = arith.constant 320 : i32
      %dma_wait3A_499 = tpu.memref_slice %arg10[%dma_wait3A_498] : memref<3200xi32, #tpu.memory_space<vmem>> -> memref<128xi32, #tpu.memory_space<vmem>>
      %dma_wait3A_500 = arith.constant 0 : i32
      %dma_wait3A_501 = arith.constant 0 : i32
      %dma_wait3A_502 = tpu.memref_slice %arg22[%dma_wait3A_500, %dma_wait3A_501] : memref<8192x32xf32, #tpu.memory_space<vmem_shared>> -> memref<8192x32xf32, #tpu.memory_space<vmem_shared>>
      tpu.wait_indirect_dma semaphore(%arg27 : memref<!tpu.dma_semaphore, #tpu.memory_space<semaphore_mem>>) src(%dma_wait3A_502 : memref<8192x32xf32, #tpu.memory_space<vmem_shared>>) dst(%dma_wait3A_497 : memref<128x32xf32, #tpu.memory_space<vmem>>)
      %dma_wait3A_503 = arith.constant 128 : i32
      %dma_wait3A_504 = arith.constant 0 : i32
      %dma_wait3A_505 = tpu.memref_slice %arg16[%dma_wait3A_503, %dma_wait3A_504] : memref<320x16xf32, #tpu.memory_space<vmem>> -> memref<128x16xf32, #tpu.memory_space<vmem>>
      %dma_wait3A_506 = arith.constant 448 : i32
      %dma_wait3A_507 = tpu.memref_slice %arg8[%dma_wait3A_506] : memref<3200xi32, #tpu.memory_space<vmem>> -> memref<128xi32, #tpu.memory_space<vmem>>
      %dma_wait3A_508 = arith.constant 0 : i32
      %dma_wait3A_509 = arith.constant 0 : i32
      %dma_wait3A_510 = tpu.memref_slice %arg20[%dma_wait3A_508, %dma_wait3A_509] : memref<32x16xf32, #tpu.memory_space<vmem_shared>> -> memref<32x16xf32, #tpu.memory_space<vmem_shared>>
      tpu.wait_indirect_dma semaphore(%arg27 : memref<!tpu.dma_semaphore, #tpu.memory_space<semaphore_mem>>) src(%dma_wait3A_510 : memref<32x16xf32, #tpu.memory_space<vmem_shared>>) dst(%dma_wait3A_505 : memref<128x16xf32, #tpu.memory_space<vmem>>)
      %dma_wait3A_511 = arith.constant 128 : i32
      %dma_wait3A_512 = arith.constant 0 : i32
      %dma_wait3A_513 = tpu.memref_slice %arg17[%dma_wait3A_511, %dma_wait3A_512] : memref<320x16xf32, #tpu.memory_space<vmem>> -> memref<128x16xf32, #tpu.memory_space<vmem>>
      %dma_wait3A_514 = arith.constant 448 : i32
      %dma_wait3A_515 = tpu.memref_slice %arg9[%dma_wait3A_514] : memref<3200xi32, #tpu.memory_space<vmem>> -> memref<128xi32, #tpu.memory_space<vmem>>
      %dma_wait3A_516 = arith.constant 0 : i32
      %dma_wait3A_517 = arith.constant 0 : i32
      %dma_wait3A_518 = tpu.memref_slice %arg21[%dma_wait3A_516, %dma_wait3A_517] : memref<512x16xf32, #tpu.memory_space<vmem_shared>> -> memref<512x16xf32, #tpu.memory_space<vmem_shared>>
      tpu.wait_indirect_dma semaphore(%arg27 : memref<!tpu.dma_semaphore, #tpu.memory_space<semaphore_mem>>) src(%dma_wait3A_518 : memref<512x16xf32, #tpu.memory_space<vmem_shared>>) dst(%dma_wait3A_513 : memref<128x16xf32, #tpu.memory_space<vmem>>)
      %dma_wait3A_519 = arith.constant 128 : i32
      %dma_wait3A_520 = arith.constant 0 : i32
      %dma_wait3A_521 = tpu.memref_slice %arg18[%dma_wait3A_519, %dma_wait3A_520] : memref<320x32xf32, #tpu.memory_space<vmem>> -> memref<128x32xf32, #tpu.memory_space<vmem>>
      %dma_wait3A_522 = arith.constant 448 : i32
      %dma_wait3A_523 = tpu.memref_slice %arg10[%dma_wait3A_522] : memref<3200xi32, #tpu.memory_space<vmem>> -> memref<128xi32, #tpu.memory_space<vmem>>
      %dma_wait3A_524 = arith.constant 0 : i32
      %dma_wait3A_525 = arith.constant 0 : i32
      %dma_wait3A_526 = tpu.memref_slice %arg22[%dma_wait3A_524, %dma_wait3A_525] : memref<8192x32xf32, #tpu.memory_space<vmem_shared>> -> memref<8192x32xf32, #tpu.memory_space<vmem_shared>>
      tpu.wait_indirect_dma semaphore(%arg27 : memref<!tpu.dma_semaphore, #tpu.memory_space<semaphore_mem>>) src(%dma_wait3A_526 : memref<8192x32xf32, #tpu.memory_space<vmem_shared>>) dst(%dma_wait3A_521 : memref<128x32xf32, #tpu.memory_space<vmem>>)
      %dma_wait3A_527 = arith.constant 256 : i32
      %dma_wait3A_528 = arith.constant 0 : i32
      %dma_wait3A_529 = tpu.memref_slice %arg16[%dma_wait3A_527, %dma_wait3A_528] : memref<320x16xf32, #tpu.memory_space<vmem>> -> memref<64x16xf32, #tpu.memory_space<vmem>>
      %dma_wait3A_530 = arith.constant 576 : i32
      %dma_wait3A_531 = tpu.memref_slice %arg8[%dma_wait3A_530] : memref<3200xi32, #tpu.memory_space<vmem>> -> memref<64xi32, #tpu.memory_space<vmem>>
      %dma_wait3A_532 = arith.constant 0 : i32
      %dma_wait3A_533 = arith.constant 0 : i32
      %dma_wait3A_534 = tpu.memref_slice %arg20[%dma_wait3A_532, %dma_wait3A_533] : memref<32x16xf32, #tpu.memory_space<vmem_shared>> -> memref<32x16xf32, #tpu.memory_space<vmem_shared>>
      tpu.wait_indirect_dma semaphore(%arg27 : memref<!tpu.dma_semaphore, #tpu.memory_space<semaphore_mem>>) src(%dma_wait3A_534 : memref<32x16xf32, #tpu.memory_space<vmem_shared>>) dst(%dma_wait3A_529 : memref<64x16xf32, #tpu.memory_space<vmem>>)
      %dma_wait3A_535 = arith.constant 256 : i32
      %dma_wait3A_536 = arith.constant 0 : i32
      %dma_wait3A_537 = tpu.memref_slice %arg17[%dma_wait3A_535, %dma_wait3A_536] : memref<320x16xf32, #tpu.memory_space<vmem>> -> memref<64x16xf32, #tpu.memory_space<vmem>>
      %dma_wait3A_538 = arith.constant 576 : i32
      %dma_wait3A_539 = tpu.memref_slice %arg9[%dma_wait3A_538] : memref<3200xi32, #tpu.memory_space<vmem>> -> memref<64xi32, #tpu.memory_space<vmem>>
      %dma_wait3A_540 = arith.constant 0 : i32
      %dma_wait3A_541 = arith.constant 0 : i32
      %dma_wait3A_542 = tpu.memref_slice %arg21[%dma_wait3A_540, %dma_wait3A_541] : memref<512x16xf32, #tpu.memory_space<vmem_shared>> -> memref<512x16xf32, #tpu.memory_space<vmem_shared>>
      tpu.wait_indirect_dma semaphore(%arg27 : memref<!tpu.dma_semaphore, #tpu.memory_space<semaphore_mem>>) src(%dma_wait3A_542 : memref<512x16xf32, #tpu.memory_space<vmem_shared>>) dst(%dma_wait3A_537 : memref<64x16xf32, #tpu.memory_space<vmem>>)
      %dma_wait3A_543 = arith.constant 256 : i32
      %dma_wait3A_544 = arith.constant 0 : i32
      %dma_wait3A_545 = tpu.memref_slice %arg18[%dma_wait3A_543, %dma_wait3A_544] : memref<320x32xf32, #tpu.memory_space<vmem>> -> memref<64x32xf32, #tpu.memory_space<vmem>>
      %dma_wait3A_546 = arith.constant 576 : i32
      %dma_wait3A_547 = tpu.memref_slice %arg10[%dma_wait3A_546] : memref<3200xi32, #tpu.memory_space<vmem>> -> memref<64xi32, #tpu.memory_space<vmem>>
      %dma_wait3A_548 = arith.constant 0 : i32
      %dma_wait3A_549 = arith.constant 0 : i32
      %dma_wait3A_550 = tpu.memref_slice %arg22[%dma_wait3A_548, %dma_wait3A_549] : memref<8192x32xf32, #tpu.memory_space<vmem_shared>> -> memref<8192x32xf32, #tpu.memory_space<vmem_shared>>
      tpu.wait_indirect_dma semaphore(%arg27 : memref<!tpu.dma_semaphore, #tpu.memory_space<semaphore_mem>>) src(%dma_wait3A_550 : memref<8192x32xf32, #tpu.memory_space<vmem_shared>>) dst(%dma_wait3A_545 : memref<64x32xf32, #tpu.memory_space<vmem>>)
      %dma_wait3A_551 = arith.constant 0 : i32
      %dma_wait3A_552 = arith.constant 0 : i32
      %dma_wait3A_553 = tpu.memref_slice %arg19[%dma_wait3A_551, %dma_wait3A_552] : memref<320x64xf32, #tpu.memory_space<vmem>> -> memref<128x64xf32, #tpu.memory_space<vmem>>
      %dma_wait3A_554 = arith.constant 320 : i32
      %dma_wait3A_555 = tpu.memref_slice %arg11[%dma_wait3A_554] : memref<3200xi32, #tpu.memory_space<vmem>> -> memref<128xi32, #tpu.memory_space<vmem>>
      %dma_wait3A_556 = arith.constant 0 : i32
      %dma_wait3A_557 = arith.constant 0 : i32
      %dma_wait3A_558 = tpu.memref_slice %arg6[%dma_wait3A_556, %dma_wait3A_557] : memref<100000x64xf32, #tpu.memory_space<hbm>> -> memref<100000x64xf32, #tpu.memory_space<hbm>>
      tpu.wait_indirect_dma semaphore(%arg24 : memref<!tpu.dma_semaphore, #tpu.memory_space<semaphore_mem>>) src(%dma_wait3A_558 : memref<100000x64xf32, #tpu.memory_space<hbm>>) dst(%dma_wait3A_553 : memref<128x64xf32, #tpu.memory_space<vmem>>)
      %dma_wait3A_559 = arith.constant 128 : i32
      %dma_wait3A_560 = arith.constant 0 : i32
      %dma_wait3A_561 = tpu.memref_slice %arg19[%dma_wait3A_559, %dma_wait3A_560] : memref<320x64xf32, #tpu.memory_space<vmem>> -> memref<128x64xf32, #tpu.memory_space<vmem>>
      %dma_wait3A_562 = arith.constant 448 : i32
      %dma_wait3A_563 = tpu.memref_slice %arg11[%dma_wait3A_562] : memref<3200xi32, #tpu.memory_space<vmem>> -> memref<128xi32, #tpu.memory_space<vmem>>
      %dma_wait3A_564 = arith.constant 0 : i32
      %dma_wait3A_565 = arith.constant 0 : i32
      %dma_wait3A_566 = tpu.memref_slice %arg6[%dma_wait3A_564, %dma_wait3A_565] : memref<100000x64xf32, #tpu.memory_space<hbm>> -> memref<100000x64xf32, #tpu.memory_space<hbm>>
      tpu.wait_indirect_dma semaphore(%arg24 : memref<!tpu.dma_semaphore, #tpu.memory_space<semaphore_mem>>) src(%dma_wait3A_566 : memref<100000x64xf32, #tpu.memory_space<hbm>>) dst(%dma_wait3A_561 : memref<128x64xf32, #tpu.memory_space<vmem>>)
      %dma_wait3A_567 = arith.constant 256 : i32
      %dma_wait3A_568 = arith.constant 0 : i32
      %dma_wait3A_569 = tpu.memref_slice %arg19[%dma_wait3A_567, %dma_wait3A_568] : memref<320x64xf32, #tpu.memory_space<vmem>> -> memref<64x64xf32, #tpu.memory_space<vmem>>
      %dma_wait3A_570 = arith.constant 576 : i32
      %dma_wait3A_571 = tpu.memref_slice %arg11[%dma_wait3A_570] : memref<3200xi32, #tpu.memory_space<vmem>> -> memref<64xi32, #tpu.memory_space<vmem>>
      %dma_wait3A_572 = arith.constant 0 : i32
      %dma_wait3A_573 = arith.constant 0 : i32
      %dma_wait3A_574 = tpu.memref_slice %arg6[%dma_wait3A_572, %dma_wait3A_573] : memref<100000x64xf32, #tpu.memory_space<hbm>> -> memref<100000x64xf32, #tpu.memory_space<hbm>>
      tpu.wait_indirect_dma semaphore(%arg24 : memref<!tpu.dma_semaphore, #tpu.memory_space<semaphore_mem>>) src(%dma_wait3A_574 : memref<100000x64xf32, #tpu.memory_space<hbm>>) dst(%dma_wait3A_569 : memref<64x64xf32, #tpu.memory_space<vmem>>)
      %add3A_575 = arith.constant 320 : i32
      %add3A_576 = arith.addi %mul3A_2, %add3A_575 : i32
      %dma_start3A_577 = arith.constant 0 : i32
      %dma_start3A_578 = arith.constant 0 : i32
      %dma_start3A_579 = tpu.memref_slice %arg16[%dma_start3A_577, %dma_start3A_578] : memref<320x16xf32, #tpu.memory_space<vmem>> -> memref<320x16xf32, #tpu.memory_space<vmem>>
      %dma_start3A_580 = arith.constant 0 : i32
      %dma_start3A_581 = tpu.memref_slice %arg7[%add3A_576, %dma_start3A_580] : memref<100000x128xf32, #tpu.memory_space<hbm>> -> memref<320x16xf32, #tpu.memory_space<hbm>>
      %dma_start3A_582 = arith.constant 0 : i32
      %dma_start3A_583 = tpu.memref_slice %arg7[%add3A_576, %dma_start3A_582] : memref<100000x128xf32, #tpu.memory_space<hbm>> -> memref<320x16xf32, #tpu.memory_space<hbm>>
      %dma_start3A_584 = arith.constant 0 : i32
      %dma_start3A_585 = arith.constant 0 : i32
      %dma_start3A_586 = tpu.memref_slice %arg16[%dma_start3A_584, %dma_start3A_585] : memref<320x16xf32, #tpu.memory_space<vmem>> -> memref<320x16xf32, #tpu.memory_space<vmem>>
      tpu.enqueue_dma source(%dma_start3A_586 : memref<320x16xf32, #tpu.memory_space<vmem>>) target(%dma_start3A_583 : memref<320x16xf32, #tpu.memory_space<hbm>>) target_semaphore(%arg26 : memref<!tpu.dma_semaphore, #tpu.memory_space<semaphore_mem>>)
      %add3A_587 = arith.constant 320 : i32
      %add3A_588 = arith.addi %mul3A_2, %add3A_587 : i32
      %dma_start3A_589 = arith.constant 0 : i32
      %dma_start3A_590 = arith.constant 0 : i32
      %dma_start3A_591 = tpu.memref_slice %arg17[%dma_start3A_589, %dma_start3A_590] : memref<320x16xf32, #tpu.memory_space<vmem>> -> memref<320x16xf32, #tpu.memory_space<vmem>>
      %dma_start3A_592 = arith.constant 16 : i32
      %dma_start3A_593 = tpu.memref_slice %arg7[%add3A_588, %dma_start3A_592] : memref<100000x128xf32, #tpu.memory_space<hbm>> -> memref<320x16xf32, #tpu.memory_space<hbm>>
      %dma_start3A_594 = arith.constant 16 : i32
      %dma_start3A_595 = tpu.memref_slice %arg7[%add3A_588, %dma_start3A_594] : memref<100000x128xf32, #tpu.memory_space<hbm>> -> memref<320x16xf32, #tpu.memory_space<hbm>>
      %dma_start3A_596 = arith.constant 0 : i32
      %dma_start3A_597 = arith.constant 0 : i32
      %dma_start3A_598 = tpu.memref_slice %arg17[%dma_start3A_596, %dma_start3A_597] : memref<320x16xf32, #tpu.memory_space<vmem>> -> memref<320x16xf32, #tpu.memory_space<vmem>>
      tpu.enqueue_dma source(%dma_start3A_598 : memref<320x16xf32, #tpu.memory_space<vmem>>) target(%dma_start3A_595 : memref<320x16xf32, #tpu.memory_space<hbm>>) target_semaphore(%arg26 : memref<!tpu.dma_semaphore, #tpu.memory_space<semaphore_mem>>)
      %add3A_599 = arith.constant 320 : i32
      %add3A_600 = arith.addi %mul3A_2, %add3A_599 : i32
      %dma_start3A_601 = arith.constant 0 : i32
      %dma_start3A_602 = arith.constant 0 : i32
      %dma_start3A_603 = tpu.memref_slice %arg18[%dma_start3A_601, %dma_start3A_602] : memref<320x32xf32, #tpu.memory_space<vmem>> -> memref<320x32xf32, #tpu.memory_space<vmem>>
      %dma_start3A_604 = arith.constant 32 : i32
      %dma_start3A_605 = tpu.memref_slice %arg7[%add3A_600, %dma_start3A_604] : memref<100000x128xf32, #tpu.memory_space<hbm>> -> memref<320x32xf32, #tpu.memory_space<hbm>>
      %dma_start3A_606 = arith.constant 32 : i32
      %dma_start3A_607 = tpu.memref_slice %arg7[%add3A_600, %dma_start3A_606] : memref<100000x128xf32, #tpu.memory_space<hbm>> -> memref<320x32xf32, #tpu.memory_space<hbm>>
      %dma_start3A_608 = arith.constant 0 : i32
      %dma_start3A_609 = arith.constant 0 : i32
      %dma_start3A_610 = tpu.memref_slice %arg18[%dma_start3A_608, %dma_start3A_609] : memref<320x32xf32, #tpu.memory_space<vmem>> -> memref<320x32xf32, #tpu.memory_space<vmem>>
      tpu.enqueue_dma source(%dma_start3A_610 : memref<320x32xf32, #tpu.memory_space<vmem>>) target(%dma_start3A_607 : memref<320x32xf32, #tpu.memory_space<hbm>>) target_semaphore(%arg26 : memref<!tpu.dma_semaphore, #tpu.memory_space<semaphore_mem>>)
      %add3A_611 = arith.constant 320 : i32
      %add3A_612 = arith.addi %mul3A_2, %add3A_611 : i32
      %dma_start3A_613 = arith.constant 0 : i32
      %dma_start3A_614 = arith.constant 0 : i32
      %dma_start3A_615 = tpu.memref_slice %arg19[%dma_start3A_613, %dma_start3A_614] : memref<320x64xf32, #tpu.memory_space<vmem>> -> memref<320x64xf32, #tpu.memory_space<vmem>>
      %dma_start3A_616 = arith.constant 64 : i32
      %dma_start3A_617 = tpu.memref_slice %arg7[%add3A_612, %dma_start3A_616] : memref<100000x128xf32, #tpu.memory_space<hbm>> -> memref<320x64xf32, #tpu.memory_space<hbm>>
      %dma_start3A_618 = arith.constant 64 : i32
      %dma_start3A_619 = tpu.memref_slice %arg7[%add3A_612, %dma_start3A_618] : memref<100000x128xf32, #tpu.memory_space<hbm>> -> memref<320x64xf32, #tpu.memory_space<hbm>>
      %dma_start3A_620 = arith.constant 0 : i32
      %dma_start3A_621 = arith.constant 0 : i32
      %dma_start3A_622 = tpu.memref_slice %arg19[%dma_start3A_620, %dma_start3A_621] : memref<320x64xf32, #tpu.memory_space<vmem>> -> memref<320x64xf32, #tpu.memory_space<vmem>>
      tpu.enqueue_dma source(%dma_start3A_622 : memref<320x64xf32, #tpu.memory_space<vmem>>) target(%dma_start3A_619 : memref<320x64xf32, #tpu.memory_space<hbm>>) target_semaphore(%arg26 : memref<!tpu.dma_semaphore, #tpu.memory_space<semaphore_mem>>)
      %dma_wait3A_623 = arith.constant 0 : i32
      %dma_wait3A_624 = arith.constant 0 : i32
      %dma_wait3A_625 = tpu.memref_slice %arg16[%dma_wait3A_623, %dma_wait3A_624] : memref<320x16xf32, #tpu.memory_space<vmem>> -> memref<320x16xf32, #tpu.memory_space<vmem>>
      %dma_wait3A_626 = arith.constant 0 : i32
      %dma_wait3A_627 = tpu.memref_slice %arg7[%add3A_576, %dma_wait3A_626] : memref<100000x128xf32, #tpu.memory_space<hbm>> -> memref<320x16xf32, #tpu.memory_space<hbm>>
      %dma_wait3A_628 = arith.constant 0 : i32
      %dma_wait3A_629 = tpu.memref_slice %arg7[%add3A_576, %dma_wait3A_628] : memref<100000x128xf32, #tpu.memory_space<hbm>> -> memref<320x16xf32, #tpu.memory_space<hbm>>
      %dma_wait3A_630 = arith.constant 0 : i32
      %dma_wait3A_631 = arith.constant 0 : i32
      %dma_wait3A_632 = tpu.memref_slice %arg16[%dma_wait3A_630, %dma_wait3A_631] : memref<320x16xf32, #tpu.memory_space<vmem>> -> memref<320x16xf32, #tpu.memory_space<vmem>>
      tpu.wait_dma2 semaphore(%arg26 : memref<!tpu.dma_semaphore, #tpu.memory_space<semaphore_mem>>) src(%dma_wait3A_632 : memref<320x16xf32, #tpu.memory_space<vmem>>) dst(%dma_wait3A_629 : memref<320x16xf32, #tpu.memory_space<hbm>>)
      %dma_wait3A_633 = arith.constant 0 : i32
      %dma_wait3A_634 = arith.constant 0 : i32
      %dma_wait3A_635 = tpu.memref_slice %arg17[%dma_wait3A_633, %dma_wait3A_634] : memref<320x16xf32, #tpu.memory_space<vmem>> -> memref<320x16xf32, #tpu.memory_space<vmem>>
      %dma_wait3A_636 = arith.constant 16 : i32
      %dma_wait3A_637 = tpu.memref_slice %arg7[%add3A_588, %dma_wait3A_636] : memref<100000x128xf32, #tpu.memory_space<hbm>> -> memref<320x16xf32, #tpu.memory_space<hbm>>
      %dma_wait3A_638 = arith.constant 16 : i32
      %dma_wait3A_639 = tpu.memref_slice %arg7[%add3A_588, %dma_wait3A_638] : memref<100000x128xf32, #tpu.memory_space<hbm>> -> memref<320x16xf32, #tpu.memory_space<hbm>>
      %dma_wait3A_640 = arith.constant 0 : i32
      %dma_wait3A_641 = arith.constant 0 : i32
      %dma_wait3A_642 = tpu.memref_slice %arg17[%dma_wait3A_640, %dma_wait3A_641] : memref<320x16xf32, #tpu.memory_space<vmem>> -> memref<320x16xf32, #tpu.memory_space<vmem>>
      tpu.wait_dma2 semaphore(%arg26 : memref<!tpu.dma_semaphore, #tpu.memory_space<semaphore_mem>>) src(%dma_wait3A_642 : memref<320x16xf32, #tpu.memory_space<vmem>>) dst(%dma_wait3A_639 : memref<320x16xf32, #tpu.memory_space<hbm>>)
      %dma_wait3A_643 = arith.constant 0 : i32
      %dma_wait3A_644 = arith.constant 0 : i32
      %dma_wait3A_645 = tpu.memref_slice %arg18[%dma_wait3A_643, %dma_wait3A_644] : memref<320x32xf32, #tpu.memory_space<vmem>> -> memref<320x32xf32, #tpu.memory_space<vmem>>
      %dma_wait3A_646 = arith.constant 32 : i32
      %dma_wait3A_647 = tpu.memref_slice %arg7[%add3A_600, %dma_wait3A_646] : memref<100000x128xf32, #tpu.memory_space<hbm>> -> memref<320x32xf32, #tpu.memory_space<hbm>>
      %dma_wait3A_648 = arith.constant 32 : i32
      %dma_wait3A_649 = tpu.memref_slice %arg7[%add3A_600, %dma_wait3A_648] : memref<100000x128xf32, #tpu.memory_space<hbm>> -> memref<320x32xf32, #tpu.memory_space<hbm>>
      %dma_wait3A_650 = arith.constant 0 : i32
      %dma_wait3A_651 = arith.constant 0 : i32
      %dma_wait3A_652 = tpu.memref_slice %arg18[%dma_wait3A_650, %dma_wait3A_651] : memref<320x32xf32, #tpu.memory_space<vmem>> -> memref<320x32xf32, #tpu.memory_space<vmem>>
      tpu.wait_dma2 semaphore(%arg26 : memref<!tpu.dma_semaphore, #tpu.memory_space<semaphore_mem>>) src(%dma_wait3A_652 : memref<320x32xf32, #tpu.memory_space<vmem>>) dst(%dma_wait3A_649 : memref<320x32xf32, #tpu.memory_space<hbm>>)
      %dma_wait3A_653 = arith.constant 0 : i32
      %dma_wait3A_654 = arith.constant 0 : i32
      %dma_wait3A_655 = tpu.memref_slice %arg19[%dma_wait3A_653, %dma_wait3A_654] : memref<320x64xf32, #tpu.memory_space<vmem>> -> memref<320x64xf32, #tpu.memory_space<vmem>>
      %dma_wait3A_656 = arith.constant 64 : i32
      %dma_wait3A_657 = tpu.memref_slice %arg7[%add3A_612, %dma_wait3A_656] : memref<100000x128xf32, #tpu.memory_space<hbm>> -> memref<320x64xf32, #tpu.memory_space<hbm>>
      %dma_wait3A_658 = arith.constant 64 : i32
      %dma_wait3A_659 = tpu.memref_slice %arg7[%add3A_612, %dma_wait3A_658] : memref<100000x128xf32, #tpu.memory_space<hbm>> -> memref<320x64xf32, #tpu.memory_space<hbm>>
      %dma_wait3A_660 = arith.constant 0 : i32
      %dma_wait3A_661 = arith.constant 0 : i32
      %dma_wait3A_662 = tpu.memref_slice %arg19[%dma_wait3A_660, %dma_wait3A_661] : memref<320x64xf32, #tpu.memory_space<vmem>> -> memref<320x64xf32, #tpu.memory_space<vmem>>
      tpu.wait_dma2 semaphore(%arg26 : memref<!tpu.dma_semaphore, #tpu.memory_space<semaphore_mem>>) src(%dma_wait3A_662 : memref<320x64xf32, #tpu.memory_space<vmem>>) dst(%dma_wait3A_659 : memref<320x64xf32, #tpu.memory_space<hbm>>)
      %dma_start3A_663 = arith.constant 0 : i32
      %dma_start3A_664 = arith.constant 0 : i32
      %dma_start3A_665 = tpu.memref_slice %arg12[%dma_start3A_663, %dma_start3A_664] : memref<320x16xf32, #tpu.memory_space<vmem>> -> memref<128x16xf32, #tpu.memory_space<vmem>>
      %dma_start3A_666 = arith.constant 640 : i32
      %dma_start3A_667 = tpu.memref_slice %arg8[%dma_start3A_666] : memref<3200xi32, #tpu.memory_space<vmem>> -> memref<128xi32, #tpu.memory_space<vmem>>
      %dma_start3A_668 = arith.constant 0 : i32
      %dma_start3A_669 = arith.constant 0 : i32
      %dma_start3A_670 = tpu.memref_slice %arg20[%dma_start3A_668, %dma_start3A_669] : memref<32x16xf32, #tpu.memory_space<vmem_shared>> -> memref<32x16xf32, #tpu.memory_space<vmem_shared>>
      tpu.enqueue_indirect_dma source(%dma_start3A_670 : memref<32x16xf32, #tpu.memory_space<vmem_shared>>) target(%dma_start3A_665 : memref<128x16xf32, #tpu.memory_space<vmem>>) offsets(%dma_start3A_667 : memref<128xi32, #tpu.memory_space<vmem>>) semaphore(%arg27 : memref<!tpu.dma_semaphore, #tpu.memory_space<semaphore_mem>>)
      %dma_start3A_671 = arith.constant 0 : i32
      %dma_start3A_672 = arith.constant 0 : i32
      %dma_start3A_673 = tpu.memref_slice %arg13[%dma_start3A_671, %dma_start3A_672] : memref<320x16xf32, #tpu.memory_space<vmem>> -> memref<128x16xf32, #tpu.memory_space<vmem>>
      %dma_start3A_674 = arith.constant 640 : i32
      %dma_start3A_675 = tpu.memref_slice %arg9[%dma_start3A_674] : memref<3200xi32, #tpu.memory_space<vmem>> -> memref<128xi32, #tpu.memory_space<vmem>>
      %dma_start3A_676 = arith.constant 0 : i32
      %dma_start3A_677 = arith.constant 0 : i32
      %dma_start3A_678 = tpu.memref_slice %arg21[%dma_start3A_676, %dma_start3A_677] : memref<512x16xf32, #tpu.memory_space<vmem_shared>> -> memref<512x16xf32, #tpu.memory_space<vmem_shared>>
      tpu.enqueue_indirect_dma source(%dma_start3A_678 : memref<512x16xf32, #tpu.memory_space<vmem_shared>>) target(%dma_start3A_673 : memref<128x16xf32, #tpu.memory_space<vmem>>) offsets(%dma_start3A_675 : memref<128xi32, #tpu.memory_space<vmem>>) semaphore(%arg27 : memref<!tpu.dma_semaphore, #tpu.memory_space<semaphore_mem>>)
      %dma_start3A_679 = arith.constant 0 : i32
      %dma_start3A_680 = arith.constant 0 : i32
      %dma_start3A_681 = tpu.memref_slice %arg14[%dma_start3A_679, %dma_start3A_680] : memref<320x32xf32, #tpu.memory_space<vmem>> -> memref<128x32xf32, #tpu.memory_space<vmem>>
      %dma_start3A_682 = arith.constant 640 : i32
      %dma_start3A_683 = tpu.memref_slice %arg10[%dma_start3A_682] : memref<3200xi32, #tpu.memory_space<vmem>> -> memref<128xi32, #tpu.memory_space<vmem>>
      %dma_start3A_684 = arith.constant 0 : i32
      %dma_start3A_685 = arith.constant 0 : i32
      %dma_start3A_686 = tpu.memref_slice %arg22[%dma_start3A_684, %dma_start3A_685] : memref<8192x32xf32, #tpu.memory_space<vmem_shared>> -> memref<8192x32xf32, #tpu.memory_space<vmem_shared>>
      tpu.enqueue_indirect_dma source(%dma_start3A_686 : memref<8192x32xf32, #tpu.memory_space<vmem_shared>>) target(%dma_start3A_681 : memref<128x32xf32, #tpu.memory_space<vmem>>) offsets(%dma_start3A_683 : memref<128xi32, #tpu.memory_space<vmem>>) semaphore(%arg27 : memref<!tpu.dma_semaphore, #tpu.memory_space<semaphore_mem>>)
      %dma_start3A_687 = arith.constant 128 : i32
      %dma_start3A_688 = arith.constant 0 : i32
      %dma_start3A_689 = tpu.memref_slice %arg12[%dma_start3A_687, %dma_start3A_688] : memref<320x16xf32, #tpu.memory_space<vmem>> -> memref<32x16xf32, #tpu.memory_space<vmem>>
      %dma_start3A_690 = arith.constant 768 : i32
      %dma_start3A_691 = tpu.memref_slice %arg8[%dma_start3A_690] : memref<3200xi32, #tpu.memory_space<vmem>> -> memref<32xi32, #tpu.memory_space<vmem>>
      %dma_start3A_692 = arith.constant 0 : i32
      %dma_start3A_693 = arith.constant 0 : i32
      %dma_start3A_694 = tpu.memref_slice %arg20[%dma_start3A_692, %dma_start3A_693] : memref<32x16xf32, #tpu.memory_space<vmem_shared>> -> memref<32x16xf32, #tpu.memory_space<vmem_shared>>
      tpu.enqueue_indirect_dma source(%dma_start3A_694 : memref<32x16xf32, #tpu.memory_space<vmem_shared>>) target(%dma_start3A_689 : memref<32x16xf32, #tpu.memory_space<vmem>>) offsets(%dma_start3A_691 : memref<32xi32, #tpu.memory_space<vmem>>) semaphore(%arg27 : memref<!tpu.dma_semaphore, #tpu.memory_space<semaphore_mem>>)
      %dma_start3A_695 = arith.constant 128 : i32
      %dma_start3A_696 = arith.constant 0 : i32
      %dma_start3A_697 = tpu.memref_slice %arg13[%dma_start3A_695, %dma_start3A_696] : memref<320x16xf32, #tpu.memory_space<vmem>> -> memref<32x16xf32, #tpu.memory_space<vmem>>
      %dma_start3A_698 = arith.constant 768 : i32
      %dma_start3A_699 = tpu.memref_slice %arg9[%dma_start3A_698] : memref<3200xi32, #tpu.memory_space<vmem>> -> memref<32xi32, #tpu.memory_space<vmem>>
      %dma_start3A_700 = arith.constant 0 : i32
      %dma_start3A_701 = arith.constant 0 : i32
      %dma_start3A_702 = tpu.memref_slice %arg21[%dma_start3A_700, %dma_start3A_701] : memref<512x16xf32, #tpu.memory_space<vmem_shared>> -> memref<512x16xf32, #tpu.memory_space<vmem_shared>>
      tpu.enqueue_indirect_dma source(%dma_start3A_702 : memref<512x16xf32, #tpu.memory_space<vmem_shared>>) target(%dma_start3A_697 : memref<32x16xf32, #tpu.memory_space<vmem>>) offsets(%dma_start3A_699 : memref<32xi32, #tpu.memory_space<vmem>>) semaphore(%arg27 : memref<!tpu.dma_semaphore, #tpu.memory_space<semaphore_mem>>)
      %dma_start3A_703 = arith.constant 128 : i32
      %dma_start3A_704 = arith.constant 0 : i32
      %dma_start3A_705 = tpu.memref_slice %arg14[%dma_start3A_703, %dma_start3A_704] : memref<320x32xf32, #tpu.memory_space<vmem>> -> memref<32x32xf32, #tpu.memory_space<vmem>>
      %dma_start3A_706 = arith.constant 768 : i32
      %dma_start3A_707 = tpu.memref_slice %arg10[%dma_start3A_706] : memref<3200xi32, #tpu.memory_space<vmem>> -> memref<32xi32, #tpu.memory_space<vmem>>
      %dma_start3A_708 = arith.constant 0 : i32
      %dma_start3A_709 = arith.constant 0 : i32
      %dma_start3A_710 = tpu.memref_slice %arg22[%dma_start3A_708, %dma_start3A_709] : memref<8192x32xf32, #tpu.memory_space<vmem_shared>> -> memref<8192x32xf32, #tpu.memory_space<vmem_shared>>
      tpu.enqueue_indirect_dma source(%dma_start3A_710 : memref<8192x32xf32, #tpu.memory_space<vmem_shared>>) target(%dma_start3A_705 : memref<32x32xf32, #tpu.memory_space<vmem>>) offsets(%dma_start3A_707 : memref<32xi32, #tpu.memory_space<vmem>>) semaphore(%arg27 : memref<!tpu.dma_semaphore, #tpu.memory_space<semaphore_mem>>)
      %dma_wait3A_711 = arith.constant 0 : i32
      %dma_wait3A_712 = arith.constant 0 : i32
      %dma_wait3A_713 = tpu.memref_slice %arg12[%dma_wait3A_711, %dma_wait3A_712] : memref<320x16xf32, #tpu.memory_space<vmem>> -> memref<128x16xf32, #tpu.memory_space<vmem>>
      %dma_wait3A_714 = arith.constant 640 : i32
      %dma_wait3A_715 = tpu.memref_slice %arg8[%dma_wait3A_714] : memref<3200xi32, #tpu.memory_space<vmem>> -> memref<128xi32, #tpu.memory_space<vmem>>
      %dma_wait3A_716 = arith.constant 0 : i32
      %dma_wait3A_717 = arith.constant 0 : i32
      %dma_wait3A_718 = tpu.memref_slice %arg20[%dma_wait3A_716, %dma_wait3A_717] : memref<32x16xf32, #tpu.memory_space<vmem_shared>> -> memref<32x16xf32, #tpu.memory_space<vmem_shared>>
      tpu.wait_indirect_dma semaphore(%arg27 : memref<!tpu.dma_semaphore, #tpu.memory_space<semaphore_mem>>) src(%dma_wait3A_718 : memref<32x16xf32, #tpu.memory_space<vmem_shared>>) dst(%dma_wait3A_713 : memref<128x16xf32, #tpu.memory_space<vmem>>)
      %dma_wait3A_719 = arith.constant 0 : i32
      %dma_wait3A_720 = arith.constant 0 : i32
      %dma_wait3A_721 = tpu.memref_slice %arg13[%dma_wait3A_719, %dma_wait3A_720] : memref<320x16xf32, #tpu.memory_space<vmem>> -> memref<128x16xf32, #tpu.memory_space<vmem>>
      %dma_wait3A_722 = arith.constant 640 : i32
      %dma_wait3A_723 = tpu.memref_slice %arg9[%dma_wait3A_722] : memref<3200xi32, #tpu.memory_space<vmem>> -> memref<128xi32, #tpu.memory_space<vmem>>
      %dma_wait3A_724 = arith.constant 0 : i32
      %dma_wait3A_725 = arith.constant 0 : i32
      %dma_wait3A_726 = tpu.memref_slice %arg21[%dma_wait3A_724, %dma_wait3A_725] : memref<512x16xf32, #tpu.memory_space<vmem_shared>> -> memref<512x16xf32, #tpu.memory_space<vmem_shared>>
      tpu.wait_indirect_dma semaphore(%arg27 : memref<!tpu.dma_semaphore, #tpu.memory_space<semaphore_mem>>) src(%dma_wait3A_726 : memref<512x16xf32, #tpu.memory_space<vmem_shared>>) dst(%dma_wait3A_721 : memref<128x16xf32, #tpu.memory_space<vmem>>)
      %dma_wait3A_727 = arith.constant 0 : i32
      %dma_wait3A_728 = arith.constant 0 : i32
      %dma_wait3A_729 = tpu.memref_slice %arg14[%dma_wait3A_727, %dma_wait3A_728] : memref<320x32xf32, #tpu.memory_space<vmem>> -> memref<128x32xf32, #tpu.memory_space<vmem>>
      %dma_wait3A_730 = arith.constant 640 : i32
      %dma_wait3A_731 = tpu.memref_slice %arg10[%dma_wait3A_730] : memref<3200xi32, #tpu.memory_space<vmem>> -> memref<128xi32, #tpu.memory_space<vmem>>
      %dma_wait3A_732 = arith.constant 0 : i32
      %dma_wait3A_733 = arith.constant 0 : i32
      %dma_wait3A_734 = tpu.memref_slice %arg22[%dma_wait3A_732, %dma_wait3A_733] : memref<8192x32xf32, #tpu.memory_space<vmem_shared>> -> memref<8192x32xf32, #tpu.memory_space<vmem_shared>>
      tpu.wait_indirect_dma semaphore(%arg27 : memref<!tpu.dma_semaphore, #tpu.memory_space<semaphore_mem>>) src(%dma_wait3A_734 : memref<8192x32xf32, #tpu.memory_space<vmem_shared>>) dst(%dma_wait3A_729 : memref<128x32xf32, #tpu.memory_space<vmem>>)
      %dma_wait3A_735 = arith.constant 128 : i32
      %dma_wait3A_736 = arith.constant 0 : i32
      %dma_wait3A_737 = tpu.memref_slice %arg12[%dma_wait3A_735, %dma_wait3A_736] : memref<320x16xf32, #tpu.memory_space<vmem>> -> memref<32x16xf32, #tpu.memory_space<vmem>>
      %dma_wait3A_738 = arith.constant 768 : i32
      %dma_wait3A_739 = tpu.memref_slice %arg8[%dma_wait3A_738] : memref<3200xi32, #tpu.memory_space<vmem>> -> memref<32xi32, #tpu.memory_space<vmem>>
      %dma_wait3A_740 = arith.constant 0 : i32
      %dma_wait3A_741 = arith.constant 0 : i32
      %dma_wait3A_742 = tpu.memref_slice %arg20[%dma_wait3A_740, %dma_wait3A_741] : memref<32x16xf32, #tpu.memory_space<vmem_shared>> -> memref<32x16xf32, #tpu.memory_space<vmem_shared>>
      tpu.wait_indirect_dma semaphore(%arg27 : memref<!tpu.dma_semaphore, #tpu.memory_space<semaphore_mem>>) src(%dma_wait3A_742 : memref<32x16xf32, #tpu.memory_space<vmem_shared>>) dst(%dma_wait3A_737 : memref<32x16xf32, #tpu.memory_space<vmem>>)
      %dma_wait3A_743 = arith.constant 128 : i32
      %dma_wait3A_744 = arith.constant 0 : i32
      %dma_wait3A_745 = tpu.memref_slice %arg13[%dma_wait3A_743, %dma_wait3A_744] : memref<320x16xf32, #tpu.memory_space<vmem>> -> memref<32x16xf32, #tpu.memory_space<vmem>>
      %dma_wait3A_746 = arith.constant 768 : i32
      %dma_wait3A_747 = tpu.memref_slice %arg9[%dma_wait3A_746] : memref<3200xi32, #tpu.memory_space<vmem>> -> memref<32xi32, #tpu.memory_space<vmem>>
      %dma_wait3A_748 = arith.constant 0 : i32
      %dma_wait3A_749 = arith.constant 0 : i32
      %dma_wait3A_750 = tpu.memref_slice %arg21[%dma_wait3A_748, %dma_wait3A_749] : memref<512x16xf32, #tpu.memory_space<vmem_shared>> -> memref<512x16xf32, #tpu.memory_space<vmem_shared>>
      tpu.wait_indirect_dma semaphore(%arg27 : memref<!tpu.dma_semaphore, #tpu.memory_space<semaphore_mem>>) src(%dma_wait3A_750 : memref<512x16xf32, #tpu.memory_space<vmem_shared>>) dst(%dma_wait3A_745 : memref<32x16xf32, #tpu.memory_space<vmem>>)
      %dma_wait3A_751 = arith.constant 128 : i32
      %dma_wait3A_752 = arith.constant 0 : i32
      %dma_wait3A_753 = tpu.memref_slice %arg14[%dma_wait3A_751, %dma_wait3A_752] : memref<320x32xf32, #tpu.memory_space<vmem>> -> memref<32x32xf32, #tpu.memory_space<vmem>>
      %dma_wait3A_754 = arith.constant 768 : i32
      %dma_wait3A_755 = tpu.memref_slice %arg10[%dma_wait3A_754] : memref<3200xi32, #tpu.memory_space<vmem>> -> memref<32xi32, #tpu.memory_space<vmem>>
      %dma_wait3A_756 = arith.constant 0 : i32
      %dma_wait3A_757 = arith.constant 0 : i32
      %dma_wait3A_758 = tpu.memref_slice %arg22[%dma_wait3A_756, %dma_wait3A_757] : memref<8192x32xf32, #tpu.memory_space<vmem_shared>> -> memref<8192x32xf32, #tpu.memory_space<vmem_shared>>
      tpu.wait_indirect_dma semaphore(%arg27 : memref<!tpu.dma_semaphore, #tpu.memory_space<semaphore_mem>>) src(%dma_wait3A_758 : memref<8192x32xf32, #tpu.memory_space<vmem_shared>>) dst(%dma_wait3A_753 : memref<32x32xf32, #tpu.memory_space<vmem>>)
      %dma_wait3A_759 = arith.constant 0 : i32
      %dma_wait3A_760 = arith.constant 0 : i32
      %dma_wait3A_761 = tpu.memref_slice %arg15[%dma_wait3A_759, %dma_wait3A_760] : memref<320x64xf32, #tpu.memory_space<vmem>> -> memref<128x64xf32, #tpu.memory_space<vmem>>
      %dma_wait3A_762 = arith.constant 640 : i32
      %dma_wait3A_763 = tpu.memref_slice %arg11[%dma_wait3A_762] : memref<3200xi32, #tpu.memory_space<vmem>> -> memref<128xi32, #tpu.memory_space<vmem>>
      %dma_wait3A_764 = arith.constant 0 : i32
      %dma_wait3A_765 = arith.constant 0 : i32
      %dma_wait3A_766 = tpu.memref_slice %arg6[%dma_wait3A_764, %dma_wait3A_765] : memref<100000x64xf32, #tpu.memory_space<hbm>> -> memref<100000x64xf32, #tpu.memory_space<hbm>>
      tpu.wait_indirect_dma semaphore(%arg23 : memref<!tpu.dma_semaphore, #tpu.memory_space<semaphore_mem>>) src(%dma_wait3A_766 : memref<100000x64xf32, #tpu.memory_space<hbm>>) dst(%dma_wait3A_761 : memref<128x64xf32, #tpu.memory_space<vmem>>)
      %dma_wait3A_767 = arith.constant 128 : i32
      %dma_wait3A_768 = arith.constant 0 : i32
      %dma_wait3A_769 = tpu.memref_slice %arg15[%dma_wait3A_767, %dma_wait3A_768] : memref<320x64xf32, #tpu.memory_space<vmem>> -> memref<32x64xf32, #tpu.memory_space<vmem>>
      %dma_wait3A_770 = arith.constant 768 : i32
      %dma_wait3A_771 = tpu.memref_slice %arg11[%dma_wait3A_770] : memref<3200xi32, #tpu.memory_space<vmem>> -> memref<32xi32, #tpu.memory_space<vmem>>
      %dma_wait3A_772 = arith.constant 0 : i32
      %dma_wait3A_773 = arith.constant 0 : i32
      %dma_wait3A_774 = tpu.memref_slice %arg6[%dma_wait3A_772, %dma_wait3A_773] : memref<100000x64xf32, #tpu.memory_space<hbm>> -> memref<100000x64xf32, #tpu.memory_space<hbm>>
      tpu.wait_indirect_dma semaphore(%arg23 : memref<!tpu.dma_semaphore, #tpu.memory_space<semaphore_mem>>) src(%dma_wait3A_774 : memref<100000x64xf32, #tpu.memory_space<hbm>>) dst(%dma_wait3A_769 : memref<32x64xf32, #tpu.memory_space<vmem>>)
      %add3A_775 = arith.constant 640 : i32
      %add3A_776 = arith.addi %mul3A_2, %add3A_775 : i32
      %dma_start3A_777 = arith.constant 0 : i32
      %dma_start3A_778 = arith.constant 0 : i32
      %dma_start3A_779 = tpu.memref_slice %arg12[%dma_start3A_777, %dma_start3A_778] : memref<320x16xf32, #tpu.memory_space<vmem>> -> memref<160x16xf32, #tpu.memory_space<vmem>>
      %dma_start3A_780 = arith.constant 0 : i32
      %dma_start3A_781 = tpu.memref_slice %arg7[%add3A_776, %dma_start3A_780] : memref<100000x128xf32, #tpu.memory_space<hbm>> -> memref<160x16xf32, #tpu.memory_space<hbm>>
      %dma_start3A_782 = arith.constant 0 : i32
      %dma_start3A_783 = tpu.memref_slice %arg7[%add3A_776, %dma_start3A_782] : memref<100000x128xf32, #tpu.memory_space<hbm>> -> memref<160x16xf32, #tpu.memory_space<hbm>>
      %dma_start3A_784 = arith.constant 0 : i32
      %dma_start3A_785 = arith.constant 0 : i32
      %dma_start3A_786 = tpu.memref_slice %arg12[%dma_start3A_784, %dma_start3A_785] : memref<320x16xf32, #tpu.memory_space<vmem>> -> memref<160x16xf32, #tpu.memory_space<vmem>>
      tpu.enqueue_dma source(%dma_start3A_786 : memref<160x16xf32, #tpu.memory_space<vmem>>) target(%dma_start3A_783 : memref<160x16xf32, #tpu.memory_space<hbm>>) target_semaphore(%arg25 : memref<!tpu.dma_semaphore, #tpu.memory_space<semaphore_mem>>)
      %add3A_787 = arith.constant 640 : i32
      %add3A_788 = arith.addi %mul3A_2, %add3A_787 : i32
      %dma_start3A_789 = arith.constant 0 : i32
      %dma_start3A_790 = arith.constant 0 : i32
      %dma_start3A_791 = tpu.memref_slice %arg13[%dma_start3A_789, %dma_start3A_790] : memref<320x16xf32, #tpu.memory_space<vmem>> -> memref<160x16xf32, #tpu.memory_space<vmem>>
      %dma_start3A_792 = arith.constant 16 : i32
      %dma_start3A_793 = tpu.memref_slice %arg7[%add3A_788, %dma_start3A_792] : memref<100000x128xf32, #tpu.memory_space<hbm>> -> memref<160x16xf32, #tpu.memory_space<hbm>>
      %dma_start3A_794 = arith.constant 16 : i32
      %dma_start3A_795 = tpu.memref_slice %arg7[%add3A_788, %dma_start3A_794] : memref<100000x128xf32, #tpu.memory_space<hbm>> -> memref<160x16xf32, #tpu.memory_space<hbm>>
      %dma_start3A_796 = arith.constant 0 : i32
      %dma_start3A_797 = arith.constant 0 : i32
      %dma_start3A_798 = tpu.memref_slice %arg13[%dma_start3A_796, %dma_start3A_797] : memref<320x16xf32, #tpu.memory_space<vmem>> -> memref<160x16xf32, #tpu.memory_space<vmem>>
      tpu.enqueue_dma source(%dma_start3A_798 : memref<160x16xf32, #tpu.memory_space<vmem>>) target(%dma_start3A_795 : memref<160x16xf32, #tpu.memory_space<hbm>>) target_semaphore(%arg25 : memref<!tpu.dma_semaphore, #tpu.memory_space<semaphore_mem>>)
      %add3A_799 = arith.constant 640 : i32
      %add3A_800 = arith.addi %mul3A_2, %add3A_799 : i32
      %dma_start3A_801 = arith.constant 0 : i32
      %dma_start3A_802 = arith.constant 0 : i32
      %dma_start3A_803 = tpu.memref_slice %arg14[%dma_start3A_801, %dma_start3A_802] : memref<320x32xf32, #tpu.memory_space<vmem>> -> memref<160x32xf32, #tpu.memory_space<vmem>>
      %dma_start3A_804 = arith.constant 32 : i32
      %dma_start3A_805 = tpu.memref_slice %arg7[%add3A_800, %dma_start3A_804] : memref<100000x128xf32, #tpu.memory_space<hbm>> -> memref<160x32xf32, #tpu.memory_space<hbm>>
      %dma_start3A_806 = arith.constant 32 : i32
      %dma_start3A_807 = tpu.memref_slice %arg7[%add3A_800, %dma_start3A_806] : memref<100000x128xf32, #tpu.memory_space<hbm>> -> memref<160x32xf32, #tpu.memory_space<hbm>>
      %dma_start3A_808 = arith.constant 0 : i32
      %dma_start3A_809 = arith.constant 0 : i32
      %dma_start3A_810 = tpu.memref_slice %arg14[%dma_start3A_808, %dma_start3A_809] : memref<320x32xf32, #tpu.memory_space<vmem>> -> memref<160x32xf32, #tpu.memory_space<vmem>>
      tpu.enqueue_dma source(%dma_start3A_810 : memref<160x32xf32, #tpu.memory_space<vmem>>) target(%dma_start3A_807 : memref<160x32xf32, #tpu.memory_space<hbm>>) target_semaphore(%arg25 : memref<!tpu.dma_semaphore, #tpu.memory_space<semaphore_mem>>)
      %add3A_811 = arith.constant 640 : i32
      %add3A_812 = arith.addi %mul3A_2, %add3A_811 : i32
      %dma_start3A_813 = arith.constant 0 : i32
      %dma_start3A_814 = arith.constant 0 : i32
      %dma_start3A_815 = tpu.memref_slice %arg15[%dma_start3A_813, %dma_start3A_814] : memref<320x64xf32, #tpu.memory_space<vmem>> -> memref<160x64xf32, #tpu.memory_space<vmem>>
      %dma_start3A_816 = arith.constant 64 : i32
      %dma_start3A_817 = tpu.memref_slice %arg7[%add3A_812, %dma_start3A_816] : memref<100000x128xf32, #tpu.memory_space<hbm>> -> memref<160x64xf32, #tpu.memory_space<hbm>>
      %dma_start3A_818 = arith.constant 64 : i32
      %dma_start3A_819 = tpu.memref_slice %arg7[%add3A_812, %dma_start3A_818] : memref<100000x128xf32, #tpu.memory_space<hbm>> -> memref<160x64xf32, #tpu.memory_space<hbm>>
      %dma_start3A_820 = arith.constant 0 : i32
      %dma_start3A_821 = arith.constant 0 : i32
      %dma_start3A_822 = tpu.memref_slice %arg15[%dma_start3A_820, %dma_start3A_821] : memref<320x64xf32, #tpu.memory_space<vmem>> -> memref<160x64xf32, #tpu.memory_space<vmem>>
      tpu.enqueue_dma source(%dma_start3A_822 : memref<160x64xf32, #tpu.memory_space<vmem>>) target(%dma_start3A_819 : memref<160x64xf32, #tpu.memory_space<hbm>>) target_semaphore(%arg25 : memref<!tpu.dma_semaphore, #tpu.memory_space<semaphore_mem>>)
      %dma_wait3A_823 = arith.constant 0 : i32
      %dma_wait3A_824 = arith.constant 0 : i32
      %dma_wait3A_825 = tpu.memref_slice %arg12[%dma_wait3A_823, %dma_wait3A_824] : memref<320x16xf32, #tpu.memory_space<vmem>> -> memref<160x16xf32, #tpu.memory_space<vmem>>
      %dma_wait3A_826 = arith.constant 0 : i32
      %dma_wait3A_827 = tpu.memref_slice %arg7[%add3A_776, %dma_wait3A_826] : memref<100000x128xf32, #tpu.memory_space<hbm>> -> memref<160x16xf32, #tpu.memory_space<hbm>>
      %dma_wait3A_828 = arith.constant 0 : i32
      %dma_wait3A_829 = tpu.memref_slice %arg7[%add3A_776, %dma_wait3A_828] : memref<100000x128xf32, #tpu.memory_space<hbm>> -> memref<160x16xf32, #tpu.memory_space<hbm>>
      %dma_wait3A_830 = arith.constant 0 : i32
      %dma_wait3A_831 = arith.constant 0 : i32
      %dma_wait3A_832 = tpu.memref_slice %arg12[%dma_wait3A_830, %dma_wait3A_831] : memref<320x16xf32, #tpu.memory_space<vmem>> -> memref<160x16xf32, #tpu.memory_space<vmem>>
      tpu.wait_dma2 semaphore(%arg25 : memref<!tpu.dma_semaphore, #tpu.memory_space<semaphore_mem>>) src(%dma_wait3A_832 : memref<160x16xf32, #tpu.memory_space<vmem>>) dst(%dma_wait3A_829 : memref<160x16xf32, #tpu.memory_space<hbm>>)
      %dma_wait3A_833 = arith.constant 0 : i32
      %dma_wait3A_834 = arith.constant 0 : i32
      %dma_wait3A_835 = tpu.memref_slice %arg13[%dma_wait3A_833, %dma_wait3A_834] : memref<320x16xf32, #tpu.memory_space<vmem>> -> memref<160x16xf32, #tpu.memory_space<vmem>>
      %dma_wait3A_836 = arith.constant 16 : i32
      %dma_wait3A_837 = tpu.memref_slice %arg7[%add3A_788, %dma_wait3A_836] : memref<100000x128xf32, #tpu.memory_space<hbm>> -> memref<160x16xf32, #tpu.memory_space<hbm>>
      %dma_wait3A_838 = arith.constant 16 : i32
      %dma_wait3A_839 = tpu.memref_slice %arg7[%add3A_788, %dma_wait3A_838] : memref<100000x128xf32, #tpu.memory_space<hbm>> -> memref<160x16xf32, #tpu.memory_space<hbm>>
      %dma_wait3A_840 = arith.constant 0 : i32
      %dma_wait3A_841 = arith.constant 0 : i32
      %dma_wait3A_842 = tpu.memref_slice %arg13[%dma_wait3A_840, %dma_wait3A_841] : memref<320x16xf32, #tpu.memory_space<vmem>> -> memref<160x16xf32, #tpu.memory_space<vmem>>
      tpu.wait_dma2 semaphore(%arg25 : memref<!tpu.dma_semaphore, #tpu.memory_space<semaphore_mem>>) src(%dma_wait3A_842 : memref<160x16xf32, #tpu.memory_space<vmem>>) dst(%dma_wait3A_839 : memref<160x16xf32, #tpu.memory_space<hbm>>)
      %dma_wait3A_843 = arith.constant 0 : i32
      %dma_wait3A_844 = arith.constant 0 : i32
      %dma_wait3A_845 = tpu.memref_slice %arg14[%dma_wait3A_843, %dma_wait3A_844] : memref<320x32xf32, #tpu.memory_space<vmem>> -> memref<160x32xf32, #tpu.memory_space<vmem>>
      %dma_wait3A_846 = arith.constant 32 : i32
      %dma_wait3A_847 = tpu.memref_slice %arg7[%add3A_800, %dma_wait3A_846] : memref<100000x128xf32, #tpu.memory_space<hbm>> -> memref<160x32xf32, #tpu.memory_space<hbm>>
      %dma_wait3A_848 = arith.constant 32 : i32
      %dma_wait3A_849 = tpu.memref_slice %arg7[%add3A_800, %dma_wait3A_848] : memref<100000x128xf32, #tpu.memory_space<hbm>> -> memref<160x32xf32, #tpu.memory_space<hbm>>
      %dma_wait3A_850 = arith.constant 0 : i32
      %dma_wait3A_851 = arith.constant 0 : i32
      %dma_wait3A_852 = tpu.memref_slice %arg14[%dma_wait3A_850, %dma_wait3A_851] : memref<320x32xf32, #tpu.memory_space<vmem>> -> memref<160x32xf32, #tpu.memory_space<vmem>>
      tpu.wait_dma2 semaphore(%arg25 : memref<!tpu.dma_semaphore, #tpu.memory_space<semaphore_mem>>) src(%dma_wait3A_852 : memref<160x32xf32, #tpu.memory_space<vmem>>) dst(%dma_wait3A_849 : memref<160x32xf32, #tpu.memory_space<hbm>>)
      %dma_wait3A_853 = arith.constant 0 : i32
      %dma_wait3A_854 = arith.constant 0 : i32
      %dma_wait3A_855 = tpu.memref_slice %arg15[%dma_wait3A_853, %dma_wait3A_854] : memref<320x64xf32, #tpu.memory_space<vmem>> -> memref<160x64xf32, #tpu.memory_space<vmem>>
      %dma_wait3A_856 = arith.constant 64 : i32
      %dma_wait3A_857 = tpu.memref_slice %arg7[%add3A_812, %dma_wait3A_856] : memref<100000x128xf32, #tpu.memory_space<hbm>> -> memref<160x64xf32, #tpu.memory_space<hbm>>
      %dma_wait3A_858 = arith.constant 64 : i32
      %dma_wait3A_859 = tpu.memref_slice %arg7[%add3A_812, %dma_wait3A_858] : memref<100000x128xf32, #tpu.memory_space<hbm>> -> memref<160x64xf32, #tpu.memory_space<hbm>>
      %dma_wait3A_860 = arith.constant 0 : i32
      %dma_wait3A_861 = arith.constant 0 : i32
      %dma_wait3A_862 = tpu.memref_slice %arg15[%dma_wait3A_860, %dma_wait3A_861] : memref<320x64xf32, #tpu.memory_space<vmem>> -> memref<160x64xf32, #tpu.memory_space<vmem>>
      tpu.wait_dma2 semaphore(%arg25 : memref<!tpu.dma_semaphore, #tpu.memory_space<semaphore_mem>>) src(%dma_wait3A_862 : memref<160x64xf32, #tpu.memory_space<vmem>>) dst(%dma_wait3A_859 : memref<160x64xf32, #tpu.memory_space<hbm>>)
    } else {
    }
    return
  }
}

</mosaic_0001>

<sc_bundles>
// kernel: kernel.3.cloned.1.call-start
scs
__scs_entry_jumppad:
0x0: {  	(pc) =	sbr.rel $0x88, $3  }
0x1: {  	(tag) =	ssettag $0x0;
	lr =	simm.s32 $0x1  }
0x2: {  	[smem:$0x3F9C] =	sst lr;
	_ =	strace $0xD0000000  }
0x3: {  	_ = 	snop  }
0x4: {  	_ = 	snop  }
0x5: {  	_ = 	snop  }
0x6: {  	_ = 	snop  }
0x7: {  	_ = 	snop  }
__scs_overlays_trampoline_lowered:
0x8: {  	[smem:$0x3FAB] =	sst s0  }
0x9: {  	[smem:$0x3FAC] =	sst s1  }
0xa: {  	[smem:$0x3FAD] =	sst s2  }
0xb: {  	[smem:$0x3FAE] =	sst s3  }
0xc: {  	[smem:$0x3FAF] =	sst s4  }
0xd: {  	[smem:$0x3FB0] =	sst s5  }
0xe: {  	[smem:$0x3FB1] =	sst s6  }
0xf: {  	[smem:$0x3FB2] =	sst s7  }
0x10: {  	[smem:$0x3FB3] =	sst s8  }
0x11: {  	[smem:$0x3FB4] =	sst s9;
	s0 =	simm.s32 @!p0 $0x0  }
0x12: {  	s1 =	sld [smem:$0x3F9A];
	s0 =	simm.s32 @p0 $0x1  }
0x13: {  	[smem:$0x3FB5] =	sst s0;
	s0 =	simm.s32 @!p1 $0x0  }
0x14: {  	s2 =	sld [smem:$0x3F99];
	s0 =	simm.s32 @p1 $0x1  }
0x15: {  	[smem:$0x3FB6] =	sst s0;
	s0 =	simm.s32 @!p2 $0x0  }
0x16: {  	s3 =	sld [smem:$0x3FDB];
	s0 =	simm.s32 @p2 $0x1  }
0x17: {  	s4 =	simm.s32 $0x1BF5;
	[smem:$0x3FB8] =	sst s0  }
0x18: {  	s0 =	sld [smem:$0x3F9B];
	_ =	swait.ge [sflag:s4], $0x0  }
0x19: {  	s7 =	sld [smem:$0x3F9C]  }
0x1a: {  	s8 =	sadd.s32 $0xFFFFE003, lr  }
0x1b: {  	s9 =	sadd.s32 $0xFFFFFEF7, lr;
	s5 =	simm.s32 $0xFFFFFFFF;
	p2 =	slt.u32 s8, $0xFFFFF086  }
0x1c: {  	p1 =	slt.u32 s9, $0xF7A;
	s5 =	simm.s32 @!p2 $0x0  }
0x1d: {  	s5 =	simm.s32 @p1 $0x1;
	p0 =	seq.s32 s7, s2  }
0x1e: {  	s7 =	smul.u32 @!p0 $0xF7A, s2;
	p2 =	seq.s32 @!p0 s5, $0x0  }
0x1f: {  	s9 =	smul.u32 $0xF7A, s1;
	s8 =	simm.s32 @!p0 $0x1BF5;
	p2 =	por !p2, p0  }
0x20: {  	[sflag:s8] =	ssyncset.s32 @!p0 $0xFFFFF086;
	s6 =	sadd.s32 @!p0 s3, s7;
	s7 =	simm.s32 @!p0 $0x108  }
0x21: {  	s3 =	sadd.s32 s3, s9;
	s6 =	sadd.s32 @!p0 $0x88, s6;
	s7 =	simm.s32 @p2 $0x1082  }
0x22: {  	[simem:s7], [sflag:s8] =	dma.local @!p0 [hbm:s6], $0xF7A  }
0x23: {  	s9 =	sor.u32 $0xD0000000, s2;
	s6 =	simm.s32 $0x108;
	_ =	swait.ge @!p0 [sflag:s8], $0x0  }
0x24: {  	s3 =	sadd.s32 $0x88, s3;
	s6 =	simm.s32 @!p1 $0x1082;
	[sflag:s4] =	ssyncset.s32 $0xFFFFF086  }
0x25: {  	[simem:s6], [sflag:s4] =	dma.local [hbm:s3], $0xF7A  }
0x26: {  	[smem:$0x3F9C] =	sst s1;
	(tag) =	ssettag s2;
	_ =	strace s9  }
0x27: {  	s1 =	sld [smem:$0x3FAC]  }
0x28: {  	s2 =	sld [smem:$0x3FAD]  }
0x29: {  	s4 =	sld [smem:$0x3FAF]  }
0x2a: {  	p0 =	seq.s32 s5, $0x0;
	s5 =	sld [smem:$0x3FB0]  }
0x2b: {  	s6 =	sld [smem:$0x3FB1]  }
0x2c: {  	s7 =	sld [smem:$0x3FB2]  }
0x2d: {  	s3 =	simm.s32 $0x108;
	s8 =	sld [smem:$0x3FB3]  }
0x2e: {  	s3 =	simm.s32 @!p0 $0x1082;
	s9 =	sld [smem:$0x3FB4]  }
0x2f: {  	lr =	sadd.s32 s0, s3;
	s0 =	sld [smem:$0x3FAB]  }
0x30: {  	s3 =	sld [smem:$0x3FAE]  }
0x31: {  	[smem:$0x3FB7] =	sst s10  }
0x32: {  	s10 =	sld [smem:$0x3FB5];
	_ =	sdelay $0x3  }
0x33: {  	p0 =	seq.s32 s10, $0x1;
	s10 =	sld [smem:$0x3FB7];
	_ =	sdelay $0x3  }
0x34: {  	[smem:$0x3FB7] =	sst s10  }
0x35: {  	s10 =	sld [smem:$0x3FB6];
	_ =	sdelay $0x3  }
0x36: {  	p1 =	seq.s32 s10, $0x1;
	s10 =	sld [smem:$0x3FB7];
	_ =	sdelay $0x3  }
0x37: {  	[smem:$0x3FB7] =	sst s10  }
0x38: {  	s10 =	sld [smem:$0x3FB8]  }
0x39: {  	_ = 	snop;
	(pc) =	sbr.ind lr, $3  }
0x3a: {  	_ = 	snop  }
0x3b: {  	_ = 	snop  }
0x3c: {  	p2 =	seq.s32 s10, $0x1;
	s10 =	sld [smem:$0x3FB7]  }
0x3d: {  	_ =	shalt  }
0x3e: {  	_ =	shalt  }
0x3f: {  	_ =	shalt  }
0x40: {  	_ =	shalt  }
0x41: {  	_ =	shalt  }
0x42: {  	_ =	shalt  }
0x43: {  	_ =	shalt  }
0x44: {  	_ =	shalt  }
0x45: {  	_ =	shalt  }
0x46: {  	_ =	shalt  }
0x47: {  	_ =	shalt  }
0x48: {  	_ =	shalt  }
0x49: {  	_ =	shalt  }
0x4a: {  	_ =	shalt  }
0x4b: {  	_ =	shalt  }
0x4c: {  	_ =	shalt  }
0x4d: {  	_ =	shalt  }
0x4e: {  	_ =	shalt  }
0x4f: {  	_ =	shalt  }
0x50: {  	_ =	shalt  }
0x51: {  	_ =	shalt  }
0x52: {  	_ =	shalt  }
0x53: {  	_ =	shalt  }
0x54: {  	_ =	shalt  }
0x55: {  	_ =	shalt  }
0x56: {  	_ =	shalt  }
0x57: {  	_ =	shalt  }
0x58: {  	_ =	shalt  }
0x59: {  	_ =	shalt  }
0x5a: {  	_ =	shalt  }
0x5b: {  	_ =	shalt  }
0x5c: {  	_ =	shalt  }
0x5d: {  	_ =	shalt  }
0x5e: {  	_ =	shalt  }
0x5f: {  	_ =	shalt  }
0x60: {  	_ =	shalt  }
0x61: {  	_ =	shalt  }
0x62: {  	_ =	shalt  }
0x63: {  	_ =	shalt  }
0x64: {  	_ =	shalt  }
0x65: {  	_ =	shalt  }
0x66: {  	_ =	shalt  }
0x67: {  	_ =	shalt  }
0x68: {  	_ =	shalt  }
0x69: {  	_ =	shalt  }
0x6a: {  	_ =	shalt  }
0x6b: {  	_ =	shalt  }
0x6c: {  	_ =	shalt  }
0x6d: {  	_ =	shalt  }
0x6e: {  	_ =	shalt  }
0x6f: {  	_ =	shalt  }
0x70: {  	_ =	shalt  }
0x71: {  	_ =	shalt  }
0x72: {  	_ =	shalt  }
0x73: {  	_ =	shalt  }
0x74: {  	_ =	shalt  }
0x75: {  	_ =	shalt  }
0x76: {  	_ =	shalt  }
0x77: {  	_ =	shalt  }
0x78: {  	_ =	shalt  }
0x79: {  	_ =	shalt  }
0x7a: {  	_ =	shalt  }
0x7b: {  	_ =	shalt  }
0x7c: {  	_ =	shalt  }
0x7d: {  	_ =	shalt  }
0x7e: {  	_ =	shalt  }
0x7f: {  	_ =	shalt  }
0x80: {  	_ =	shalt  }
0x81: {  	_ =	shalt  }
0x82: {  	_ =	shalt  }
0x83: {  	_ =	shalt  }
0x84: {  	_ =	shalt  }
0x85: {  	_ =	shalt  }
0x86: {  	_ =	shalt  }
0x87: {  	_ =	shalt  }
.Lfunc_end0:
.L_simem_size_0:
called_computation_lowered:
.L_overlay_start_0:
0x88: {  	s2 =	sld [smem:$0x3FD9]  }
0x89: {  	s3 =	sld [smem:$0x3FFE];
	_ =	sdelay $0x1  }
0x8a: {  	s1 =	srdreg.scid  }
0x8b: {  	s0 =	sand.u32 $0x1, s1  }
0x8c: {  	s17 =	sshll.u32 s0, $0xA;
	s2 =	sadd.s32 s3, s2  }
0x8d: {  	s2 =	sadd.s32 s2, s17  }
0x8e: {  	[smem:$0x3FC3] =	sst s2  }
0x8f: {  	_ = 	snop  }
0x90: {  	s2 =	sld [smem:$0x3FD0];
	(tm) =	ssettm $0x1  }
0x91: {  	s18 =	sld [smem:$0x3FFB];
	_ =	sdelay $0x3  }
0x92: {  	_ =	strace s18  }
0x93: {  	s3 =	sld [smem:$0x3FFC];
	_ =	sdelay $0x3  }
0x94: {  	_ =	strace s3  }
0x95: {  	s3 =	sld [smem:$0x3FFD];
	_ =	sdelay $0x3  }
0x96: {  	_ =	strace s3  }
0x97: {  	_ =	strace $0x8FFFFFFF  }
0x98: {  	s19 =	sld [smem:$0x3FDB];
	_ =	sdelay $0x1  }
0x99: {  	s4 =	simm.s32 $_scs_section_size  }
0x9a: {  	s5 =	simm.s32 $_size__tile_overlayer_lowered;
	s6 =	simm.s32 $_tile_overlayer_lowered  }
0x9b: {  	s22 =	simm.s32 $0x1BFF;
	s21 =	sshll.u32 s6, $0x1;
	s3 =	sadd.s32 s4, s19  }
0x9c: {  	s7 =	simm.s32 $0x0;
	s20 =	sshll.u32 s5, $0x1;
	s5 =	sadd.s32 s21, s3  }
0x9d: {  	[timem:s7], [sflag:s22] =	dma.local [hbm:s5], s20  }
0x9e: {  	_ =	swait.ge [sflag:s22], s20  }
0x9f: {  	s4 =	ssub.s32 $0x0, s20;
	[sflag:s22] =	ssyncset.done $0x0  }
0xa0: {  	[sflag:s22] =	ssyncadd.s32 s4;
	_ =	sdelay $0x1  }
0xa1: {  	s23 =	simm.s32 $0x1B8B  }
0xa2: {  	_ =	swait.ge [sflag:s23], $0x1  }
0xa3: {  	[sflag:s23] =	ssyncset.done $0x0  }
0xa4: {  	s25 =	simm.s32 $0x1B8E;
	s24 =	sld [smem:$0x3FFE];
	[sflag:s23] =	ssyncadd.s32 $0xFFFFFFFF  }
0xa5: {  	s26 =	simm.s32 $execute0_lowered;
	[smem:$0x3FD2] =	sst s25  }
0xa6: {  	s5 =	sshll.u32 s26, $0x1;
	_ =	strace $0x80000046;
	[dreg:$0x1] =	wrdreg $0xFFFFFFFF  }
0xa7: {  	s28 =	simm.s32 $_size_execute0_lowered;
	s3 =	sadd.s32 s3, s5;
	[dreg:$0x0] =	wrdreg $0x0  }
0xa8: {  	s5 =	sshll.u32 s28, $0x1;
	[dreg:$0x2] =	wrdreg s3  }
0xa9: {  	[dreg:$0x3] =	wrdreg s5  }
0xaa: {  	[dreg:$0x4] =	wrdreg $0xC0  }
0xab: {  	_ =	task [dreg:s7], $0x5FFFF  }
0xac: {  	[dreg:$0x1] =	wrdreg $0xFFFFFFFF  }
0xad: {  	[dreg:$0x0] =	wrdreg $0x60  }
0xae: {  	[dreg:$0x2] =	wrdreg s24  }
0xaf: {  	[dreg:$0x3] =	wrdreg s2  }
0xb0: {  	[dreg:$0x4] =	wrdreg $0x174200  }
0xb1: {  	[dreg:$0x5] =	wrdreg $0x172200  }
0xb2: {  	[dreg:$0x6] =	wrdreg $0x172000  }
0xb3: {  	[dreg:$0x7] =	wrdreg $0x9  }
0xb4: {  	_ =	task.clear_ibuf [dreg:s7], $0x8FFFF;
	_ =	strace $0x90000046  }
0xb5: {  	s29 =	simm.s32 $0x9;
	_ =	strace $0x80000048  }
0xb6: {  	_ =	swait.ge [sflag:s29], $0x1  }
0xb7: {  	[sflag:s29] =	ssyncadd.s32 $0xFFFFFFFF  }
0xb8: {  	_ =	strace $0x90000048  }
0xb9: {  	_ =	sfence  }
0xba: {  	s30 =	sld [smem:$0x0];
	_ =	sdelay $0x2  }
0xbb: {  	s31 =	sshll.u32 s1, $0xD;
	s1 =	sshrl.u32 s1, $0x2  }
0xbc: {  	s3 =	sand.u32 $0x4000, s31;
	s1 =	sadd.s32 s1, s30  }
0xbd: {  	s0 =	sor.u32 s3, s0;
	s1 =	sshll.u32 s1, $0x11  }
0xbe: {  	s0 =	sor.u32 s1, s0  }
0xbf: {  	s0 =	sadd.s32 $0x8F2B, s0  }
0xc0: {  	[sflag:s0] =	ssyncadd.remote.s32 $0x1  }
0xc1: {  	_ =	sfence.sel $0xFFFF  }
0xc2: {  	[dreg:$0x0] =	wrdreg $0xFFFFFFFF;
	(pc) =	sbr.abs _section_cstart, $3  }
0xc3: {  	[dreg:$0x1] =	wrdreg $0xFFFFFFFF  }
0xc4: {  	_ =	task.clear_ibuf [dreg:s7], $0x2FFFF;
	_ =	strace $0x9FFFFFFF  }
0xc5: {  	(tm) =	ssettm $0x7FFFFFFF  }
tec
execute0_lowered:
.L_overlay_start_1:
0x0: {  	(tag) =	ssettag $0x1  }
0x1: {  	s0 =	rddreg [dreg:$0x0]  }
0x2: {  	s2 =	rddreg [dreg:$0x1];
	s3 =	srdreg.scid  }
0x3: {  	s16 =	stileid.u32;
	s1 =	rddreg [dreg:$0x2]  }
0x4: {  	s8 =	simm.s32 $0x0;
	s29 =	simm.s32 $0x40;
	s31 =	simm.s32 $0x3200  }
0x5: {  	s30 =	simm.s32 $0x4600;
	s5 =	sand.u32 $0x1, s3;
	s3 =	rddreg [dreg:$0x3]  }
0x6: {  	s28 =	simm.s32 $0xE600;
	s4 =	sshll.u32 s16, $0x1;
	[smem:$0x7FF] =	sst s8  }
0x7: {  	s12 =	sadd.s32 $0x400, s0;
	s13 =	sadd.s32 $0x600, s0;
	s9 =	sadd.s32 $0xCE00, s0  }
0x8: {  	s10 =	sshll.u32 s16, $0xE;
	s8 =	sadd.s32 $0x14E00, s0;
	s14 =	sshll.u32 s16, $0xB  }
0x9: {  	s17 =	sadd.s32 $0x800, s0;
	s6 =	sor.u32 s5, s4;
	s4 =	rddreg [dreg:$0x4]  }
0xa: {  	s21 =	sadd.s32 $0x3A70, s0;
	_ =	strace $0x80000047;
	[dreg:$0x6] =	wrdreg s12  }
0xb: {  	s22 =	sadd.s32 $0x6B44, s0;
	s23 =	smul.u32 $0x19000, s16;
	[dreg:$0x7] =	wrdreg s13  }
0xc: {  	s24 =	sadd.s32 $0x9C18, s0;
	p1 =	seq.s32 s16, $0x1;
	[dreg:$0xa] =	wrdreg s17  }
0xd: {  	s11 =	ssub.s32 $0x2, s5;
	s12 =	sor.u32 $0x2000, s10;
	[dreg:$0xf] =	wrdreg s21  }
0xe: {  	s14 =	sadd.s32 s9, s14;
	[dreg:$0x10] =	wrdreg s22;
	s25 =	smul.u32 $0xC800, s5  }
0xf: {  	[dreg:$0x11] =	wrdreg s24;
	s17 =	sadd.s32 $0x184C00, s2;
	s21 =	sadd.s32 $0x184C08, s2  }
0x10: {  	s22 =	sadd.s32 $0x186000, s2;
	s24 =	sadd.s32 $0x186004, s2;
	[dreg:$0x8] =	wrdreg s14  }
0x11: {  	p2 =	sne.s32 @!p1 s16, $0x0;
	s16 =	simm.s32 $0x5A00;
	[dreg:$0x18] =	wrdreg s17  }
0x12: {  	s7 =	smul.u32 $0xC80, s6;
	s13 =	sshrl.u32 s11, $0x1;
	[dreg:$0x1c] =	wrdreg s21  }
0x13: {  	s15 =	sshrl.u32 s12, $0x3;
	p0 =	seq.s32 s6, $0x1F;
	[dreg:$0x1d] =	wrdreg s22  }
0x14: {  	s26 =	sadd.s32 s23, s2;
	s14 =	sadd.s32 $0x183808, s2;
	[dreg:$0x1f] =	wrdreg s24  }
0x15: {  	s23 =	sadd.s32 $0x186002, s2;
	p2 =	por p2, p1;
	[dreg:$0x16] =	wrdreg s14  }
0x16: {  	s21 =	simm.s32 $0x1;
	s9 =	sadd.s32 s9, s15;
	[dreg:$0x1e] =	wrdreg s23  }
0x17: {  	s11 =	ssub.s32 s11, s13;
	s13 =	sadd.s32 $0x183804, s2;
	[dreg:$0x9] =	wrdreg s9  }
0x18: {  	s22 =	simm.s32 $0x80;
	s15 =	sadd.s32 s10, s1;
	[dreg:$0x15] =	wrdreg s13  }
0x19: {  	s7 =	sshrl.u32 s7, $0x3;
	s9 =	sadd.s32 $0x183802, s2;
	[dreg:$0x17] =	wrdreg s15  }
0x1a: {  	s7 =	sadd.s32 s7, s0;
	s0 =	sadd.s32 $0xCCEC, s0;
	[dreg:$0x14] =	wrdreg s9  }
0x1b: {  	s17 =	simm.s32 $0x3A00;
	s18 =	sadd.s32 $0xA00, s7;
	[dreg:$0x12] =	wrdreg s0  }
0x1c: {  	s24 =	simm.s32 $0xD200;
	s19 =	sadd.s32 $0x3AD4, s7;
	[dreg:$0xb] =	wrdreg s18  }
0x1d: {  	s6 =	simm.s32 $0x0;
	s20 =	sadd.s32 $0x6BA8, s7;
	[dreg:$0xc] =	wrdreg s19  }
0x1e: {  	s23 =	simm.s32 $0x8200;
	s7 =	sadd.s32 $0x9C7C, s7;
	[dreg:$0xd] =	wrdreg s20  }
0x1f: {  	s0 =	sadd.s32 s25, s26;
	s25 =	smax.u32 s11, $0x1;
	[dreg:$0xe] =	wrdreg s7  }
0x20: {  	s10 =	simm.s32 $0x20;
	s26 =	sadd.s32 $0x1000, s3;
	[smem:$0x7FB] =	sst s25  }
0x21: {  	s15 =	simm.s32 $0x2580;
	s7 =	sadd.s32 $0x183800, s2;
	[smem:$0x7FD] =	sst s26  }
0x22: {  	s9 =	simm.s32 $0x10;
	s18 =	sadd.s32 $0x184C02, s2;
	[dreg:$0x13] =	wrdreg s7  }
0x23: {  	s11 =	simm.s32 $0x3;
	s19 =	sadd.s32 s12, s1;
	[dreg:$0x19] =	wrdreg s18  }
.Ltmp0:
0x24: {  	s20 =	sadd.s32 $0x184C04, s2;
	[dreg:$0x1a] =	wrdreg s19;
	(pc) =	sbr.rel .LBB2_1-.Ltmp0, $4  }
0x25: {  	s2 =	sadd.s32 $0x186008, s2;
	s0 =	sadd.s32 $0x1408, s0;
	[dreg:$0x1b] =	wrdreg s20  }
0x26: {  	s12 =	simm.s32 $0x6A00;
	s26 =	simm.s32 $0x4;
	[smem:$0x7FA] =	sst s2  }
0x27: {  	[smem:$0x7FC] =	sst s0;
	s2 =	simm.s32 $0x12200;
	s0 =	simm.s32 $0x4E00  }
0x28: {  	s7 =	simm.s32 $0x5;
	s20 =	simm.s32 $0xFA00;
	s19 =	simm.s32 $0x2  }
.LBB2_9:
0x29: {  	v3 =	vld [tilespmem:s6+$0x2580];
	_ =	sdelay $0x1  }
0x2a: {  	v2 =	vadd.s32 $0xFFFFFFFF, v2  }
0x2b: {  	v1 =	vadd.s32 $0xFFFFFFFF, v1;
	[tilespmem:s6+$0x0] =	vst v2  }
0x2c: {  	v0 =	vadd.s32 $0xFFFFFFFF, v0;
	[tilespmem:s6+$0xC80] =	vst v1  }
0x2d: {  	[tilespmem:s6+$0x1900] =	vst v0;
	v63 =	vadd.s32 $0xFFFFFFFF, v3  }
0x2e: {  	[tilespmem:s6+$0x2580] =	vst v63  }
0x2f: {  	[tilespmem:s23], [sflag:$0x1] =	stream.indirect.gather [hbm4b:s8+s22], $0x40, s15, s22, $0xb8;
	[tilespmem:$0x1B420] =	vst v63  }
0x30: {  	s5 =	simm.s32 $0x2600;
	s6 =	simm.s32 $0xA200  }
0x31: {  	[tilespmem:s6], [sflag:$0x1] =	stream.indirect.gather [hbm4b:s8+s22], $0x40, s5, s22, $0xb8;
	[tilespmem:$0x1B420] =	vst v63  }
0x32: {  	s18 =	simm.s32 $0x2680;
	s14 =	simm.s32 $0xC200  }
0x33: {  	[tilespmem:s14], [sflag:$0x1] =	stream.indirect.gather [hbm4b:s8+s29], $0x40, s18, s29, $0xb8;
	[tilespmem:$0x1B420] =	vst v63  }
0x34: {  	s25 =	simm.s32 $0x26C0  }
0x35: {  	[tilespmem:s2], [sflag:$0x2] =	stream.indirect.gather [hbm4b:s8+s22], $0x40, s25, s22, $0xb8;
	[tilespmem:$0x1B420] =	vst v63  }
0x36: {  	s0 =	simm.s32 $0x2740;
	s12 =	simm.s32 $0x14200  }
0x37: {  	[tilespmem:s12], [sflag:$0x2] =	stream.indirect.gather [hbm4b:s8+s22], $0x40, s0, s22, $0xb8;
	[tilespmem:$0x1B420] =	vst v63  }
0x38: {  	s17 =	simm.s32 $0x16200;
	s15 =	simm.s32 $0x27C0  }
0x39: {  	[tilespmem:s17], [sflag:$0x2] =	stream.indirect.gather [hbm4b:s8+s29], $0x40, s15, s29, $0xb8;
	[tilespmem:$0x1B420] =	vst v63  }
0x3a: {  	_ = 	snop  }
0x3b: {  	[tilespmem:s31], [sflag:$0x5] =	stream.indirect.gather [spmem:s4], $0x10, s13, s22, $0xb8;
	[tilespmem:$0x1B420] =	vst v63  }
0x3c: {  	s18 =	simm.s32 $0xC80  }
0x3d: {  	[tilespmem:s30], [sflag:$0x5] =	stream.indirect.gather [spmem:s3], $0x10, s18, s22, $0xb8;
	[tilespmem:$0x1B420] =	vst v63  }
0x3e: {  	s25 =	simm.s32 $0x1900  }
0x3f: {  	[tilespmem:s16], [sflag:$0x5] =	stream.indirect.gather [spmem:s1], $0x20, s25, s22, $0xb8;
	[tilespmem:$0x1B420] =	vst v63  }
0x40: {  	s13 =	simm.s32 $0x3A00  }
0x41: {  	[tilespmem:s13], [sflag:$0x5] =	stream.indirect.gather [spmem:s4], $0x10, s22, s22, $0xb8;
	[tilespmem:$0x1B420] =	vst v63  }
0x42: {  	s14 =	simm.s32 $0x4E00;
	s0 =	simm.s32 $0xD00  }
0x43: {  	[tilespmem:s14], [sflag:$0x5] =	stream.indirect.gather [spmem:s3], $0x10, s0, s22, $0xb8;
	[tilespmem:$0x1B420] =	vst v63  }
0x44: {  	s15 =	simm.s32 $0x6A00;
	s0 =	simm.s32 $0x1980  }
0x45: {  	[tilespmem:s15], [sflag:$0x5] =	stream.indirect.gather [spmem:s1], $0x20, s0, s22, $0xb8;
	[tilespmem:$0x1B420] =	vst v63  }
0x46: {  	s12 =	simm.s32 $0x100;
	s17 =	simm.s32 $0x4200  }
0x47: {  	[tilespmem:s17], [sflag:$0x5] =	stream.indirect.gather [spmem:s4], $0x10, s12, s29, $0xb8;
	[tilespmem:$0x1B420] =	vst v63  }
0x48: {  	s18 =	simm.s32 $0xD80;
	s25 =	simm.s32 $0x5600  }
0x49: {  	[tilespmem:s25], [sflag:$0x5] =	stream.indirect.gather [spmem:s3], $0x10, s18, s29, $0xb8;
	[tilespmem:$0x1B420] =	vst v63  }
0x4a: {  	s5 =	simm.s32 $0x1A00;
	s12 =	simm.s32 $0x7A00  }
0x4b: {  	[tilespmem:s12], [sflag:$0x5] =	stream.indirect.gather [spmem:s1], $0x20, s5, s29, $0xb8;
	[tilespmem:$0x1B420] =	vst v63  }
0x4c: {  	_ =	swait.ge [sflag:s7], $0x800  }
0x4d: {  	[sflag:s7] =	ssyncset.done $0x0  }
0x4e: {  	[sflag:s7] =	ssyncadd.s32 $0xFFFFF800  }
0x4f: {  	_ =	swait.ge [sflag:s7], $0x800  }
0x50: {  	[sflag:s7] =	ssyncset.done $0x0  }
0x51: {  	[sflag:s7] =	ssyncadd.s32 $0xFFFFF800  }
0x52: {  	_ =	swait.ge [sflag:s7], $0x1000  }
0x53: {  	[sflag:s7] =	ssyncset.done $0x0  }
0x54: {  	[sflag:s7] =	ssyncadd.s32 $0xFFFFF000  }
0x55: {  	_ =	swait.ge [sflag:s7], $0x800  }
0x56: {  	[sflag:s7] =	ssyncset.done $0x0  }
0x57: {  	[sflag:s7] =	ssyncadd.s32 $0xFFFFF800  }
0x58: {  	_ =	swait.ge [sflag:s7], $0x800  }
0x59: {  	[sflag:s7] =	ssyncset.done $0x0  }
0x5a: {  	[sflag:s7] =	ssyncadd.s32 $0xFFFFF800  }
0x5b: {  	_ =	swait.ge [sflag:s7], $0x1000  }
0x5c: {  	[sflag:s7] =	ssyncset.done $0x0  }
0x5d: {  	[sflag:s7] =	ssyncadd.s32 $0xFFFFF000  }
0x5e: {  	_ =	swait.ge [sflag:s7], $0x400  }
0x5f: {  	[sflag:s7] =	ssyncset.done $0x0  }
0x60: {  	[sflag:s7] =	ssyncadd.s32 $0xFFFFFC00  }
0x61: {  	_ =	swait.ge [sflag:s7], $0x400  }
0x62: {  	[sflag:s7] =	ssyncset.done $0x0  }
0x63: {  	[sflag:s7] =	ssyncadd.s32 $0xFFFFFC00  }
0x64: {  	_ =	swait.ge [sflag:s7], $0x800  }
0x65: {  	[sflag:s7] =	ssyncset.done $0x0  }
0x66: {  	[sflag:s7] =	ssyncadd.s32 $0xFFFFF800  }
0x67: {  	_ =	swait.ge [sflag:s21], $0x2000  }
0x68: {  	[sflag:s21] =	ssyncset.done $0x0  }
0x69: {  	[sflag:s21] =	ssyncadd.s32 $0xFFFFE000  }
0x6a: {  	_ =	swait.ge [sflag:s21], $0x2000  }
0x6b: {  	[sflag:s21] =	ssyncset.done $0x0  }
0x6c: {  	[sflag:s21] =	ssyncadd.s32 $0xFFFFE000  }
0x6d: {  	_ =	swait.ge [sflag:s21], $0x1000  }
0x6e: {  	[sflag:s21] =	ssyncset.done $0x0  }
0x6f: {  	s17 =	rddreg [dreg:$0x13];
	[sflag:s21] =	ssyncadd.s32 $0xFFFFF000  }
0x70: {  	[hbm4b:s17+s9] =	stream.strided.scatter [tilespmem:s31], [sflag:$0x3], $0x1400, s22, s9, $0x38;
	[tilespmem:$0x1B420] =	vst v63  }
0x71: {  	s18 =	rddreg [dreg:$0x14]  }
0x72: {  	[hbm4b:s18+s9] =	stream.strided.scatter [tilespmem:s30], [sflag:$0x3], $0x1400, s22, s9, $0x38;
	[tilespmem:$0x1B420] =	vst v63  }
0x73: {  	s25 =	rddreg [dreg:$0x15]  }
0x74: {  	[hbm4b:s25+s10] =	stream.strided.scatter [tilespmem:s16], [sflag:$0x3], $0x2800, s22, s10, $0x38;
	[tilespmem:$0x1B420] =	vst v63  }
0x75: {  	s0 =	rddreg [dreg:$0x16]  }
0x76: {  	[hbm4b:s0+s29] =	stream.strided.scatter [tilespmem:s23], [sflag:$0x3], $0x5000, s22, s29, $0x38;
	[tilespmem:$0x1B420] =	vst v63  }
0x77: {  	_ =	swait.ge [sflag:s11], $0x1400  }
0x78: {  	[sflag:s11] =	ssyncset.done $0x0  }
0x79: {  	[sflag:s11] =	ssyncadd.s32 $0xFFFFEC00  }
0x7a: {  	_ =	swait.ge [sflag:s11], $0x1400  }
0x7b: {  	[sflag:s11] =	ssyncset.done $0x0  }
0x7c: {  	[sflag:s11] =	ssyncadd.s32 $0xFFFFEC00  }
0x7d: {  	_ =	swait.ge [sflag:s11], $0x2800  }
0x7e: {  	[sflag:s11] =	ssyncset.done $0x0  }
0x7f: {  	[sflag:s11] =	ssyncadd.s32 $0xFFFFD800  }
0x80: {  	_ =	swait.ge [sflag:s11], $0x5000  }
0x81: {  	[sflag:s11] =	ssyncset.done $0x0  }
0x82: {  	s5 =	simm.s32 $0x2800;
	[sflag:s11] =	ssyncadd.s32 $0xFFFFB000  }
0x83: {  	[tilespmem:s23], [sflag:$0x1] =	stream.indirect.gather [hbm4b:s8+s22], $0x40, s5, s22, $0xb8;
	[tilespmem:$0x1B420] =	vst v63  }
0x84: {  	s12 =	simm.s32 $0x2880  }
0x85: {  	[tilespmem:s6], [sflag:$0x1] =	stream.indirect.gather [hbm4b:s8+s10], $0x40, s12, s10, $0xb8;
	[tilespmem:$0x1B420] =	vst v63  }
0x86: {  	s17 =	simm.s32 $0x140  }
0x87: {  	[tilespmem:s24], [sflag:$0x5] =	stream.indirect.gather [spmem:s4], $0x10, s17, s22, $0xb8;
	[tilespmem:$0x1B420] =	vst v63  }
0x88: {  	s18 =	simm.s32 $0xDC0  }
0x89: {  	[tilespmem:s28], [sflag:$0x5] =	stream.indirect.gather [spmem:s3], $0x10, s18, s22, $0xb8;
	[tilespmem:$0x1B420] =	vst v63  }
0x8a: {  	s25 =	simm.s32 $0x1A40  }
0x8b: {  	[tilespmem:s20], [sflag:$0x5] =	stream.indirect.gather [spmem:s1], $0x20, s25, s22, $0xb8;
	[tilespmem:$0x1B420] =	vst v63  }
0x8c: {  	s5 =	simm.s32 $0x1C0;
	s6 =	simm.s32 $0xDA00  }
0x8d: {  	[tilespmem:s6], [sflag:$0x5] =	stream.indirect.gather [spmem:s4], $0x10, s5, s22, $0xb8;
	[tilespmem:$0x1B420] =	vst v63  }
0x8e: {  	s12 =	simm.s32 $0xE40;
	s17 =	simm.s32 $0xEE00  }
0x8f: {  	[tilespmem:s17], [sflag:$0x5] =	stream.indirect.gather [spmem:s3], $0x10, s12, s22, $0xb8;
	[tilespmem:$0x1B420] =	vst v63  }
0x90: {  	s18 =	simm.s32 $0x1AC0;
	s25 =	simm.s32 $0x10A00  }
0x91: {  	[tilespmem:s25], [sflag:$0x5] =	stream.indirect.gather [spmem:s1], $0x20, s18, s22, $0xb8;
	[tilespmem:$0x1B420] =	vst v63  }
0x92: {  	s5 =	simm.s32 $0x240;
	s6 =	simm.s32 $0xE200  }
0x93: {  	[tilespmem:s6], [sflag:$0x5] =	stream.indirect.gather [spmem:s4], $0x10, s5, s29, $0xb8;
	[tilespmem:$0x1B420] =	vst v63  }
0x94: {  	s12 =	simm.s32 $0xEC0;
	s17 =	simm.s32 $0xF600  }
0x95: {  	[tilespmem:s17], [sflag:$0x5] =	stream.indirect.gather [spmem:s3], $0x10, s12, s29, $0xb8;
	[tilespmem:$0x1B420] =	vst v63  }
0x96: {  	s18 =	simm.s32 $0x1B40;
	s25 =	simm.s32 $0x11A00  }
0x97: {  	[tilespmem:s25], [sflag:$0x5] =	stream.indirect.gather [spmem:s1], $0x20, s18, s29, $0xb8;
	[tilespmem:$0x1B420] =	vst v63  }
0x98: {  	_ =	swait.ge [sflag:s7], $0x800  }
0x99: {  	[sflag:s7] =	ssyncset.done $0x0  }
0x9a: {  	[sflag:s7] =	ssyncadd.s32 $0xFFFFF800  }
0x9b: {  	_ =	swait.ge [sflag:s7], $0x800  }
0x9c: {  	[sflag:s7] =	ssyncset.done $0x0  }
0x9d: {  	[sflag:s7] =	ssyncadd.s32 $0xFFFFF800  }
0x9e: {  	_ =	swait.ge [sflag:s7], $0x1000  }
0x9f: {  	[sflag:s7] =	ssyncset.done $0x0  }
0xa0: {  	[sflag:s7] =	ssyncadd.s32 $0xFFFFF000  }
0xa1: {  	_ =	swait.ge [sflag:s7], $0x800  }
0xa2: {  	[sflag:s7] =	ssyncset.done $0x0  }
0xa3: {  	[sflag:s7] =	ssyncadd.s32 $0xFFFFF800  }
0xa4: {  	_ =	swait.ge [sflag:s7], $0x800  }
0xa5: {  	[sflag:s7] =	ssyncset.done $0x0  }
0xa6: {  	[sflag:s7] =	ssyncadd.s32 $0xFFFFF800  }
0xa7: {  	_ =	swait.ge [sflag:s7], $0x1000  }
0xa8: {  	[sflag:s7] =	ssyncset.done $0x0  }
0xa9: {  	[sflag:s7] =	ssyncadd.s32 $0xFFFFF000  }
0xaa: {  	_ =	swait.ge [sflag:s7], $0x400  }
0xab: {  	[sflag:s7] =	ssyncset.done $0x0  }
0xac: {  	[sflag:s7] =	ssyncadd.s32 $0xFFFFFC00  }
0xad: {  	_ =	swait.ge [sflag:s7], $0x400  }
0xae: {  	[sflag:s7] =	ssyncset.done $0x0  }
0xaf: {  	[sflag:s7] =	ssyncadd.s32 $0xFFFFFC00  }
0xb0: {  	_ =	swait.ge [sflag:s7], $0x800  }
0xb1: {  	[sflag:s7] =	ssyncset.done $0x0  }
0xb2: {  	[sflag:s7] =	ssyncadd.s32 $0xFFFFF800  }
0xb3: {  	_ =	swait.ge [sflag:s19], $0x2000  }
0xb4: {  	[sflag:s19] =	ssyncset.done $0x0  }
0xb5: {  	[sflag:s19] =	ssyncadd.s32 $0xFFFFE000  }
0xb6: {  	_ =	swait.ge [sflag:s19], $0x2000  }
0xb7: {  	[sflag:s19] =	ssyncset.done $0x0  }
0xb8: {  	[sflag:s19] =	ssyncadd.s32 $0xFFFFE000  }
0xb9: {  	_ =	swait.ge [sflag:s19], $0x1000  }
0xba: {  	[sflag:s19] =	ssyncset.done $0x0  }
0xbb: {  	s0 =	rddreg [dreg:$0x18];
	[sflag:s19] =	ssyncadd.s32 $0xFFFFF000  }
0xbc: {  	[hbm4b:s0+s9] =	stream.strided.scatter [tilespmem:s24], [sflag:$0x4], $0x1400, s22, s9, $0x38;
	[tilespmem:$0x1B420] =	vst v63  }
0xbd: {  	s6 =	rddreg [dreg:$0x19]  }
0xbe: {  	[hbm4b:s6+s9] =	stream.strided.scatter [tilespmem:s28], [sflag:$0x4], $0x1400, s22, s9, $0x38;
	[tilespmem:$0x1B420] =	vst v63  }
0xbf: {  	s12 =	rddreg [dreg:$0x1b]  }
0xc0: {  	[hbm4b:s12+s10] =	stream.strided.scatter [tilespmem:s20], [sflag:$0x4], $0x2800, s22, s10, $0x38;
	[tilespmem:$0x1B420] =	vst v63  }
0xc1: {  	s17 =	rddreg [dreg:$0x1c]  }
0xc2: {  	[hbm4b:s17+s29] =	stream.strided.scatter [tilespmem:s2], [sflag:$0x4], $0x5000, s22, s29, $0x38;
	[tilespmem:$0x1B420] =	vst v63  }
0xc3: {  	_ =	swait.ge [sflag:s26], $0x1400  }
0xc4: {  	[sflag:s26] =	ssyncset.done $0x0  }
0xc5: {  	[sflag:s26] =	ssyncadd.s32 $0xFFFFEC00  }
0xc6: {  	_ =	swait.ge [sflag:s26], $0x1400  }
0xc7: {  	[sflag:s26] =	ssyncset.done $0x0  }
0xc8: {  	[sflag:s26] =	ssyncadd.s32 $0xFFFFEC00  }
0xc9: {  	_ =	swait.ge [sflag:s26], $0x2800  }
0xca: {  	[sflag:s26] =	ssyncset.done $0x0  }
0xcb: {  	[sflag:s26] =	ssyncadd.s32 $0xFFFFD800  }
0xcc: {  	_ =	swait.ge [sflag:s26], $0x5000  }
0xcd: {  	[sflag:s26] =	ssyncset.done $0x0  }
0xce: {  	s18 =	simm.s32 $0x280;
	[sflag:s26] =	ssyncadd.s32 $0xFFFFB000  }
0xcf: {  	[tilespmem:s31], [sflag:$0x5] =	stream.indirect.gather [spmem:s4], $0x10, s18, s22, $0xb8;
	[tilespmem:$0x1B420] =	vst v63  }
0xd0: {  	s25 =	simm.s32 $0xF00  }
0xd1: {  	[tilespmem:s30], [sflag:$0x5] =	stream.indirect.gather [spmem:s3], $0x10, s25, s22, $0xb8;
	[tilespmem:$0x1B420] =	vst v63  }
0xd2: {  	s5 =	simm.s32 $0x1B80  }
0xd3: {  	[tilespmem:s16], [sflag:$0x5] =	stream.indirect.gather [spmem:s1], $0x20, s5, s22, $0xb8;
	[tilespmem:$0x1B420] =	vst v63  }
0xd4: {  	s6 =	simm.s32 $0x300  }
0xd5: {  	[tilespmem:s13], [sflag:$0x5] =	stream.indirect.gather [spmem:s4], $0x10, s6, s10, $0xb8;
	[tilespmem:$0x1B420] =	vst v63  }
0xd6: {  	s12 =	simm.s32 $0xF80  }
0xd7: {  	[tilespmem:s14], [sflag:$0x5] =	stream.indirect.gather [spmem:s3], $0x10, s12, s10, $0xb8;
	[tilespmem:$0x1B420] =	vst v63  }
0xd8: {  	s13 =	simm.s32 $0x1C00  }
0xd9: {  	[tilespmem:s15], [sflag:$0x5] =	stream.indirect.gather [spmem:s1], $0x20, s13, s10, $0xb8;
	[tilespmem:$0x1B420] =	vst v63  }
0xda: {  	_ =	swait.ge [sflag:s7], $0x800  }
0xdb: {  	[sflag:s7] =	ssyncset.done $0x0  }
0xdc: {  	[sflag:s7] =	ssyncadd.s32 $0xFFFFF800  }
0xdd: {  	_ =	swait.ge [sflag:s7], $0x800  }
0xde: {  	[sflag:s7] =	ssyncset.done $0x0  }
0xdf: {  	[sflag:s7] =	ssyncadd.s32 $0xFFFFF800  }
0xe0: {  	_ =	swait.ge [sflag:s7], $0x1000  }
0xe1: {  	[sflag:s7] =	ssyncset.done $0x0  }
0xe2: {  	[sflag:s7] =	ssyncadd.s32 $0xFFFFF000  }
0xe3: {  	_ =	swait.ge [sflag:s7], $0x200  }
0xe4: {  	[sflag:s7] =	ssyncset.done $0x0  }
0xe5: {  	[sflag:s7] =	ssyncadd.s32 $0xFFFFFE00  }
0xe6: {  	_ =	swait.ge [sflag:s7], $0x200  }
0xe7: {  	[sflag:s7] =	ssyncset.done $0x0  }
0xe8: {  	[sflag:s7] =	ssyncadd.s32 $0xFFFFFE00  }
0xe9: {  	_ =	swait.ge [sflag:s7], $0x400  }
0xea: {  	[sflag:s7] =	ssyncset.done $0x0  }
0xeb: {  	[sflag:s7] =	ssyncadd.s32 $0xFFFFFC00  }
0xec: {  	_ =	swait.ge [sflag:s21], $0x2000  }
0xed: {  	[sflag:s21] =	ssyncset.done $0x0  }
0xee: {  	[sflag:s21] =	ssyncadd.s32 $0xFFFFE000  }
0xef: {  	_ =	swait.ge [sflag:s21], $0x800  }
0xf0: {  	[sflag:s21] =	ssyncset.done $0x0;
	s14 =	rddreg [dreg:$0x1d]  }
0xf1: {  	s15 =	rddreg [dreg:$0x1e];
	[sflag:s21] =	ssyncadd.s32 $0xFFFFF800  }
0xf2: {  	[hbm4b:s14+s9] =	stream.strided.scatter [tilespmem:s31], [sflag:$0x3], $0xA00, s22, s9, $0x38;
	[tilespmem:$0x1B420] =	vst v63  }
0xf3: {  	s18 =	rddreg [dreg:$0x1f]  }
0xf4: {  	[hbm4b:s15+s9] =	stream.strided.scatter [tilespmem:s30], [sflag:$0x3], $0xA00, s22, s9, $0x38;
	[tilespmem:$0x1B420] =	vst v63  }
0xf5: {  	s25 =	sld [smem:$0x7FA]  }
0xf6: {  	[hbm4b:s18+s10] =	stream.strided.scatter [tilespmem:s16], [sflag:$0x3], $0x1400, s22, s10, $0x38;
	[tilespmem:$0x1B420] =	vst v63  }
0xf7: {  	_ = 	snop  }
0xf8: {  	[hbm4b:s25+s29] =	stream.strided.scatter [tilespmem:s23], [sflag:$0x3], $0x2800, s22, s29, $0x38;
	[tilespmem:$0x1B420] =	vst v63  }
0xf9: {  	_ =	swait.ge [sflag:s11], $0xA00  }
0xfa: {  	[sflag:s11] =	ssyncset.done $0x0  }
0xfb: {  	[sflag:s11] =	ssyncadd.s32 $0xFFFFF600  }
0xfc: {  	_ =	swait.ge [sflag:s11], $0xA00  }
0xfd: {  	[sflag:s11] =	ssyncset.done $0x0  }
0xfe: {  	[sflag:s11] =	ssyncadd.s32 $0xFFFFF600  }
0xff: {  	_ =	swait.ge [sflag:s11], $0x1400  }
0x100: {  	[sflag:s11] =	ssyncset.done $0x0  }
0x101: {  	[sflag:s11] =	ssyncadd.s32 $0xFFFFEC00  }
0x102: {  	_ =	swait.ge [sflag:s11], $0x2800  }
0x103: {  	s0 =	simm.s32 $0x4E00;
	[sflag:s11] =	ssyncset.done $0x0  }
0x104: {  	s17 =	simm.s32 $0x3A00;
	s12 =	simm.s32 $0x6A00;
	[sflag:s11] =	ssyncadd.s32 $0xFFFFD800  }
.LBB2_10:
0x105: {  	s6 =	sld [smem:$0x7F9]  }
0x106: {  	s5 =	sld [smem:$0x7FB];
	_ =	sdelay $0x1  }
0x107: {  	s6 =	sadd.s32 $0x1, s6  }
0x108: {  	p3 =	sne.s32 s6, s5  }
.Ltmp1:
0x109: {  	_ = 	snop;
	(pc) =	sbr.rel @!p3 .LBB2_11-.Ltmp1, $2  }
0x10a: {  	_ =	sdelay $0x2  }
0x10b: {  	s15 =	simm.s32 $0x2580  }
.LBB2_1:
0x10c: {  	[smem:$0x7F9] =	sst s6  }
0x10d: {  	s5 =	simm.s32 $0x0;
	s25 =	rddreg [dreg:$0x8];
	s14 =	simm.s32 $0x6  }
0x10e: {  	[tilespmem:s16], [sflag:$0x6] =	stream.linear.gather [hbm4b:s25+s5], $0x2000, $0x38;
	[tilespmem:$0x1B420] =	vst v63  }
0x10f: {  	_ =	swait.ge [sflag:s14], $0x2000  }
0x110: {  	[sflag:s14] =	ssyncset.done $0x0  }
0x111: {  	s13 =	rddreg [dreg:$0x17];
	[sflag:s14] =	ssyncadd.s32 $0xFFFFE000  }
0x112: {  	[spmem:s13] =	stream.linear.scatter [tilespmem:s16], [sflag:$0x6], $0x2000, $0x38;
	[tilespmem:$0x1B420] =	vst v63  }
0x113: {  	_ =	swait.ge [sflag:s14], $0x2000  }
0x114: {  	[sflag:s14] =	ssyncset.done $0x0  }
0x115: {  	s18 =	rddreg [dreg:$0x9];
	[sflag:s14] =	ssyncadd.s32 $0xFFFFE000  }
0x116: {  	[tilespmem:s16], [sflag:$0x6] =	stream.linear.gather [hbm4b:s18+s5], $0x2000, $0x38;
	[tilespmem:$0x1B420] =	vst v63  }
0x117: {  	_ =	swait.ge [sflag:s14], $0x2000  }
0x118: {  	[sflag:s14] =	ssyncset.done $0x0  }
0x119: {  	s25 =	rddreg [dreg:$0x1a];
	[sflag:s14] =	ssyncadd.s32 $0xFFFFE000  }
0x11a: {  	[spmem:s25] =	stream.linear.scatter [tilespmem:s16], [sflag:$0x6], $0x2000, $0x38;
	[tilespmem:$0x1B420] =	vst v63  }
0x11b: {  	_ =	swait.ge [sflag:s14], $0x2000  }
0x11c: {  	s6 =	simm.s32 @p1 $0x0;
	[sflag:s14] =	ssyncset.done $0x0  }
0x11d: {  	s5 =	rddreg [dreg:$0x6];
	[sflag:s14] =	ssyncadd.s32 $0xFFFFE000;
	s14 =	simm.s32 @p1 $0x3200  }
0x11e: {  	[tilespmem:s14], [sflag:$0x6] =	stream.linear.gather @p1 [hbm4b:s5+s6], $0x200, $0x38;
	[tilespmem:$0x1B420] =	vst v63  }
0x11f: {  	s6 =	simm.s32 @p1 $0x6  }
0x120: {  	_ =	swait.ge @p1 [sflag:s6], $0x200  }
0x121: {  	[sflag:s6] =	ssyncset.done @p1 $0x0  }
0x122: {  	[sflag:s6] =	ssyncadd.s32 @p1 $0xFFFFFE00  }
0x123: {  	[spmem:s4] =	stream.linear.scatter @p1 [tilespmem:s14], [sflag:$0x6], $0x200, $0x38;
	[tilespmem:$0x1B420] =	vst v63  }
0x124: {  	_ =	swait.ge @p1 [sflag:s6], $0x200  }
0x125: {  	s25 =	simm.s32 @!p2 $0x6;
	s14 =	simm.s32 @!p2 $0x3200;
	[sflag:s6] =	ssyncset.done @p1 $0x0  }
0x126: {  	s5 =	rddreg [dreg:$0x7];
	[sflag:s6] =	ssyncadd.s32 @p1 $0xFFFFFE00;
	s6 =	simm.s32 @!p2 $0x0  }
0x127: {  	[tilespmem:s14], [sflag:$0x6] =	stream.linear.gather @!p2 [hbm4b:s5+s6], $0x1000, $0x38;
	[tilespmem:$0x1B420] =	vst v63  }
0x128: {  	_ =	swait.ge @!p2 [sflag:s25], $0x1000  }
0x129: {  	[sflag:s25] =	ssyncset.done @!p2 $0x0  }
0x12a: {  	[sflag:s25] =	ssyncadd.s32 @!p2 $0xFFFFF000  }
0x12b: {  	[spmem:s3] =	stream.linear.scatter @!p2 [tilespmem:s14], [sflag:$0x6], $0x1000, $0x38;
	[tilespmem:$0x1B420] =	vst v63  }
0x12c: {  	_ =	swait.ge @!p2 [sflag:s25], $0x1000  }
0x12d: {  	[sflag:s25] =	ssyncset.done @!p2 $0x0  }
0x12e: {  	s5 =	rddreg [dreg:$0xa];
	[sflag:s25] =	ssyncadd.s32 @!p2 $0xFFFFF000  }
0x12f: {  	[tilespmem:s14], [sflag:$0x6] =	stream.linear.gather @!p2 [hbm4b:s5+s6], $0x1000, $0x38;
	[tilespmem:$0x1B420] =	vst v63  }
0x130: {  	_ =	swait.ge @!p2 [sflag:s25], $0x1000  }
0x131: {  	s5 =	sld [smem:$0x7FD]  }
0x132: {  	[sflag:s25] =	ssyncset.done @!p2 $0x0  }
0x133: {  	[sflag:s25] =	ssyncadd.s32 @!p2 $0xFFFFF000  }
0x134: {  	[spmem:s5] =	stream.linear.scatter @!p2 [tilespmem:s14], [sflag:$0x6], $0x1000, $0x38;
	[tilespmem:$0x1B420] =	vst v63  }
.Ltmp2:
0x135: {  	_ =	swait.ge @!p2 [sflag:s25], $0x1000;
	(pc) =	sbr.rel @!p0 .LBB2_2-.Ltmp2, $4  }
0x136: {  	[sflag:s25] =	ssyncset.done @!p2 $0x0  }
0x137: {  	[sflag:s25] =	ssyncadd.s32 @!p2 $0xFFFFF000  }
0x138: {  	[bflag:$0x0] =	sbarrier.arrive $0xFFFF  }
0x139: {  	s13 =	simm.s32 $0x0  }
0x13a: {  	s5 =	simm.s32 $0x0;
	s6 =	rddreg [dreg:$0xf]  }
0x13b: {  	[tilespmem:s5], [sflag:$0x1] =	stream.linear.gather [hbm4b:s6+s5], $0x320, $0x38;
	[tilespmem:$0x1B420] =	vst v63  }
0x13c: {  	s12 =	rddreg [dreg:$0x10];
	s14 =	simm.s32 $0xC80  }
0x13d: {  	[tilespmem:s14], [sflag:$0x1] =	stream.linear.gather [hbm4b:s12+s5], $0x320, $0x38;
	[tilespmem:$0x1B420] =	vst v63  }
0x13e: {  	s17 =	rddreg [dreg:$0x11];
	s18 =	simm.s32 $0x1900  }
0x13f: {  	[tilespmem:s18], [sflag:$0x1] =	stream.linear.gather [hbm4b:s17+s5], $0x320, $0x38;
	[tilespmem:$0x1B420] =	vst v63  }
0x140: {  	s25 =	rddreg [dreg:$0x12]  }
0x141: {  	[tilespmem:s15], [sflag:$0x1] =	stream.linear.gather [hbm4b:s25+s5], $0x320, $0x38;
	[tilespmem:$0x1B420] =	vst v63  }
0x142: {  	_ =	swait.ge [sflag:s21], $0x320  }
0x143: {  	[sflag:s21] =	ssyncset.done $0x0  }
0x144: {  	[sflag:s21] =	ssyncadd.s32 $0xFFFFFCE0  }
0x145: {  	_ =	swait.ge [sflag:s21], $0x320  }
0x146: {  	[sflag:s21] =	ssyncset.done $0x0  }
0x147: {  	[sflag:s21] =	ssyncadd.s32 $0xFFFFFCE0  }
0x148: {  	_ =	swait.ge [sflag:s21], $0x320  }
0x149: {  	[sflag:s21] =	ssyncset.done $0x0  }
0x14a: {  	[sflag:s21] =	ssyncadd.s32 $0xFFFFFCE0  }
0x14b: {  	_ =	swait.ge [sflag:s21], $0x320  }
0x14c: {  	[sflag:s21] =	ssyncset.done $0x0  }
0x14d: {  	s6 =	simm.s32 $0x0;
	[sflag:s21] =	ssyncadd.s32 $0xFFFFFCE0  }
0x14e: {  	v2 =	vld [tilespmem:s6+$0x0]  }
0x14f: {  	v1 =	vld [tilespmem:s6+$0xC80]  }
0x150: {  	s14 =	simm.s32 $0x40;
	v0 =	vld [tilespmem:s6+$0x1900]  }
.LBB2_8:
0x151: {  	p3 =	sne.s32 s14, $0xC40;
	v3 =	vld [tilespmem:s6+$0x2580];
	_ =	sdelay $0x1  }
.Ltmp3:
0x152: {  	v2 =	vadd.s32 $0xFFFFFFFF, v2;
	(pc) =	sbr.rel @p3 .LBB2_8-.Ltmp3, $4  }
0x153: {  	s5 =	sshra.s32 s14, $0x2;
	v1 =	vadd.s32 $0xFFFFFFFF, v1;
	[tilespmem:s6+$0x0] =	vst v2  }
0x154: {  	v0 =	vadd.s32 $0xFFFFFFFF, v0;
	v2 =	vld [tilespmem:s5+$0x0];
	[tilespmem:s6+$0xC80] =	vst v1  }
0x155: {  	v1 =	vld [tilespmem:s5+$0xC80];
	[tilespmem:s6+$0x1900] =	vst v0;
	v3 =	vadd.s32 $0xFFFFFFFF, v3  }
0x156: {  	s14 =	sadd.s32 $0x40, s14;
	v0 =	vld [tilespmem:s5+$0x1900];
	[tilespmem:s6+$0x2580] =	vst v3;
	s6 =	smov.u32 s5  }
.Ltmp4:
0x157: {  	_ = 	snop;
	(pc) =	sbr.rel .LBB2_9-.Ltmp4, $1  }
0x158: {  	_ =	sdelay $0x3  }
.LBB2_2:
0x159: {  	s6 =	simm.s32 $0x0;
	s5 =	rddreg [dreg:$0xb]  }
0x15a: {  	[tilespmem:s6], [sflag:$0x1] =	stream.linear.gather [hbm4b:s5+s6], $0xC80, $0x38;
	[tilespmem:$0x1B420] =	vst v63  }
0x15b: {  	s25 =	rddreg [dreg:$0xc];
	s13 =	simm.s32 $0xC80  }
0x15c: {  	[tilespmem:s13], [sflag:$0x1] =	stream.linear.gather [hbm4b:s25+s6], $0xC80, $0x38;
	[tilespmem:$0x1B420] =	vst v63  }
0x15d: {  	s14 =	rddreg [dreg:$0xd];
	s18 =	simm.s32 $0x1900  }
0x15e: {  	[tilespmem:s18], [sflag:$0x1] =	stream.linear.gather [hbm4b:s14+s6], $0xC80, $0x38;
	[tilespmem:$0x1B420] =	vst v63  }
0x15f: {  	s25 =	rddreg [dreg:$0xe]  }
0x160: {  	[tilespmem:s15], [sflag:$0x1] =	stream.linear.gather [hbm4b:s25+s6], $0xC80, $0x38;
	[tilespmem:$0x1B420] =	vst v63  }
0x161: {  	_ =	swait.ge [sflag:s21], $0xC80  }
0x162: {  	[sflag:s21] =	ssyncset.done $0x0  }
0x163: {  	[sflag:s21] =	ssyncadd.s32 $0xFFFFF380  }
0x164: {  	_ =	swait.ge [sflag:s21], $0xC80  }
0x165: {  	[sflag:s21] =	ssyncset.done $0x0  }
0x166: {  	[sflag:s21] =	ssyncadd.s32 $0xFFFFF380  }
0x167: {  	_ =	swait.ge [sflag:s21], $0xC80  }
0x168: {  	[sflag:s21] =	ssyncset.done $0x0  }
0x169: {  	[sflag:s21] =	ssyncadd.s32 $0xFFFFF380  }
0x16a: {  	_ =	swait.ge [sflag:s21], $0xC80  }
0x16b: {  	[sflag:s21] =	ssyncset.done $0x0  }
0x16c: {  	s6 =	simm.s32 $0x0;
	[sflag:s21] =	ssyncadd.s32 $0xFFFFF380  }
0x16d: {  	v2 =	vld [tilespmem:s6+$0x0]  }
0x16e: {  	v1 =	vld [tilespmem:s6+$0xC80]  }
0x16f: {  	s14 =	simm.s32 $0x40;
	v0 =	vld [tilespmem:s6+$0x1900]  }
.LBB2_3:
0x170: {  	p3 =	sne.s32 s14, $0x31C0;
	v3 =	vld [tilespmem:s6+$0x2580];
	_ =	sdelay $0x1  }
.Ltmp5:
0x171: {  	v2 =	vadd.s32 $0xFFFFFFFF, v2;
	(pc) =	sbr.rel @p3 .LBB2_3-.Ltmp5, $4  }
0x172: {  	s25 =	sshra.s32 s14, $0x2;
	[tilespmem:s6+$0x0] =	vst v2;
	v1 =	vadd.s32 $0xFFFFFFFF, v1  }
0x173: {  	v2 =	vld [tilespmem:s25+$0x0];
	[tilespmem:s6+$0xC80] =	vst v1;
	v0 =	vadd.s32 $0xFFFFFFFF, v0  }
0x174: {  	v1 =	vld [tilespmem:s25+$0xC80];
	[tilespmem:s6+$0x1900] =	vst v0;
	v3 =	vadd.s32 $0xFFFFFFFF, v3  }
0x175: {  	s14 =	sadd.s32 $0x40, s14;
	v0 =	vld [tilespmem:s25+$0x1900];
	[tilespmem:s6+$0x2580] =	vst v3;
	s6 =	smov.u32 s25  }
0x176: {  	v3 =	vld [tilespmem:s6+$0x2580];
	_ =	sdelay $0x1  }
0x177: {  	v2 =	vadd.s32 $0xFFFFFFFF, v2  }
0x178: {  	[tilespmem:s6+$0x0] =	vst v2;
	v1 =	vadd.s32 $0xFFFFFFFF, v1  }
0x179: {  	[tilespmem:s6+$0xC80] =	vst v1;
	v0 =	vadd.s32 $0xFFFFFFFF, v0  }
0x17a: {  	[tilespmem:s6+$0x1900] =	vst v0;
	v63 =	vadd.s32 $0xFFFFFFFF, v3  }
0x17b: {  	[tilespmem:s6+$0x2580] =	vst v63  }
0x17c: {  	[tilespmem:s23], [sflag:$0x1] =	stream.indirect.gather [hbm4b:s8+s22], $0x40, s15, s22, $0xb8;
	[tilespmem:$0x1B420] =	vst v63  }
0x17d: {  	s5 =	simm.s32 $0x2600;
	s15 =	simm.s32 $0xA200  }
0x17e: {  	[tilespmem:s15], [sflag:$0x1] =	stream.indirect.gather [hbm4b:s8+s22], $0x40, s5, s22, $0xb8;
	[tilespmem:$0x1B420] =	vst v63  }
0x17f: {  	s18 =	simm.s32 $0x2680;
	s25 =	simm.s32 $0xC200  }
0x180: {  	[tilespmem:s25], [sflag:$0x1] =	stream.indirect.gather [hbm4b:s8+s29], $0x40, s18, s29, $0xb8;
	[tilespmem:$0x1B420] =	vst v63  }
0x181: {  	s13 =	simm.s32 $0x26C0  }
0x182: {  	[tilespmem:s2], [sflag:$0x2] =	stream.indirect.gather [hbm4b:s8+s22], $0x40, s13, s22, $0xb8;
	[tilespmem:$0x1B420] =	vst v63  }
0x183: {  	s14 =	simm.s32 $0x2740;
	s15 =	simm.s32 $0x14200  }
0x184: {  	[tilespmem:s15], [sflag:$0x2] =	stream.indirect.gather [hbm4b:s8+s22], $0x40, s14, s22, $0xb8;
	[tilespmem:$0x1B420] =	vst v63  }
0x185: {  	s18 =	simm.s32 $0x27C0;
	s25 =	simm.s32 $0x16200  }
0x186: {  	[tilespmem:s25], [sflag:$0x2] =	stream.indirect.gather [hbm4b:s8+s29], $0x40, s18, s29, $0xb8;
	[tilespmem:$0x1B420] =	vst v63  }
0x187: {  	s6 =	simm.s32 $0x0;
	s25 =	sld [smem:$0x7FC]  }
.LBB2_5:
0x188: {  	s14 =	sshra.s32 s6, $0x2  }
0x189: {  	[tilespmem:s31], [sflag:$0x5] =	stream.indirect.gather [spmem:s4], $0x10, s14, s22, $0xb8;
	[tilespmem:$0x1B420] =	vst v63  }
0x18a: {  	s18 =	sadd.s32 $0xC80, s14  }
0x18b: {  	[tilespmem:s30], [sflag:$0x5] =	stream.indirect.gather [spmem:s3], $0x10, s18, s22, $0xb8;
	[tilespmem:$0x1B420] =	vst v63  }
0x18c: {  	s13 =	sadd.s32 $0x1900, s14  }
0x18d: {  	[tilespmem:s16], [sflag:$0x5] =	stream.indirect.gather [spmem:s1], $0x20, s13, s22, $0xb8;
	[tilespmem:$0x1B420] =	vst v63  }
0x18e: {  	s15 =	sadd.s32 $0x80, s14  }
0x18f: {  	[tilespmem:s17], [sflag:$0x5] =	stream.indirect.gather [spmem:s4], $0x10, s15, s22, $0xb8;
	[tilespmem:$0x1B420] =	vst v63  }
0x190: {  	s5 =	sadd.s32 $0xD00, s14  }
0x191: {  	[tilespmem:s0], [sflag:$0x5] =	stream.indirect.gather [spmem:s3], $0x10, s5, s22, $0xb8;
	[tilespmem:$0x1B420] =	vst v63  }
0x192: {  	s13 =	sadd.s32 $0x1980, s14  }
0x193: {  	[tilespmem:s12], [sflag:$0x5] =	stream.indirect.gather [spmem:s1], $0x20, s13, s22, $0xb8;
	[tilespmem:$0x1B420] =	vst v63  }
0x194: {  	s15 =	sadd.s32 $0x100, s14;
	s5 =	simm.s32 $0x4200  }
0x195: {  	[tilespmem:s5], [sflag:$0x5] =	stream.indirect.gather [spmem:s4], $0x10, s15, s29, $0xb8;
	[tilespmem:$0x1B420] =	vst v63  }
0x196: {  	s13 =	sadd.s32 $0xD80, s14;
	s15 =	simm.s32 $0x5600  }
0x197: {  	[tilespmem:s15], [sflag:$0x5] =	stream.indirect.gather [spmem:s3], $0x10, s13, s29, $0xb8;
	[tilespmem:$0x1B420] =	vst v63  }
0x198: {  	s13 =	sadd.s32 $0x1A00, s14;
	s15 =	simm.s32 $0x7A00  }
0x199: {  	[tilespmem:s15], [sflag:$0x5] =	stream.indirect.gather [spmem:s1], $0x20, s13, s29, $0xb8;
	[tilespmem:$0x1B420] =	vst v63  }
0x19a: {  	_ =	swait.ge [sflag:s7], $0x800  }
0x19b: {  	[sflag:s7] =	ssyncset.done $0x0  }
0x19c: {  	[sflag:s7] =	ssyncadd.s32 $0xFFFFF800  }
0x19d: {  	_ =	swait.ge [sflag:s7], $0x800  }
0x19e: {  	[sflag:s7] =	ssyncset.done $0x0  }
0x19f: {  	[sflag:s7] =	ssyncadd.s32 $0xFFFFF800  }
0x1a0: {  	_ =	swait.ge [sflag:s7], $0x1000  }
0x1a1: {  	[sflag:s7] =	ssyncset.done $0x0  }
0x1a2: {  	[sflag:s7] =	ssyncadd.s32 $0xFFFFF000  }
0x1a3: {  	_ =	swait.ge [sflag:s7], $0x800  }
0x1a4: {  	[sflag:s7] =	ssyncset.done $0x0  }
0x1a5: {  	[sflag:s7] =	ssyncadd.s32 $0xFFFFF800  }
0x1a6: {  	_ =	swait.ge [sflag:s7], $0x800  }
0x1a7: {  	[sflag:s7] =	ssyncset.done $0x0  }
0x1a8: {  	[sflag:s7] =	ssyncadd.s32 $0xFFFFF800  }
0x1a9: {  	_ =	swait.ge [sflag:s7], $0x1000  }
0x1aa: {  	[sflag:s7] =	ssyncset.done $0x0  }
0x1ab: {  	[sflag:s7] =	ssyncadd.s32 $0xFFFFF000  }
0x1ac: {  	_ =	swait.ge [sflag:s7], $0x400  }
0x1ad: {  	[sflag:s7] =	ssyncset.done $0x0  }
0x1ae: {  	[sflag:s7] =	ssyncadd.s32 $0xFFFFFC00  }
0x1af: {  	_ =	swait.ge [sflag:s7], $0x400  }
0x1b0: {  	[sflag:s7] =	ssyncset.done $0x0  }
0x1b1: {  	[sflag:s7] =	ssyncadd.s32 $0xFFFFFC00  }
0x1b2: {  	_ =	swait.ge [sflag:s7], $0x800  }
0x1b3: {  	[sflag:s7] =	ssyncset.done $0x0  }
0x1b4: {  	[sflag:s7] =	ssyncadd.s32 $0xFFFFF800  }
0x1b5: {  	_ =	swait.ge [sflag:s21], $0x2000  }
0x1b6: {  	[sflag:s21] =	ssyncset.done $0x0  }
0x1b7: {  	[sflag:s21] =	ssyncadd.s32 $0xFFFFE000  }
0x1b8: {  	_ =	swait.ge [sflag:s21], $0x2000  }
0x1b9: {  	[sflag:s21] =	ssyncset.done $0x0  }
0x1ba: {  	[sflag:s21] =	ssyncadd.s32 $0xFFFFE000  }
0x1bb: {  	_ =	swait.ge [sflag:s21], $0x1000  }
0x1bc: {  	[sflag:s21] =	ssyncset.done $0x0  }
0x1bd: {  	s13 =	sadd.s32 $0xFFFFEBF8, s25;
	[sflag:s21] =	ssyncadd.s32 $0xFFFFF000  }
0x1be: {  	[hbm4b:s13+s9] =	stream.strided.scatter [tilespmem:s31], [sflag:$0x3], $0x1400, s22, s9, $0x38;
	[tilespmem:$0x1B420] =	vst v63  }
0x1bf: {  	s15 =	sadd.s32 $0xFFFFEBFA, s25  }
0x1c0: {  	[hbm4b:s15+s9] =	stream.strided.scatter [tilespmem:s30], [sflag:$0x3], $0x1400, s22, s9, $0x38;
	[tilespmem:$0x1B420] =	vst v63  }
0x1c1: {  	s5 =	sadd.s32 $0xFFFFEBFC, s25  }
0x1c2: {  	[hbm4b:s5+s10] =	stream.strided.scatter [tilespmem:s16], [sflag:$0x3], $0x2800, s22, s10, $0x38;
	[tilespmem:$0x1B420] =	vst v63  }
0x1c3: {  	s13 =	sadd.s32 $0xFFFFEC00, s25  }
0x1c4: {  	[hbm4b:s13+s29] =	stream.strided.scatter [tilespmem:s23], [sflag:$0x3], $0x5000, s22, s29, $0x38;
	[tilespmem:$0x1B420] =	vst v63  }
0x1c5: {  	_ =	swait.ge [sflag:s11], $0x1400  }
0x1c6: {  	[sflag:s11] =	ssyncset.done $0x0  }
0x1c7: {  	[sflag:s11] =	ssyncadd.s32 $0xFFFFEC00  }
0x1c8: {  	_ =	swait.ge [sflag:s11], $0x1400  }
0x1c9: {  	[sflag:s11] =	ssyncset.done $0x0  }
0x1ca: {  	[sflag:s11] =	ssyncadd.s32 $0xFFFFEC00  }
0x1cb: {  	_ =	swait.ge [sflag:s11], $0x2800  }
0x1cc: {  	[sflag:s11] =	ssyncset.done $0x0  }
0x1cd: {  	[sflag:s11] =	ssyncadd.s32 $0xFFFFD800  }
0x1ce: {  	p3 =	seq.s32 s6, $0x2800;
	_ =	swait.ge [sflag:s11], $0x5000  }
0x1cf: {  	s18 =	sshra.s32 @!p3 s6, $0x2;
	s15 =	simm.s32 @!p3 $0x80;
	[sflag:s11] =	ssyncset.done $0x0  }
0x1d0: {  	s5 =	simm.s32 @!p3 $0x8200;
	s13 =	sadd.s32 @!p3 $0x2800, s18;
	[sflag:s11] =	ssyncadd.s32 $0xFFFFB000  }
0x1d1: {  	[tilespmem:s5], [sflag:$0x1] =	stream.indirect.gather @!p3 [hbm4b:s8+s15], $0x40, s13, s15, $0xb8;
	[tilespmem:$0x1B420] =	vst v63  }
0x1d2: {  	s5 =	sadd.s32 @!p3 $0x2880, s18;
	s13 =	simm.s32 @!p3 $0xA200  }
0x1d3: {  	[tilespmem:s13], [sflag:$0x1] =	stream.indirect.gather @!p3 [hbm4b:s8+s15], $0x40, s5, s15, $0xb8;
	[tilespmem:$0x1B420] =	vst v63  }
0x1d4: {  	s5 =	sadd.s32 @!p3 $0x2900, s18;
	s13 =	simm.s32 @!p3 $0x40;
	s15 =	simm.s32 @!p3 $0xC200  }
0x1d5: {  	[tilespmem:s15], [sflag:$0x1] =	stream.indirect.gather @!p3 [hbm4b:s8+s13], $0x40, s5, s13, $0xb8;
	[tilespmem:$0x1B420] =	vst v63  }
0x1d6: {  	s15 =	sadd.s32 $0x140, s14  }
0x1d7: {  	[tilespmem:s24], [sflag:$0x5] =	stream.indirect.gather [spmem:s4], $0x10, s15, s22, $0xb8;
	[tilespmem:$0x1B420] =	vst v63  }
0x1d8: {  	s18 =	sadd.s32 $0xDC0, s14  }
0x1d9: {  	[tilespmem:s28], [sflag:$0x5] =	stream.indirect.gather [spmem:s3], $0x10, s18, s22, $0xb8;
	[tilespmem:$0x1B420] =	vst v63  }
0x1da: {  	s13 =	sadd.s32 $0x1A40, s14  }
0x1db: {  	[tilespmem:s20], [sflag:$0x5] =	stream.indirect.gather [spmem:s1], $0x20, s13, s22, $0xb8;
	[tilespmem:$0x1B420] =	vst v63  }
0x1dc: {  	s15 =	sadd.s32 $0x1C0, s14;
	s18 =	simm.s32 $0xDA00  }
0x1dd: {  	[tilespmem:s18], [sflag:$0x5] =	stream.indirect.gather [spmem:s4], $0x10, s15, s22, $0xb8;
	[tilespmem:$0x1B420] =	vst v63  }
0x1de: {  	s15 =	sadd.s32 $0xE40, s14;
	s18 =	simm.s32 $0xEE00  }
0x1df: {  	[tilespmem:s18], [sflag:$0x5] =	stream.indirect.gather [spmem:s3], $0x10, s15, s22, $0xb8;
	[tilespmem:$0x1B420] =	vst v63  }
0x1e0: {  	s15 =	sadd.s32 $0x1AC0, s14;
	s18 =	simm.s32 $0x10A00  }
0x1e1: {  	[tilespmem:s18], [sflag:$0x5] =	stream.indirect.gather [spmem:s1], $0x20, s15, s22, $0xb8;
	[tilespmem:$0x1B420] =	vst v63  }
0x1e2: {  	s15 =	sadd.s32 $0x240, s14;
	s18 =	simm.s32 $0xE200  }
0x1e3: {  	[tilespmem:s18], [sflag:$0x5] =	stream.indirect.gather [spmem:s4], $0x10, s15, s29, $0xb8;
	[tilespmem:$0x1B420] =	vst v63  }
0x1e4: {  	s15 =	sadd.s32 $0xEC0, s14;
	s18 =	simm.s32 $0xF600  }
0x1e5: {  	[tilespmem:s18], [sflag:$0x5] =	stream.indirect.gather [spmem:s3], $0x10, s15, s29, $0xb8;
	[tilespmem:$0x1B420] =	vst v63  }
0x1e6: {  	s15 =	sadd.s32 $0x1B40, s14;
	s18 =	simm.s32 $0x11A00  }
0x1e7: {  	[tilespmem:s18], [sflag:$0x5] =	stream.indirect.gather [spmem:s1], $0x20, s15, s29, $0xb8;
	[tilespmem:$0x1B420] =	vst v63  }
0x1e8: {  	_ =	swait.ge [sflag:s7], $0x800  }
0x1e9: {  	[sflag:s7] =	ssyncset.done $0x0  }
0x1ea: {  	[sflag:s7] =	ssyncadd.s32 $0xFFFFF800  }
0x1eb: {  	_ =	swait.ge [sflag:s7], $0x800  }
0x1ec: {  	[sflag:s7] =	ssyncset.done $0x0  }
0x1ed: {  	[sflag:s7] =	ssyncadd.s32 $0xFFFFF800  }
0x1ee: {  	_ =	swait.ge [sflag:s7], $0x1000  }
0x1ef: {  	[sflag:s7] =	ssyncset.done $0x0  }
0x1f0: {  	[sflag:s7] =	ssyncadd.s32 $0xFFFFF000  }
0x1f1: {  	_ =	swait.ge [sflag:s7], $0x800  }
0x1f2: {  	[sflag:s7] =	ssyncset.done $0x0  }
0x1f3: {  	[sflag:s7] =	ssyncadd.s32 $0xFFFFF800  }
0x1f4: {  	_ =	swait.ge [sflag:s7], $0x800  }
0x1f5: {  	[sflag:s7] =	ssyncset.done $0x0  }
0x1f6: {  	[sflag:s7] =	ssyncadd.s32 $0xFFFFF800  }
0x1f7: {  	_ =	swait.ge [sflag:s7], $0x1000  }
0x1f8: {  	[sflag:s7] =	ssyncset.done $0x0  }
0x1f9: {  	[sflag:s7] =	ssyncadd.s32 $0xFFFFF000  }
0x1fa: {  	_ =	swait.ge [sflag:s7], $0x400  }
0x1fb: {  	[sflag:s7] =	ssyncset.done $0x0  }
0x1fc: {  	[sflag:s7] =	ssyncadd.s32 $0xFFFFFC00  }
0x1fd: {  	_ =	swait.ge [sflag:s7], $0x400  }
0x1fe: {  	[sflag:s7] =	ssyncset.done $0x0  }
0x1ff: {  	[sflag:s7] =	ssyncadd.s32 $0xFFFFFC00  }
0x200: {  	_ =	swait.ge [sflag:s7], $0x800  }
0x201: {  	[sflag:s7] =	ssyncset.done $0x0  }
0x202: {  	[sflag:s7] =	ssyncadd.s32 $0xFFFFF800  }
0x203: {  	_ =	swait.ge [sflag:s19], $0x2000  }
0x204: {  	[sflag:s19] =	ssyncset.done $0x0  }
0x205: {  	[sflag:s19] =	ssyncadd.s32 $0xFFFFE000  }
0x206: {  	_ =	swait.ge [sflag:s19], $0x2000  }
0x207: {  	[sflag:s19] =	ssyncset.done $0x0  }
0x208: {  	[sflag:s19] =	ssyncadd.s32 $0xFFFFE000  }
0x209: {  	_ =	swait.ge [sflag:s19], $0x1000  }
0x20a: {  	[sflag:s19] =	ssyncset.done $0x0  }
0x20b: {  	s13 =	sadd.s32 $0xFFFFFFF8, s25;
	[sflag:s19] =	ssyncadd.s32 $0xFFFFF000  }
0x20c: {  	[hbm4b:s13+s9] =	stream.strided.scatter [tilespmem:s24], [sflag:$0x4], $0x1400, s22, s9, $0x38;
	[tilespmem:$0x1B420] =	vst v63  }
0x20d: {  	s15 =	sadd.s32 $0xFFFFFFFA, s25  }
0x20e: {  	[hbm4b:s15+s9] =	stream.strided.scatter [tilespmem:s28], [sflag:$0x4], $0x1400, s22, s9, $0x38;
	[tilespmem:$0x1B420] =	vst v63  }
0x20f: {  	s18 =	sadd.s32 $0xFFFFFFFC, s25  }
0x210: {  	[hbm4b:s18+s10] =	stream.strided.scatter [tilespmem:s20], [sflag:$0x4], $0x2800, s22, s10, $0x38;
	[tilespmem:$0x1B420] =	vst v63  }
0x211: {  	_ = 	snop  }
0x212: {  	[hbm4b:s25+s29] =	stream.strided.scatter [tilespmem:s2], [sflag:$0x4], $0x5000, s22, s29, $0x38;
	[tilespmem:$0x1B420] =	vst v63  }
0x213: {  	_ =	swait.ge [sflag:s26], $0x1400  }
0x214: {  	[sflag:s26] =	ssyncset.done $0x0  }
0x215: {  	[sflag:s26] =	ssyncadd.s32 $0xFFFFEC00  }
0x216: {  	_ =	swait.ge [sflag:s26], $0x1400  }
0x217: {  	[sflag:s26] =	ssyncset.done $0x0  }
0x218: {  	[sflag:s26] =	ssyncadd.s32 $0xFFFFEC00  }
0x219: {  	_ =	swait.ge [sflag:s26], $0x2800  }
.Ltmp6:
0x21a: {  	[sflag:s26] =	ssyncset.done $0x0;
	(pc) =	sbr.rel @p3 .LBB2_10-.Ltmp6, $4  }
0x21b: {  	[sflag:s26] =	ssyncadd.s32 $0xFFFFD800  }
0x21c: {  	_ =	swait.ge [sflag:s26], $0x5000  }
0x21d: {  	[sflag:s26] =	ssyncset.done $0x0  }
0x21e: {  	[sflag:s26] =	ssyncadd.s32 $0xFFFFB000  }
0x21f: {  	s5 =	sadd.s32 $0x2940, s14  }
0x220: {  	[tilespmem:s2], [sflag:$0x2] =	stream.indirect.gather [hbm4b:s8+s22], $0x40, s5, s22, $0xb8;
	[tilespmem:$0x1B420] =	vst v63  }
.Ltmp7:
0x221: {  	_ = 	snop;
	(pc) =	sbr.rel .LBB2_5-.Ltmp7, $4  }
0x222: {  	s18 =	sadd.s32 $0x29C0, s14;
	s13 =	simm.s32 $0x14200;
	s15 =	sadd.s32 $0x2A40, s14  }
0x223: {  	[tilespmem:s13], [sflag:$0x2] =	stream.indirect.gather [hbm4b:s8+s22], $0x40, s18, s22, $0xb8;
	[tilespmem:$0x1B420] =	vst v63  }
0x224: {  	s6 =	sadd.s32 $0xA00, s6;
	s25 =	sadd.s32 $0x2800, s25;
	s18 =	simm.s32 $0x16200  }
0x225: {  	[tilespmem:s18], [sflag:$0x2] =	stream.indirect.gather [hbm4b:s8+s29], $0x40, s15, s29, $0xb8;
	[tilespmem:$0x1B420] =	vst v63  }
.LBB2_11:
0x226: {  	_ =	sfence.sel $0x180000  }
0x227: {  	[bflag:$0x0] =	sbarrier.arrive $0xFFFF  }
0x228: {  	_ =	strace $0x90000047  }
0x229: {  	s0 =	stileid.u32;
	[bflag:$0x2] =	sbarrier.arrive $0xFFFF  }
0x22a: {  	p0 =	sne.s32 s0, $0x0;
	s0 =	rddreg [dreg:$0x5]  }
0x22b: {  	s0 =	sadd.s32 @!p0 $0x100000, s0  }
0x22c: {  	[sflag:s0] =	ssyncadd.tile.s32 @!p0 $0x1;
	_ =	shalt  }
.Lfunc_end2:
_tile_overlayer_lowered:
.L_overlay_start_2:
0x22d: {  	(tag) =	ssettag $0x2  }
0x22e: {  	s0 =	rddreg [dreg:$0x0];
	s2 =	stileid.u32  }
0x22f: {  	s1 =	rddreg [dreg:$0x1];
	p0 =	sne.s32 s2, $0x0  }
0x230: {  	s3 =	rddreg [dreg:$0x2];
	[bflag:$0x3] =	sbarrier.arrive $0xFFFF;
	s2 =	simm.s32 @!p0 $0x1C06  }
0x231: {  	[timem:s3], [sflag:s2] =	dma.local @!p0 [hbm:s0], s1  }
0x232: {  	s0 =	simm.s32 @!p0 $0x6  }
0x233: {  	_ =	swait.ge @!p0 [sflag:s0], s1  }
0x234: {  	s1 =	ssub.s32 @!p0 $0x0, s1;
	[sflag:s0] =	ssyncset.done @!p0 $0x0  }
0x235: {  	[sflag:s0] =	ssyncadd.s32 @!p0 s1  }
0x236: {  	[bflag:$0x3] =	sbarrier.arrive $0xFFFF  }
0x237: {  	_ =	shalt  }

</sc_bundles>
